<compile_context>
chip_gen: v7x
topology: tpu7x:2x2x1
jax: 0.10.2.dev20260603
libtpu: 0.0.44.dev20260713+nightly
codegen_flags: <defaults>
</compile_context>

<pallas_src>
import functools

import jax
import jax.numpy as jnp
from jax import lax
from jax.experimental import pallas as pl
from jax.experimental.pallas import tpu as pltpu
from jax.experimental.pallas import tpu_sc as plsc

_N = 10000
_E = 320000
_D = 128
_NC = 2
_NS = 16
_NW = _NC * _NS
_CB = 128
_CH = 80
_EPW = _CH * _CB
_EP = _NW * _EPW
_NP = 10240
_TPT = _NP // _NS
_ZC = 128
_CH0 = 152
_CH1 = 8


def _sc_mesh():
    return plsc.VectorSubcoreMesh(core_axis_name="c", subcore_axis_name="s")


def _sc_agg_body(table, srcs, dsts, zrows, p_out,
                 src_a, dst_a, src_b, dst_b, rows_a, rows_b, acc,
                 sem_a, sem_b):
    c = lax.axis_index("c")
    s = lax.axis_index("s")
    base = s * _TPT
    nch = lax.select(c == 0, _CH0, _CH1)
    first = lax.select(c == 0, s * _CH0, _NS * _CH0 + s * _CH1)

    pltpu.sync_copy(zrows, rows_a)
    for k in range(_TPT // _ZC):
        pltpu.sync_copy(rows_a, acc.at[pl.ds(base + k * _ZC, _ZC)])
    plsc.subcore_barrier()

    e0 = first * _CB
    pltpu.sync_copy(srcs.at[pl.ds(e0, _CB)], src_a)
    pltpu.sync_copy(dsts.at[pl.ds(e0, _CB)], dst_a)
    pltpu.async_copy(table.at[src_a], rows_a, sem_a)
    pltpu.sync_copy(srcs.at[pl.ds(e0 + _CB, _CB)], src_b)
    pltpu.sync_copy(dsts.at[pl.ds(e0 + _CB, _CB)], dst_b)
    pltpu.async_copy(table.at[src_b], rows_b, sem_b)

    def pair(i, carry):
        pltpu.make_async_copy(table.at[src_a], rows_a, sem_a).wait()
        pltpu.sync_copy(rows_a, acc.at[dst_a], add=True)

        @pl.when(i < nch // 2 - 1)
        def _():
            e = e0 + (2 * i + 2) * _CB
            pltpu.sync_copy(srcs.at[pl.ds(e, _CB)], src_a)
            pltpu.sync_copy(dsts.at[pl.ds(e, _CB)], dst_a)
            pltpu.async_copy(table.at[src_a], rows_a, sem_a)

        pltpu.make_async_copy(table.at[src_b], rows_b, sem_b).wait()
        pltpu.sync_copy(rows_b, acc.at[dst_b], add=True)

        @pl.when(i < nch // 2 - 1)
        def _():
            e = e0 + (2 * i + 3) * _CB
            pltpu.sync_copy(srcs.at[pl.ds(e, _CB)], src_b)
            pltpu.sync_copy(dsts.at[pl.ds(e, _CB)], dst_b)
            pltpu.async_copy(table.at[src_b], rows_b, sem_b)
        return carry
    lax.fori_loop(0, nch // 2, pair, 0)
    plsc.subcore_barrier()

    for k in range(_TPT // _ZC):
        r = base + k * _ZC
        pltpu.sync_copy(acc.at[pl.ds(r, _ZC)], rows_a)
        pltpu.sync_copy(rows_a, p_out.at[c, pl.ds(r, _ZC)])


_sc_agg = pl.kernel(
    _sc_agg_body,
    out_type=[jax.ShapeDtypeStruct((_NC, _NP, _D), jnp.float32)],
    mesh=_sc_mesh(),
    scratch_types=[
        pltpu.VMEM((_CB,), jnp.int32),
        pltpu.VMEM((_CB,), jnp.int32),
        pltpu.VMEM((_CB,), jnp.int32),
        pltpu.VMEM((_CB,), jnp.int32),
        pltpu.VMEM((_CB, _D), jnp.float32),
        pltpu.VMEM((_CB, _D), jnp.float32),
        pltpu.VMEM_SHARED((_NP, _D), jnp.float32),
        pltpu.SemaphoreType.DMA,
        pltpu.SemaphoreType.DMA,
    ],
)


def _sc_counts_body(dsts, onesc, zrows, c_out, dst_v, ones_v, rows_v, cacc):
    c = lax.axis_index("c")
    s = lax.axis_index("s")
    w = c * _NS + s
    base = s * _TPT

    pltpu.sync_copy(onesc, ones_v)
    pltpu.sync_copy(zrows, rows_v)
    for k in range(_TPT // _ZC):
        pltpu.sync_copy(rows_v, cacc.at[pl.ds(base + k * _ZC, _ZC)])
    plsc.subcore_barrier()

    def step(j, carry):
        e = (w * _CH + j) * _CB
        pltpu.sync_copy(dsts.at[pl.ds(e, _CB)], dst_v)
        pltpu.sync_copy(ones_v, cacc.at[dst_v], add=True)
        return carry
    lax.fori_loop(0, _CH, step, 0)
    plsc.subcore_barrier()

    for k in range(_TPT // _ZC):
        r = base + k * _ZC
        pltpu.sync_copy(cacc.at[pl.ds(r, _ZC)], rows_v)
        pltpu.sync_copy(rows_v, c_out.at[c, pl.ds(r, _ZC)])


_sc_counts = pl.kernel(
    _sc_counts_body,
    out_type=[jax.ShapeDtypeStruct((_NC, _NP, _D), jnp.float32)],
    mesh=_sc_mesh(),
    scratch_types=[
        pltpu.VMEM((_CB,), jnp.int32),
        pltpu.VMEM((_CB, _D), jnp.float32),
        pltpu.VMEM((_ZC, _D), jnp.float32),
        pltpu.VMEM_SHARED((_NP, _D), jnp.float32),
    ],
)

_BR = 1000


def _tc_body(p_ref, c_ref, x_ref, wl_ref, bl_ref, wr_ref, o_ref, *, relu):
    agg = p_ref[0] + p_ref[1]
    cnt = c_ref[0, :, 0:1] + c_ref[1, :, 0:1]
    mean = agg * (1.0 / jnp.maximum(cnt, 1.0))
    acc = lax.dot_general(mean, wl_ref[...], (((1,), (1,)), ((), ())),
                          preferred_element_type=jnp.float32)
    acc = acc + lax.dot_general(x_ref[...], wr_ref[...],
                                (((1,), (1,)), ((), ())),
                                preferred_element_type=jnp.float32)
    acc = acc + bl_ref[...]
    o_ref[...] = jnp.maximum(acc, 0.0) if relu else acc


def _tc_dense(p, c, x, w_l, b_l, w_r, relu):
    return pl.pallas_call(
        functools.partial(_tc_body, relu=relu),
        grid=(_N // _BR,),
        in_specs=[
            pl.BlockSpec((_NC, _BR, _D), lambda i: (0, i, 0)),
            pl.BlockSpec((_NC, _BR, _D), lambda i: (0, i, 0)),
            pl.BlockSpec((_BR, _D), lambda i: (i, 0)),
            pl.BlockSpec((_D, _D), lambda i: (0, 0)),
            pl.BlockSpec((1, _D), lambda i: (0, 0)),
            pl.BlockSpec((_D, _D), lambda i: (0, 0)),
        ],
        out_specs=pl.BlockSpec((_BR, _D), lambda i: (i, 0)),
        out_shape=jax.ShapeDtypeStruct((_N, _D), jnp.float32),
    )(p, c, x, w_l, b_l.reshape(1, _D), w_r)


def kernel(x, edge_index, W1_l, b1_l, W1_r, W2_l, b2_l, W2_r):
    src = edge_index[0].astype(jnp.int32)
    dst = edge_index[1].astype(jnp.int32)
    pad = _EP - _E
    src_p = jnp.concatenate([src, jnp.zeros((pad,), jnp.int32)])
    dst_p = jnp.concatenate([dst, jnp.full((pad,), _N, jnp.int32)])
    zrows = jnp.zeros((_CB, _D), jnp.float32)
    onesc = jnp.ones((_CB, _D), jnp.float32)

    c1, = _sc_counts(dst_p, onesc, zrows)
    p1, = _sc_agg(x, src_p, dst_p, zrows)
    h = _tc_dense(p1, c1, x, W1_l, b1_l, W1_r, relu=True)
    p2, = _sc_agg(h, src_p, dst_p, zrows)
    return _tc_dense(p2, c1, h, W2_l, b2_l, W2_r, relu=False)

# --- scband reference (transcript-rebuilt; emitter-appended) ---
"""Pipeline reference for scband-graph-sage-34342558499454 (READ-ONLY COPY).

The authoritative reference and input builder live on the scoring server;
editing this copy changes nothing except your own understanding.
"""

import jax, jax.numpy as jnp
import numpy as np

N = 10000
E = 320000
D_IN = 128
D_HID = 128
D_OUT = 128


def _sage_conv(x, edge_index, W_l, b_l, W_r, num_nodes):
    # PyG SAGEConv (mean aggregation, root_weight=True):
    #   out = lin_l(mean_{j in N(i)} x_j) + lin_r(x_i)
    src = edge_index[0]
    dst = edge_index[1]
    msgs = jnp.take(x, src, axis=0)                          # gather  [E, d]
    summed = jax.ops.segment_sum(msgs, dst, num_segments=num_nodes)   # scatter-add
    counts = jax.ops.segment_sum(jnp.ones((msgs.shape[0],), dtype=x.dtype), dst,
                                 num_segments=num_nodes)
    mean = summed / jnp.clip(counts, 1.0, None)[:, None]
    return mean @ W_l.T + b_l + x @ W_r.T


def setup_inputs(seed: int = 0) -> dict:
    key = jax.random.key(seed)
    ks = jax.random.split(key, 8)
    x = jax.random.normal(ks[0], (N, D_IN), dtype=jnp.float32)
    edge_index = jax.random.randint(ks[1], (2, E), 0, N)
    s1 = 1.0 / np.sqrt(D_IN)
    s2 = 1.0 / np.sqrt(D_HID)
    W1_l = jax.random.normal(ks[2], (D_HID, D_IN), dtype=jnp.float32) * s1
    b1_l = jnp.zeros((D_HID,), dtype=jnp.float32)
    W1_r = jax.random.normal(ks[3], (D_HID, D_IN), dtype=jnp.float32) * s1
    W2_l = jax.random.normal(ks[4], (D_OUT, D_HID), dtype=jnp.float32) * s2
    b2_l = jnp.zeros((D_OUT,), dtype=jnp.float32)
    W2_r = jax.random.normal(ks[5], (D_OUT, D_HID), dtype=jnp.float32) * s2
    return {"x": x, "edge_index": edge_index,
            "W1_l": W1_l, "b1_l": b1_l, "W1_r": W1_r,
            "W2_l": W2_l, "b2_l": b2_l, "W2_r": W2_r}


def reference(x, edge_index, W1_l, b1_l, W1_r, W2_l, b2_l, W2_r):
    h = _sage_conv(x, edge_index, W1_l, b1_l, W1_r, N)
    h = jax.nn.relu(h)
    out = _sage_conv(h, edge_index, W2_l, b2_l, W2_r, N)
    return out

if __name__ == "__main__":
    import jax
    _d = setup_inputs()
    print(jax.jit(kernel)(*tuple(_d.values())))

</pallas_src>

<mosaic_0001>
#map = affine_map<(d0, d1) -> (0)>
#map1 = affine_map<(d0, d1) -> (0, 0)>
#map2 = affine_map<(d0, d1) -> (0, 0, 0)>
module attributes {stable_mosaic.version = 14 : i64} {
  func.func @_sc_counts_body(%arg0: i32, %arg1: i32, %arg2: memref<327680xi32, #tpu.memory_space<hbm>>, %arg3: memref<128x128xf32, #tpu.memory_space<hbm>>, %arg4: memref<128x128xf32, #tpu.memory_space<hbm>>, %arg5: memref<2x10240x128xf32, #tpu.memory_space<hbm>>, %arg6: memref<128xi32, #tpu.memory_space<vmem>>, %arg7: memref<128x128xf32, #tpu.memory_space<vmem>>, %arg8: memref<128x128xf32, #tpu.memory_space<vmem>>, %arg9: memref<10240x128xf32, #tpu.memory_space<vmem_shared>>) attributes {dimension_semantics = [#tpu.dimension_semantics<core_parallel>, #tpu.dimension_semantics<subcore_parallel>], iteration_bounds = array<i64: 2, 16>, scalar_prefetch = 0 : i64, scratch_operands = 4 : i64, tpu.core_type = #tpu.core_type<sc_vector_subcore>, window_params = [{transform_indices = #map}, {transform_indices = #map1}, {transform_indices = #map1}, {transform_indices = #map2}]} {
    %mul3A = arith.constant 16 : i32
    %mul3A_0 = arith.muli %arg0, %mul3A : i32
    %add3A = arith.addi %mul3A_0, %arg1 : i32
    %mul3A_1 = arith.constant 640 : i32
    %mul3A_2 = arith.muli %arg1, %mul3A_1 : i32
    "tpu.region"() ({
      %run_scoped3A = tpu.sem_alloc : memref<!tpu.dma_semaphore, #tpu.memory_space<semaphore_mem>>
      tpu.enqueue_dma source(%arg3 : memref<128x128xf32, #tpu.memory_space<hbm>>) target(%arg7 : memref<128x128xf32, #tpu.memory_space<vmem>>) target_semaphore(%run_scoped3A : memref<!tpu.dma_semaphore, #tpu.memory_space<semaphore_mem>>)
      tpu.wait_dma2 semaphore(%run_scoped3A : memref<!tpu.dma_semaphore, #tpu.memory_space<semaphore_mem>>) src(%arg3 : memref<128x128xf32, #tpu.memory_space<hbm>>) dst(%arg7 : memref<128x128xf32, #tpu.memory_space<vmem>>)
      tpu.yield
    }) : () -> ()
    "tpu.region"() ({
      %run_scoped3A = tpu.sem_alloc : memref<!tpu.dma_semaphore, #tpu.memory_space<semaphore_mem>>
      tpu.enqueue_dma source(%arg4 : memref<128x128xf32, #tpu.memory_space<hbm>>) target(%arg8 : memref<128x128xf32, #tpu.memory_space<vmem>>) target_semaphore(%run_scoped3A : memref<!tpu.dma_semaphore, #tpu.memory_space<semaphore_mem>>)
      tpu.wait_dma2 semaphore(%run_scoped3A : memref<!tpu.dma_semaphore, #tpu.memory_space<semaphore_mem>>) src(%arg4 : memref<128x128xf32, #tpu.memory_space<hbm>>) dst(%arg8 : memref<128x128xf32, #tpu.memory_space<vmem>>)
      tpu.yield
    }) : () -> ()
    %add3A_3 = arith.constant 0 : i32
    %add3A_4 = arith.addi %mul3A_2, %add3A_3 : i32
    "tpu.region"() ({
      %run_scoped3A = tpu.sem_alloc : memref<!tpu.dma_semaphore, #tpu.memory_space<semaphore_mem>>
      %dma_start3A = arith.constant 0 : i32
      %dma_start3A_29 = tpu.memref_slice %arg9[%add3A_4, %dma_start3A] : memref<10240x128xf32, #tpu.memory_space<vmem_shared>> -> memref<128x128xf32, #tpu.memory_space<vmem_shared>>
      %dma_start3A_30 = arith.constant 0 : i32
      %dma_start3A_31 = tpu.memref_slice %arg9[%add3A_4, %dma_start3A_30] : memref<10240x128xf32, #tpu.memory_space<vmem_shared>> -> memref<128x128xf32, #tpu.memory_space<vmem_shared>>
      tpu.enqueue_dma source(%arg8 : memref<128x128xf32, #tpu.memory_space<vmem>>) target(%dma_start3A_31 : memref<128x128xf32, #tpu.memory_space<vmem_shared>>) target_semaphore(%run_scoped3A : memref<!tpu.dma_semaphore, #tpu.memory_space<semaphore_mem>>)
      %dma_wait3A = arith.constant 0 : i32
      %dma_wait3A_32 = tpu.memref_slice %arg9[%add3A_4, %dma_wait3A] : memref<10240x128xf32, #tpu.memory_space<vmem_shared>> -> memref<128x128xf32, #tpu.memory_space<vmem_shared>>
      %dma_wait3A_33 = arith.constant 0 : i32
      %dma_wait3A_34 = tpu.memref_slice %arg9[%add3A_4, %dma_wait3A_33] : memref<10240x128xf32, #tpu.memory_space<vmem_shared>> -> memref<128x128xf32, #tpu.memory_space<vmem_shared>>
      tpu.wait_dma2 semaphore(%run_scoped3A : memref<!tpu.dma_semaphore, #tpu.memory_space<semaphore_mem>>) src(%arg8 : memref<128x128xf32, #tpu.memory_space<vmem>>) dst(%dma_wait3A_34 : memref<128x128xf32, #tpu.memory_space<vmem_shared>>)
      tpu.yield
    }) : () -> ()
    %add3A_5 = arith.constant 128 : i32
    %add3A_6 = arith.addi %mul3A_2, %add3A_5 : i32
    "tpu.region"() ({
      %run_scoped3A = tpu.sem_alloc : memref<!tpu.dma_semaphore, #tpu.memory_space<semaphore_mem>>
      %dma_start3A = arith.constant 0 : i32
      %dma_start3A_29 = tpu.memref_slice %arg9[%add3A_6, %dma_start3A] : memref<10240x128xf32, #tpu.memory_space<vmem_shared>> -> memref<128x128xf32, #tpu.memory_space<vmem_shared>>
      %dma_start3A_30 = arith.constant 0 : i32
      %dma_start3A_31 = tpu.memref_slice %arg9[%add3A_6, %dma_start3A_30] : memref<10240x128xf32, #tpu.memory_space<vmem_shared>> -> memref<128x128xf32, #tpu.memory_space<vmem_shared>>
      tpu.enqueue_dma source(%arg8 : memref<128x128xf32, #tpu.memory_space<vmem>>) target(%dma_start3A_31 : memref<128x128xf32, #tpu.memory_space<vmem_shared>>) target_semaphore(%run_scoped3A : memref<!tpu.dma_semaphore, #tpu.memory_space<semaphore_mem>>)
      %dma_wait3A = arith.constant 0 : i32
      %dma_wait3A_32 = tpu.memref_slice %arg9[%add3A_6, %dma_wait3A] : memref<10240x128xf32, #tpu.memory_space<vmem_shared>> -> memref<128x128xf32, #tpu.memory_space<vmem_shared>>
      %dma_wait3A_33 = arith.constant 0 : i32
      %dma_wait3A_34 = tpu.memref_slice %arg9[%add3A_6, %dma_wait3A_33] : memref<10240x128xf32, #tpu.memory_space<vmem_shared>> -> memref<128x128xf32, #tpu.memory_space<vmem_shared>>
      tpu.wait_dma2 semaphore(%run_scoped3A : memref<!tpu.dma_semaphore, #tpu.memory_space<semaphore_mem>>) src(%arg8 : memref<128x128xf32, #tpu.memory_space<vmem>>) dst(%dma_wait3A_34 : memref<128x128xf32, #tpu.memory_space<vmem_shared>>)
      tpu.yield
    }) : () -> ()
    %add3A_7 = arith.constant 256 : i32
    %add3A_8 = arith.addi %mul3A_2, %add3A_7 : i32
    "tpu.region"() ({
      %run_scoped3A = tpu.sem_alloc : memref<!tpu.dma_semaphore, #tpu.memory_space<semaphore_mem>>
      %dma_start3A = arith.constant 0 : i32
      %dma_start3A_29 = tpu.memref_slice %arg9[%add3A_8, %dma_start3A] : memref<10240x128xf32, #tpu.memory_space<vmem_shared>> -> memref<128x128xf32, #tpu.memory_space<vmem_shared>>
      %dma_start3A_30 = arith.constant 0 : i32
      %dma_start3A_31 = tpu.memref_slice %arg9[%add3A_8, %dma_start3A_30] : memref<10240x128xf32, #tpu.memory_space<vmem_shared>> -> memref<128x128xf32, #tpu.memory_space<vmem_shared>>
      tpu.enqueue_dma source(%arg8 : memref<128x128xf32, #tpu.memory_space<vmem>>) target(%dma_start3A_31 : memref<128x128xf32, #tpu.memory_space<vmem_shared>>) target_semaphore(%run_scoped3A : memref<!tpu.dma_semaphore, #tpu.memory_space<semaphore_mem>>)
      %dma_wait3A = arith.constant 0 : i32
      %dma_wait3A_32 = tpu.memref_slice %arg9[%add3A_8, %dma_wait3A] : memref<10240x128xf32, #tpu.memory_space<vmem_shared>> -> memref<128x128xf32, #tpu.memory_space<vmem_shared>>
      %dma_wait3A_33 = arith.constant 0 : i32
      %dma_wait3A_34 = tpu.memref_slice %arg9[%add3A_8, %dma_wait3A_33] : memref<10240x128xf32, #tpu.memory_space<vmem_shared>> -> memref<128x128xf32, #tpu.memory_space<vmem_shared>>
      tpu.wait_dma2 semaphore(%run_scoped3A : memref<!tpu.dma_semaphore, #tpu.memory_space<semaphore_mem>>) src(%arg8 : memref<128x128xf32, #tpu.memory_space<vmem>>) dst(%dma_wait3A_34 : memref<128x128xf32, #tpu.memory_space<vmem_shared>>)
      tpu.yield
    }) : () -> ()
    %add3A_9 = arith.constant 384 : i32
    %add3A_10 = arith.addi %mul3A_2, %add3A_9 : i32
    "tpu.region"() ({
      %run_scoped3A = tpu.sem_alloc : memref<!tpu.dma_semaphore, #tpu.memory_space<semaphore_mem>>
      %dma_start3A = arith.constant 0 : i32
      %dma_start3A_29 = tpu.memref_slice %arg9[%add3A_10, %dma_start3A] : memref<10240x128xf32, #tpu.memory_space<vmem_shared>> -> memref<128x128xf32, #tpu.memory_space<vmem_shared>>
      %dma_start3A_30 = arith.constant 0 : i32
      %dma_start3A_31 = tpu.memref_slice %arg9[%add3A_10, %dma_start3A_30] : memref<10240x128xf32, #tpu.memory_space<vmem_shared>> -> memref<128x128xf32, #tpu.memory_space<vmem_shared>>
      tpu.enqueue_dma source(%arg8 : memref<128x128xf32, #tpu.memory_space<vmem>>) target(%dma_start3A_31 : memref<128x128xf32, #tpu.memory_space<vmem_shared>>) target_semaphore(%run_scoped3A : memref<!tpu.dma_semaphore, #tpu.memory_space<semaphore_mem>>)
      %dma_wait3A = arith.constant 0 : i32
      %dma_wait3A_32 = tpu.memref_slice %arg9[%add3A_10, %dma_wait3A] : memref<10240x128xf32, #tpu.memory_space<vmem_shared>> -> memref<128x128xf32, #tpu.memory_space<vmem_shared>>
      %dma_wait3A_33 = arith.constant 0 : i32
      %dma_wait3A_34 = tpu.memref_slice %arg9[%add3A_10, %dma_wait3A_33] : memref<10240x128xf32, #tpu.memory_space<vmem_shared>> -> memref<128x128xf32, #tpu.memory_space<vmem_shared>>
      tpu.wait_dma2 semaphore(%run_scoped3A : memref<!tpu.dma_semaphore, #tpu.memory_space<semaphore_mem>>) src(%arg8 : memref<128x128xf32, #tpu.memory_space<vmem>>) dst(%dma_wait3A_34 : memref<128x128xf32, #tpu.memory_space<vmem_shared>>)
      tpu.yield
    }) : () -> ()
    %add3A_11 = arith.constant 512 : i32
    %add3A_12 = arith.addi %mul3A_2, %add3A_11 : i32
    "tpu.region"() ({
      %run_scoped3A = tpu.sem_alloc : memref<!tpu.dma_semaphore, #tpu.memory_space<semaphore_mem>>
      %dma_start3A = arith.constant 0 : i32
      %dma_start3A_29 = tpu.memref_slice %arg9[%add3A_12, %dma_start3A] : memref<10240x128xf32, #tpu.memory_space<vmem_shared>> -> memref<128x128xf32, #tpu.memory_space<vmem_shared>>
      %dma_start3A_30 = arith.constant 0 : i32
      %dma_start3A_31 = tpu.memref_slice %arg9[%add3A_12, %dma_start3A_30] : memref<10240x128xf32, #tpu.memory_space<vmem_shared>> -> memref<128x128xf32, #tpu.memory_space<vmem_shared>>
      tpu.enqueue_dma source(%arg8 : memref<128x128xf32, #tpu.memory_space<vmem>>) target(%dma_start3A_31 : memref<128x128xf32, #tpu.memory_space<vmem_shared>>) target_semaphore(%run_scoped3A : memref<!tpu.dma_semaphore, #tpu.memory_space<semaphore_mem>>)
      %dma_wait3A = arith.constant 0 : i32
      %dma_wait3A_32 = tpu.memref_slice %arg9[%add3A_12, %dma_wait3A] : memref<10240x128xf32, #tpu.memory_space<vmem_shared>> -> memref<128x128xf32, #tpu.memory_space<vmem_shared>>
      %dma_wait3A_33 = arith.constant 0 : i32
      %dma_wait3A_34 = tpu.memref_slice %arg9[%add3A_12, %dma_wait3A_33] : memref<10240x128xf32, #tpu.memory_space<vmem_shared>> -> memref<128x128xf32, #tpu.memory_space<vmem_shared>>
      tpu.wait_dma2 semaphore(%run_scoped3A : memref<!tpu.dma_semaphore, #tpu.memory_space<semaphore_mem>>) src(%arg8 : memref<128x128xf32, #tpu.memory_space<vmem>>) dst(%dma_wait3A_34 : memref<128x128xf32, #tpu.memory_space<vmem_shared>>)
      tpu.yield
    }) : () -> ()
    %barrier3A = arith.constant 0 : index
    tpu.barrier barrier_id(%barrier3A)
    %scan3A = arith.constant 0 : i32
    %scan3A_13 = arith.constant 0 : i32
    %scan3A_14 = arith.constant 80 : i32
    %scan3A_15 = arith.addi %scan3A_13, %scan3A_14 : i32
    %scan3A_16 = arith.constant 1 : i32
    scf.for %scan3A_29 = %scan3A_13 to %scan3A_15 step %scan3A_16  : i32 {
      %mul3A_30 = arith.constant 80 : i32
      %mul3A_31 = arith.muli %add3A, %mul3A_30 : i32
      %add3A_32 = arith.addi %mul3A_31, %scan3A_29 : i32
      %mul3A_33 = arith.constant 128 : i32
      %mul3A_34 = arith.muli %add3A_32, %mul3A_33 : i32
      "tpu.region"() ({
        %run_scoped3A = tpu.sem_alloc : memref<!tpu.dma_semaphore, #tpu.memory_space<semaphore_mem>>
        %dma_start3A = tpu.memref_slice %arg2[%mul3A_34] : memref<327680xi32, #tpu.memory_space<hbm>> -> memref<128xi32, #tpu.memory_space<hbm>>
        %dma_start3A_35 = tpu.memref_slice %arg2[%mul3A_34] : memref<327680xi32, #tpu.memory_space<hbm>> -> memref<128xi32, #tpu.memory_space<hbm>>
        tpu.enqueue_dma source(%dma_start3A_35 : memref<128xi32, #tpu.memory_space<hbm>>) target(%arg6 : memref<128xi32, #tpu.memory_space<vmem>>) target_semaphore(%run_scoped3A : memref<!tpu.dma_semaphore, #tpu.memory_space<semaphore_mem>>)
        %dma_wait3A = tpu.memref_slice %arg2[%mul3A_34] : memref<327680xi32, #tpu.memory_space<hbm>> -> memref<128xi32, #tpu.memory_space<hbm>>
        %dma_wait3A_36 = tpu.memref_slice %arg2[%mul3A_34] : memref<327680xi32, #tpu.memory_space<hbm>> -> memref<128xi32, #tpu.memory_space<hbm>>
        tpu.wait_dma2 semaphore(%run_scoped3A : memref<!tpu.dma_semaphore, #tpu.memory_space<semaphore_mem>>) src(%dma_wait3A_36 : memref<128xi32, #tpu.memory_space<hbm>>) dst(%arg6 : memref<128xi32, #tpu.memory_space<vmem>>)
        tpu.yield
      }) : () -> ()
      "tpu.region"() ({
        %run_scoped3A = tpu.sem_alloc : memref<!tpu.dma_semaphore, #tpu.memory_space<semaphore_mem>>
        %dma_start3A = arith.constant 0 : i32
        %dma_start3A_35 = arith.constant 0 : i32
        %dma_start3A_36 = tpu.memref_slice %arg9[%dma_start3A, %dma_start3A_35] : memref<10240x128xf32, #tpu.memory_space<vmem_shared>> -> memref<10240x128xf32, #tpu.memory_space<vmem_shared>>
        tpu.enqueue_indirect_dma source(%arg7 : memref<128x128xf32, #tpu.memory_space<vmem>>) target(%dma_start3A_36 : memref<10240x128xf32, #tpu.memory_space<vmem_shared>>) offsets(%arg6 : memref<128xi32, #tpu.memory_space<vmem>>) semaphore(%run_scoped3A : memref<!tpu.dma_semaphore, #tpu.memory_space<semaphore_mem>>) {add = true}
        %dma_wait3A = arith.constant 0 : i32
        %dma_wait3A_37 = arith.constant 0 : i32
        %dma_wait3A_38 = tpu.memref_slice %arg9[%dma_wait3A, %dma_wait3A_37] : memref<10240x128xf32, #tpu.memory_space<vmem_shared>> -> memref<10240x128xf32, #tpu.memory_space<vmem_shared>>
        tpu.wait_indirect_dma semaphore(%run_scoped3A : memref<!tpu.dma_semaphore, #tpu.memory_space<semaphore_mem>>) src(%arg7 : memref<128x128xf32, #tpu.memory_space<vmem>>) dst(%dma_wait3A_38 : memref<10240x128xf32, #tpu.memory_space<vmem_shared>>)
        tpu.yield
      }) : () -> ()
    }
    %scan3A_17 = arith.constant 80 : i32
    %barrier3A_18 = arith.constant 0 : index
    tpu.barrier barrier_id(%barrier3A_18)
    %add3A_19 = arith.constant 0 : i32
    %add3A_20 = arith.addi %mul3A_2, %add3A_19 : i32
    "tpu.region"() ({
      %run_scoped3A = tpu.sem_alloc : memref<!tpu.dma_semaphore, #tpu.memory_space<semaphore_mem>>
      %dma_start3A = arith.constant 0 : i32
      %dma_start3A_29 = tpu.memref_slice %arg9[%add3A_20, %dma_start3A] : memref<10240x128xf32, #tpu.memory_space<vmem_shared>> -> memref<128x128xf32, #tpu.memory_space<vmem_shared>>
      %dma_start3A_30 = arith.constant 0 : i32
      %dma_start3A_31 = tpu.memref_slice %arg9[%add3A_20, %dma_start3A_30] : memref<10240x128xf32, #tpu.memory_space<vmem_shared>> -> memref<128x128xf32, #tpu.memory_space<vmem_shared>>
      tpu.enqueue_dma source(%dma_start3A_31 : memref<128x128xf32, #tpu.memory_space<vmem_shared>>) target(%arg8 : memref<128x128xf32, #tpu.memory_space<vmem>>) target_semaphore(%run_scoped3A : memref<!tpu.dma_semaphore, #tpu.memory_space<semaphore_mem>>)
      %dma_wait3A = arith.constant 0 : i32
      %dma_wait3A_32 = tpu.memref_slice %arg9[%add3A_20, %dma_wait3A] : memref<10240x128xf32, #tpu.memory_space<vmem_shared>> -> memref<128x128xf32, #tpu.memory_space<vmem_shared>>
      %dma_wait3A_33 = arith.constant 0 : i32
      %dma_wait3A_34 = tpu.memref_slice %arg9[%add3A_20, %dma_wait3A_33] : memref<10240x128xf32, #tpu.memory_space<vmem_shared>> -> memref<128x128xf32, #tpu.memory_space<vmem_shared>>
      tpu.wait_dma2 semaphore(%run_scoped3A : memref<!tpu.dma_semaphore, #tpu.memory_space<semaphore_mem>>) src(%dma_wait3A_34 : memref<128x128xf32, #tpu.memory_space<vmem_shared>>) dst(%arg8 : memref<128x128xf32, #tpu.memory_space<vmem>>)
      tpu.yield
    }) : () -> ()
    "tpu.region"() ({
      %run_scoped3A = tpu.sem_alloc : memref<!tpu.dma_semaphore, #tpu.memory_space<semaphore_mem>>
      %dma_start3A = arith.constant 0 : i32
      %dma_start3A_29 = tpu.memref_slice %arg5[%arg0, %add3A_20, %dma_start3A] : memref<2x10240x128xf32, #tpu.memory_space<hbm>> -> memref<1x128x128xf32, #tpu.memory_space<hbm>>
      %dma_start3A_30 = tpu.memref_squeeze %dma_start3A_29 : memref<1x128x128xf32, #tpu.memory_space<hbm>> -> memref<128x128xf32, #tpu.memory_space<hbm>>
      %dma_start3A_31 = arith.constant 0 : i32
      %dma_start3A_32 = tpu.memref_slice %arg5[%arg0, %add3A_20, %dma_start3A_31] : memref<2x10240x128xf32, #tpu.memory_space<hbm>> -> memref<1x128x128xf32, #tpu.memory_space<hbm>>
      %dma_start3A_33 = tpu.memref_squeeze %dma_start3A_32 : memref<1x128x128xf32, #tpu.memory_space<hbm>> -> memref<128x128xf32, #tpu.memory_space<hbm>>
      tpu.enqueue_dma source(%arg8 : memref<128x128xf32, #tpu.memory_space<vmem>>) target(%dma_start3A_33 : memref<128x128xf32, #tpu.memory_space<hbm>>) target_semaphore(%run_scoped3A : memref<!tpu.dma_semaphore, #tpu.memory_space<semaphore_mem>>)
      %dma_wait3A = arith.constant 0 : i32
      %dma_wait3A_34 = tpu.memref_slice %arg5[%arg0, %add3A_20, %dma_wait3A] : memref<2x10240x128xf32, #tpu.memory_space<hbm>> -> memref<1x128x128xf32, #tpu.memory_space<hbm>>
      %dma_wait3A_35 = tpu.memref_squeeze %dma_wait3A_34 : memref<1x128x128xf32, #tpu.memory_space<hbm>> -> memref<128x128xf32, #tpu.memory_space<hbm>>
      %dma_wait3A_36 = arith.constant 0 : i32
      %dma_wait3A_37 = tpu.memref_slice %arg5[%arg0, %add3A_20, %dma_wait3A_36] : memref<2x10240x128xf32, #tpu.memory_space<hbm>> -> memref<1x128x128xf32, #tpu.memory_space<hbm>>
      %dma_wait3A_38 = tpu.memref_squeeze %dma_wait3A_37 : memref<1x128x128xf32, #tpu.memory_space<hbm>> -> memref<128x128xf32, #tpu.memory_space<hbm>>
      tpu.wait_dma2 semaphore(%run_scoped3A : memref<!tpu.dma_semaphore, #tpu.memory_space<semaphore_mem>>) src(%arg8 : memref<128x128xf32, #tpu.memory_space<vmem>>) dst(%dma_wait3A_38 : memref<128x128xf32, #tpu.memory_space<hbm>>)
      tpu.yield
    }) : () -> ()
    %add3A_21 = arith.constant 128 : i32
    %add3A_22 = arith.addi %mul3A_2, %add3A_21 : i32
    "tpu.region"() ({
      %run_scoped3A = tpu.sem_alloc : memref<!tpu.dma_semaphore, #tpu.memory_space<semaphore_mem>>
      %dma_start3A = arith.constant 0 : i32
      %dma_start3A_29 = tpu.memref_slice %arg9[%add3A_22, %dma_start3A] : memref<10240x128xf32, #tpu.memory_space<vmem_shared>> -> memref<128x128xf32, #tpu.memory_space<vmem_shared>>
      %dma_start3A_30 = arith.constant 0 : i32
      %dma_start3A_31 = tpu.memref_slice %arg9[%add3A_22, %dma_start3A_30] : memref<10240x128xf32, #tpu.memory_space<vmem_shared>> -> memref<128x128xf32, #tpu.memory_space<vmem_shared>>
      tpu.enqueue_dma source(%dma_start3A_31 : memref<128x128xf32, #tpu.memory_space<vmem_shared>>) target(%arg8 : memref<128x128xf32, #tpu.memory_space<vmem>>) target_semaphore(%run_scoped3A : memref<!tpu.dma_semaphore, #tpu.memory_space<semaphore_mem>>)
      %dma_wait3A = arith.constant 0 : i32
      %dma_wait3A_32 = tpu.memref_slice %arg9[%add3A_22, %dma_wait3A] : memref<10240x128xf32, #tpu.memory_space<vmem_shared>> -> memref<128x128xf32, #tpu.memory_space<vmem_shared>>
      %dma_wait3A_33 = arith.constant 0 : i32
      %dma_wait3A_34 = tpu.memref_slice %arg9[%add3A_22, %dma_wait3A_33] : memref<10240x128xf32, #tpu.memory_space<vmem_shared>> -> memref<128x128xf32, #tpu.memory_space<vmem_shared>>
      tpu.wait_dma2 semaphore(%run_scoped3A : memref<!tpu.dma_semaphore, #tpu.memory_space<semaphore_mem>>) src(%dma_wait3A_34 : memref<128x128xf32, #tpu.memory_space<vmem_shared>>) dst(%arg8 : memref<128x128xf32, #tpu.memory_space<vmem>>)
      tpu.yield
    }) : () -> ()
    "tpu.region"() ({
      %run_scoped3A = tpu.sem_alloc : memref<!tpu.dma_semaphore, #tpu.memory_space<semaphore_mem>>
      %dma_start3A = arith.constant 0 : i32
      %dma_start3A_29 = tpu.memref_slice %arg5[%arg0, %add3A_22, %dma_start3A] : memref<2x10240x128xf32, #tpu.memory_space<hbm>> -> memref<1x128x128xf32, #tpu.memory_space<hbm>>
      %dma_start3A_30 = tpu.memref_squeeze %dma_start3A_29 : memref<1x128x128xf32, #tpu.memory_space<hbm>> -> memref<128x128xf32, #tpu.memory_space<hbm>>
      %dma_start3A_31 = arith.constant 0 : i32
      %dma_start3A_32 = tpu.memref_slice %arg5[%arg0, %add3A_22, %dma_start3A_31] : memref<2x10240x128xf32, #tpu.memory_space<hbm>> -> memref<1x128x128xf32, #tpu.memory_space<hbm>>
      %dma_start3A_33 = tpu.memref_squeeze %dma_start3A_32 : memref<1x128x128xf32, #tpu.memory_space<hbm>> -> memref<128x128xf32, #tpu.memory_space<hbm>>
      tpu.enqueue_dma source(%arg8 : memref<128x128xf32, #tpu.memory_space<vmem>>) target(%dma_start3A_33 : memref<128x128xf32, #tpu.memory_space<hbm>>) target_semaphore(%run_scoped3A : memref<!tpu.dma_semaphore, #tpu.memory_space<semaphore_mem>>)
      %dma_wait3A = arith.constant 0 : i32
      %dma_wait3A_34 = tpu.memref_slice %arg5[%arg0, %add3A_22, %dma_wait3A] : memref<2x10240x128xf32, #tpu.memory_space<hbm>> -> memref<1x128x128xf32, #tpu.memory_space<hbm>>
      %dma_wait3A_35 = tpu.memref_squeeze %dma_wait3A_34 : memref<1x128x128xf32, #tpu.memory_space<hbm>> -> memref<128x128xf32, #tpu.memory_space<hbm>>
      %dma_wait3A_36 = arith.constant 0 : i32
      %dma_wait3A_37 = tpu.memref_slice %arg5[%arg0, %add3A_22, %dma_wait3A_36] : memref<2x10240x128xf32, #tpu.memory_space<hbm>> -> memref<1x128x128xf32, #tpu.memory_space<hbm>>
      %dma_wait3A_38 = tpu.memref_squeeze %dma_wait3A_37 : memref<1x128x128xf32, #tpu.memory_space<hbm>> -> memref<128x128xf32, #tpu.memory_space<hbm>>
      tpu.wait_dma2 semaphore(%run_scoped3A : memref<!tpu.dma_semaphore, #tpu.memory_space<semaphore_mem>>) src(%arg8 : memref<128x128xf32, #tpu.memory_space<vmem>>) dst(%dma_wait3A_38 : memref<128x128xf32, #tpu.memory_space<hbm>>)
      tpu.yield
    }) : () -> ()
    %add3A_23 = arith.constant 256 : i32
    %add3A_24 = arith.addi %mul3A_2, %add3A_23 : i32
    "tpu.region"() ({
      %run_scoped3A = tpu.sem_alloc : memref<!tpu.dma_semaphore, #tpu.memory_space<semaphore_mem>>
      %dma_start3A = arith.constant 0 : i32
      %dma_start3A_29 = tpu.memref_slice %arg9[%add3A_24, %dma_start3A] : memref<10240x128xf32, #tpu.memory_space<vmem_shared>> -> memref<128x128xf32, #tpu.memory_space<vmem_shared>>
      %dma_start3A_30 = arith.constant 0 : i32
      %dma_start3A_31 = tpu.memref_slice %arg9[%add3A_24, %dma_start3A_30] : memref<10240x128xf32, #tpu.memory_space<vmem_shared>> -> memref<128x128xf32, #tpu.memory_space<vmem_shared>>
      tpu.enqueue_dma source(%dma_start3A_31 : memref<128x128xf32, #tpu.memory_space<vmem_shared>>) target(%arg8 : memref<128x128xf32, #tpu.memory_space<vmem>>) target_semaphore(%run_scoped3A : memref<!tpu.dma_semaphore, #tpu.memory_space<semaphore_mem>>)
      %dma_wait3A = arith.constant 0 : i32
      %dma_wait3A_32 = tpu.memref_slice %arg9[%add3A_24, %dma_wait3A] : memref<10240x128xf32, #tpu.memory_space<vmem_shared>> -> memref<128x128xf32, #tpu.memory_space<vmem_shared>>
      %dma_wait3A_33 = arith.constant 0 : i32
      %dma_wait3A_34 = tpu.memref_slice %arg9[%add3A_24, %dma_wait3A_33] : memref<10240x128xf32, #tpu.memory_space<vmem_shared>> -> memref<128x128xf32, #tpu.memory_space<vmem_shared>>
      tpu.wait_dma2 semaphore(%run_scoped3A : memref<!tpu.dma_semaphore, #tpu.memory_space<semaphore_mem>>) src(%dma_wait3A_34 : memref<128x128xf32, #tpu.memory_space<vmem_shared>>) dst(%arg8 : memref<128x128xf32, #tpu.memory_space<vmem>>)
      tpu.yield
    }) : () -> ()
    "tpu.region"() ({
      %run_scoped3A = tpu.sem_alloc : memref<!tpu.dma_semaphore, #tpu.memory_space<semaphore_mem>>
      %dma_start3A = arith.constant 0 : i32
      %dma_start3A_29 = tpu.memref_slice %arg5[%arg0, %add3A_24, %dma_start3A] : memref<2x10240x128xf32, #tpu.memory_space<hbm>> -> memref<1x128x128xf32, #tpu.memory_space<hbm>>
      %dma_start3A_30 = tpu.memref_squeeze %dma_start3A_29 : memref<1x128x128xf32, #tpu.memory_space<hbm>> -> memref<128x128xf32, #tpu.memory_space<hbm>>
      %dma_start3A_31 = arith.constant 0 : i32
      %dma_start3A_32 = tpu.memref_slice %arg5[%arg0, %add3A_24, %dma_start3A_31] : memref<2x10240x128xf32, #tpu.memory_space<hbm>> -> memref<1x128x128xf32, #tpu.memory_space<hbm>>
      %dma_start3A_33 = tpu.memref_squeeze %dma_start3A_32 : memref<1x128x128xf32, #tpu.memory_space<hbm>> -> memref<128x128xf32, #tpu.memory_space<hbm>>
      tpu.enqueue_dma source(%arg8 : memref<128x128xf32, #tpu.memory_space<vmem>>) target(%dma_start3A_33 : memref<128x128xf32, #tpu.memory_space<hbm>>) target_semaphore(%run_scoped3A : memref<!tpu.dma_semaphore, #tpu.memory_space<semaphore_mem>>)
      %dma_wait3A = arith.constant 0 : i32
      %dma_wait3A_34 = tpu.memref_slice %arg5[%arg0, %add3A_24, %dma_wait3A] : memref<2x10240x128xf32, #tpu.memory_space<hbm>> -> memref<1x128x128xf32, #tpu.memory_space<hbm>>
      %dma_wait3A_35 = tpu.memref_squeeze %dma_wait3A_34 : memref<1x128x128xf32, #tpu.memory_space<hbm>> -> memref<128x128xf32, #tpu.memory_space<hbm>>
      %dma_wait3A_36 = arith.constant 0 : i32
      %dma_wait3A_37 = tpu.memref_slice %arg5[%arg0, %add3A_24, %dma_wait3A_36] : memref<2x10240x128xf32, #tpu.memory_space<hbm>> -> memref<1x128x128xf32, #tpu.memory_space<hbm>>
      %dma_wait3A_38 = tpu.memref_squeeze %dma_wait3A_37 : memref<1x128x128xf32, #tpu.memory_space<hbm>> -> memref<128x128xf32, #tpu.memory_space<hbm>>
      tpu.wait_dma2 semaphore(%run_scoped3A : memref<!tpu.dma_semaphore, #tpu.memory_space<semaphore_mem>>) src(%arg8 : memref<128x128xf32, #tpu.memory_space<vmem>>) dst(%dma_wait3A_38 : memref<128x128xf32, #tpu.memory_space<hbm>>)
      tpu.yield
    }) : () -> ()
    %add3A_25 = arith.constant 384 : i32
    %add3A_26 = arith.addi %mul3A_2, %add3A_25 : i32
    "tpu.region"() ({
      %run_scoped3A = tpu.sem_alloc : memref<!tpu.dma_semaphore, #tpu.memory_space<semaphore_mem>>
      %dma_start3A = arith.constant 0 : i32
      %dma_start3A_29 = tpu.memref_slice %arg9[%add3A_26, %dma_start3A] : memref<10240x128xf32, #tpu.memory_space<vmem_shared>> -> memref<128x128xf32, #tpu.memory_space<vmem_shared>>
      %dma_start3A_30 = arith.constant 0 : i32
      %dma_start3A_31 = tpu.memref_slice %arg9[%add3A_26, %dma_start3A_30] : memref<10240x128xf32, #tpu.memory_space<vmem_shared>> -> memref<128x128xf32, #tpu.memory_space<vmem_shared>>
      tpu.enqueue_dma source(%dma_start3A_31 : memref<128x128xf32, #tpu.memory_space<vmem_shared>>) target(%arg8 : memref<128x128xf32, #tpu.memory_space<vmem>>) target_semaphore(%run_scoped3A : memref<!tpu.dma_semaphore, #tpu.memory_space<semaphore_mem>>)
      %dma_wait3A = arith.constant 0 : i32
      %dma_wait3A_32 = tpu.memref_slice %arg9[%add3A_26, %dma_wait3A] : memref<10240x128xf32, #tpu.memory_space<vmem_shared>> -> memref<128x128xf32, #tpu.memory_space<vmem_shared>>
      %dma_wait3A_33 = arith.constant 0 : i32
      %dma_wait3A_34 = tpu.memref_slice %arg9[%add3A_26, %dma_wait3A_33] : memref<10240x128xf32, #tpu.memory_space<vmem_shared>> -> memref<128x128xf32, #tpu.memory_space<vmem_shared>>
      tpu.wait_dma2 semaphore(%run_scoped3A : memref<!tpu.dma_semaphore, #tpu.memory_space<semaphore_mem>>) src(%dma_wait3A_34 : memref<128x128xf32, #tpu.memory_space<vmem_shared>>) dst(%arg8 : memref<128x128xf32, #tpu.memory_space<vmem>>)
      tpu.yield
    }) : () -> ()
    "tpu.region"() ({
      %run_scoped3A = tpu.sem_alloc : memref<!tpu.dma_semaphore, #tpu.memory_space<semaphore_mem>>
      %dma_start3A = arith.constant 0 : i32
      %dma_start3A_29 = tpu.memref_slice %arg5[%arg0, %add3A_26, %dma_start3A] : memref<2x10240x128xf32, #tpu.memory_space<hbm>> -> memref<1x128x128xf32, #tpu.memory_space<hbm>>
      %dma_start3A_30 = tpu.memref_squeeze %dma_start3A_29 : memref<1x128x128xf32, #tpu.memory_space<hbm>> -> memref<128x128xf32, #tpu.memory_space<hbm>>
      %dma_start3A_31 = arith.constant 0 : i32
      %dma_start3A_32 = tpu.memref_slice %arg5[%arg0, %add3A_26, %dma_start3A_31] : memref<2x10240x128xf32, #tpu.memory_space<hbm>> -> memref<1x128x128xf32, #tpu.memory_space<hbm>>
      %dma_start3A_33 = tpu.memref_squeeze %dma_start3A_32 : memref<1x128x128xf32, #tpu.memory_space<hbm>> -> memref<128x128xf32, #tpu.memory_space<hbm>>
      tpu.enqueue_dma source(%arg8 : memref<128x128xf32, #tpu.memory_space<vmem>>) target(%dma_start3A_33 : memref<128x128xf32, #tpu.memory_space<hbm>>) target_semaphore(%run_scoped3A : memref<!tpu.dma_semaphore, #tpu.memory_space<semaphore_mem>>)
      %dma_wait3A = arith.constant 0 : i32
      %dma_wait3A_34 = tpu.memref_slice %arg5[%arg0, %add3A_26, %dma_wait3A] : memref<2x10240x128xf32, #tpu.memory_space<hbm>> -> memref<1x128x128xf32, #tpu.memory_space<hbm>>
      %dma_wait3A_35 = tpu.memref_squeeze %dma_wait3A_34 : memref<1x128x128xf32, #tpu.memory_space<hbm>> -> memref<128x128xf32, #tpu.memory_space<hbm>>
      %dma_wait3A_36 = arith.constant 0 : i32
      %dma_wait3A_37 = tpu.memref_slice %arg5[%arg0, %add3A_26, %dma_wait3A_36] : memref<2x10240x128xf32, #tpu.memory_space<hbm>> -> memref<1x128x128xf32, #tpu.memory_space<hbm>>
      %dma_wait3A_38 = tpu.memref_squeeze %dma_wait3A_37 : memref<1x128x128xf32, #tpu.memory_space<hbm>> -> memref<128x128xf32, #tpu.memory_space<hbm>>
      tpu.wait_dma2 semaphore(%run_scoped3A : memref<!tpu.dma_semaphore, #tpu.memory_space<semaphore_mem>>) src(%arg8 : memref<128x128xf32, #tpu.memory_space<vmem>>) dst(%dma_wait3A_38 : memref<128x128xf32, #tpu.memory_space<hbm>>)
      tpu.yield
    }) : () -> ()
    %add3A_27 = arith.constant 512 : i32
    %add3A_28 = arith.addi %mul3A_2, %add3A_27 : i32
    "tpu.region"() ({
      %run_scoped3A = tpu.sem_alloc : memref<!tpu.dma_semaphore, #tpu.memory_space<semaphore_mem>>
      %dma_start3A = arith.constant 0 : i32
      %dma_start3A_29 = tpu.memref_slice %arg9[%add3A_28, %dma_start3A] : memref<10240x128xf32, #tpu.memory_space<vmem_shared>> -> memref<128x128xf32, #tpu.memory_space<vmem_shared>>
      %dma_start3A_30 = arith.constant 0 : i32
      %dma_start3A_31 = tpu.memref_slice %arg9[%add3A_28, %dma_start3A_30] : memref<10240x128xf32, #tpu.memory_space<vmem_shared>> -> memref<128x128xf32, #tpu.memory_space<vmem_shared>>
      tpu.enqueue_dma source(%dma_start3A_31 : memref<128x128xf32, #tpu.memory_space<vmem_shared>>) target(%arg8 : memref<128x128xf32, #tpu.memory_space<vmem>>) target_semaphore(%run_scoped3A : memref<!tpu.dma_semaphore, #tpu.memory_space<semaphore_mem>>)
      %dma_wait3A = arith.constant 0 : i32
      %dma_wait3A_32 = tpu.memref_slice %arg9[%add3A_28, %dma_wait3A] : memref<10240x128xf32, #tpu.memory_space<vmem_shared>> -> memref<128x128xf32, #tpu.memory_space<vmem_shared>>
      %dma_wait3A_33 = arith.constant 0 : i32
      %dma_wait3A_34 = tpu.memref_slice %arg9[%add3A_28, %dma_wait3A_33] : memref<10240x128xf32, #tpu.memory_space<vmem_shared>> -> memref<128x128xf32, #tpu.memory_space<vmem_shared>>
      tpu.wait_dma2 semaphore(%run_scoped3A : memref<!tpu.dma_semaphore, #tpu.memory_space<semaphore_mem>>) src(%dma_wait3A_34 : memref<128x128xf32, #tpu.memory_space<vmem_shared>>) dst(%arg8 : memref<128x128xf32, #tpu.memory_space<vmem>>)
      tpu.yield
    }) : () -> ()
    "tpu.region"() ({
      %run_scoped3A = tpu.sem_alloc : memref<!tpu.dma_semaphore, #tpu.memory_space<semaphore_mem>>
      %dma_start3A = arith.constant 0 : i32
      %dma_start3A_29 = tpu.memref_slice %arg5[%arg0, %add3A_28, %dma_start3A] : memref<2x10240x128xf32, #tpu.memory_space<hbm>> -> memref<1x128x128xf32, #tpu.memory_space<hbm>>
      %dma_start3A_30 = tpu.memref_squeeze %dma_start3A_29 : memref<1x128x128xf32, #tpu.memory_space<hbm>> -> memref<128x128xf32, #tpu.memory_space<hbm>>
      %dma_start3A_31 = arith.constant 0 : i32
      %dma_start3A_32 = tpu.memref_slice %arg5[%arg0, %add3A_28, %dma_start3A_31] : memref<2x10240x128xf32, #tpu.memory_space<hbm>> -> memref<1x128x128xf32, #tpu.memory_space<hbm>>
      %dma_start3A_33 = tpu.memref_squeeze %dma_start3A_32 : memref<1x128x128xf32, #tpu.memory_space<hbm>> -> memref<128x128xf32, #tpu.memory_space<hbm>>
      tpu.enqueue_dma source(%arg8 : memref<128x128xf32, #tpu.memory_space<vmem>>) target(%dma_start3A_33 : memref<128x128xf32, #tpu.memory_space<hbm>>) target_semaphore(%run_scoped3A : memref<!tpu.dma_semaphore, #tpu.memory_space<semaphore_mem>>)
      %dma_wait3A = arith.constant 0 : i32
      %dma_wait3A_34 = tpu.memref_slice %arg5[%arg0, %add3A_28, %dma_wait3A] : memref<2x10240x128xf32, #tpu.memory_space<hbm>> -> memref<1x128x128xf32, #tpu.memory_space<hbm>>
      %dma_wait3A_35 = tpu.memref_squeeze %dma_wait3A_34 : memref<1x128x128xf32, #tpu.memory_space<hbm>> -> memref<128x128xf32, #tpu.memory_space<hbm>>
      %dma_wait3A_36 = arith.constant 0 : i32
      %dma_wait3A_37 = tpu.memref_slice %arg5[%arg0, %add3A_28, %dma_wait3A_36] : memref<2x10240x128xf32, #tpu.memory_space<hbm>> -> memref<1x128x128xf32, #tpu.memory_space<hbm>>
      %dma_wait3A_38 = tpu.memref_squeeze %dma_wait3A_37 : memref<1x128x128xf32, #tpu.memory_space<hbm>> -> memref<128x128xf32, #tpu.memory_space<hbm>>
      tpu.wait_dma2 semaphore(%run_scoped3A : memref<!tpu.dma_semaphore, #tpu.memory_space<semaphore_mem>>) src(%arg8 : memref<128x128xf32, #tpu.memory_space<vmem>>) dst(%dma_wait3A_38 : memref<128x128xf32, #tpu.memory_space<hbm>>)
      tpu.yield
    }) : () -> ()
    return
  }
}

#map = affine_map<(d0, d1) -> (0, 0)>
#map1 = affine_map<(d0, d1) -> (0)>
#map2 = affine_map<(d0, d1) -> (0, 0, 0)>
module attributes {stable_mosaic.version = 14 : i64} {
  func.func @_sc_agg_body(%arg0: i32, %arg1: i32, %arg2: memref<10000x128xf32, #tpu.memory_space<hbm>>, %arg3: memref<327680xi32, #tpu.memory_space<hbm>>, %arg4: memref<327680xi32, #tpu.memory_space<hbm>>, %arg5: memref<128x128xf32, #tpu.memory_space<hbm>>, %arg6: memref<2x10240x128xf32, #tpu.memory_space<hbm>>, %arg7: memref<128xi32, #tpu.memory_space<vmem>>, %arg8: memref<128xi32, #tpu.memory_space<vmem>>, %arg9: memref<128xi32, #tpu.memory_space<vmem>>, %arg10: memref<128xi32, #tpu.memory_space<vmem>>, %arg11: memref<128x128xf32, #tpu.memory_space<vmem>>, %arg12: memref<128x128xf32, #tpu.memory_space<vmem>>, %arg13: memref<10240x128xf32, #tpu.memory_space<vmem_shared>>, %arg14: memref<!tpu.dma_semaphore, #tpu.memory_space<semaphore_mem>>, %arg15: memref<!tpu.dma_semaphore, #tpu.memory_space<semaphore_mem>>) attributes {dimension_semantics = [#tpu.dimension_semantics<core_parallel>, #tpu.dimension_semantics<subcore_parallel>], iteration_bounds = array<i64: 2, 16>, scalar_prefetch = 0 : i64, scratch_operands = 9 : i64, tpu.core_type = #tpu.core_type<sc_vector_subcore>, window_params = [{transform_indices = #map}, {transform_indices = #map1}, {transform_indices = #map1}, {transform_indices = #map}, {transform_indices = #map2}]} {
    %mul3A = arith.constant 640 : i32
    %mul3A_0 = arith.muli %arg1, %mul3A : i32
    %eq3A = arith.constant 0 : i32
    %eq3A_1 = arith.cmpi eq, %arg0, %eq3A : i32
    %select_n3A = arith.constant 8 : i32
    %select_n3A_2 = arith.constant 152 : i32
    %select_n3A_3 = arith.select %eq3A_1, %select_n3A_2, %select_n3A : i32
    %eq3A_4 = arith.constant 0 : i32
    %eq3A_5 = arith.cmpi eq, %arg0, %eq3A_4 : i32
    %mul3A_6 = arith.constant 152 : i32
    %mul3A_7 = arith.muli %arg1, %mul3A_6 : i32
    %mul3A_8 = arith.constant 8 : i32
    %mul3A_9 = arith.muli %arg1, %mul3A_8 : i32
    %add3A = arith.constant 2432 : i32
    %add3A_10 = arith.addi %add3A, %mul3A_9 : i32
    %select_n3A_11 = arith.select %eq3A_5, %mul3A_7, %add3A_10 : i32
    "tpu.region"() ({
      %run_scoped3A = tpu.sem_alloc : memref<!tpu.dma_semaphore, #tpu.memory_space<semaphore_mem>>
      tpu.enqueue_dma source(%arg5 : memref<128x128xf32, #tpu.memory_space<hbm>>) target(%arg11 : memref<128x128xf32, #tpu.memory_space<vmem>>) target_semaphore(%run_scoped3A : memref<!tpu.dma_semaphore, #tpu.memory_space<semaphore_mem>>)
      tpu.wait_dma2 semaphore(%run_scoped3A : memref<!tpu.dma_semaphore, #tpu.memory_space<semaphore_mem>>) src(%arg5 : memref<128x128xf32, #tpu.memory_space<hbm>>) dst(%arg11 : memref<128x128xf32, #tpu.memory_space<vmem>>)
      tpu.yield
    }) : () -> ()
    %add3A_12 = arith.constant 0 : i32
    %add3A_13 = arith.addi %mul3A_0, %add3A_12 : i32
    "tpu.region"() ({
      %run_scoped3A = tpu.sem_alloc : memref<!tpu.dma_semaphore, #tpu.memory_space<semaphore_mem>>
      %dma_start3A_70 = arith.constant 0 : i32
      %dma_start3A_71 = tpu.memref_slice %arg13[%add3A_13, %dma_start3A_70] : memref<10240x128xf32, #tpu.memory_space<vmem_shared>> -> memref<128x128xf32, #tpu.memory_space<vmem_shared>>
      %dma_start3A_72 = arith.constant 0 : i32
      %dma_start3A_73 = tpu.memref_slice %arg13[%add3A_13, %dma_start3A_72] : memref<10240x128xf32, #tpu.memory_space<vmem_shared>> -> memref<128x128xf32, #tpu.memory_space<vmem_shared>>
      tpu.enqueue_dma source(%arg11 : memref<128x128xf32, #tpu.memory_space<vmem>>) target(%dma_start3A_73 : memref<128x128xf32, #tpu.memory_space<vmem_shared>>) target_semaphore(%run_scoped3A : memref<!tpu.dma_semaphore, #tpu.memory_space<semaphore_mem>>)
      %dma_wait3A = arith.constant 0 : i32
      %dma_wait3A_74 = tpu.memref_slice %arg13[%add3A_13, %dma_wait3A] : memref<10240x128xf32, #tpu.memory_space<vmem_shared>> -> memref<128x128xf32, #tpu.memory_space<vmem_shared>>
      %dma_wait3A_75 = arith.constant 0 : i32
      %dma_wait3A_76 = tpu.memref_slice %arg13[%add3A_13, %dma_wait3A_75] : memref<10240x128xf32, #tpu.memory_space<vmem_shared>> -> memref<128x128xf32, #tpu.memory_space<vmem_shared>>
      tpu.wait_dma2 semaphore(%run_scoped3A : memref<!tpu.dma_semaphore, #tpu.memory_space<semaphore_mem>>) src(%arg11 : memref<128x128xf32, #tpu.memory_space<vmem>>) dst(%dma_wait3A_76 : memref<128x128xf32, #tpu.memory_space<vmem_shared>>)
      tpu.yield
    }) : () -> ()
    %add3A_14 = arith.constant 128 : i32
    %add3A_15 = arith.addi %mul3A_0, %add3A_14 : i32
    "tpu.region"() ({
      %run_scoped3A = tpu.sem_alloc : memref<!tpu.dma_semaphore, #tpu.memory_space<semaphore_mem>>
      %dma_start3A_70 = arith.constant 0 : i32
      %dma_start3A_71 = tpu.memref_slice %arg13[%add3A_15, %dma_start3A_70] : memref<10240x128xf32, #tpu.memory_space<vmem_shared>> -> memref<128x128xf32, #tpu.memory_space<vmem_shared>>
      %dma_start3A_72 = arith.constant 0 : i32
      %dma_start3A_73 = tpu.memref_slice %arg13[%add3A_15, %dma_start3A_72] : memref<10240x128xf32, #tpu.memory_space<vmem_shared>> -> memref<128x128xf32, #tpu.memory_space<vmem_shared>>
      tpu.enqueue_dma source(%arg11 : memref<128x128xf32, #tpu.memory_space<vmem>>) target(%dma_start3A_73 : memref<128x128xf32, #tpu.memory_space<vmem_shared>>) target_semaphore(%run_scoped3A : memref<!tpu.dma_semaphore, #tpu.memory_space<semaphore_mem>>)
      %dma_wait3A = arith.constant 0 : i32
      %dma_wait3A_74 = tpu.memref_slice %arg13[%add3A_15, %dma_wait3A] : memref<10240x128xf32, #tpu.memory_space<vmem_shared>> -> memref<128x128xf32, #tpu.memory_space<vmem_shared>>
      %dma_wait3A_75 = arith.constant 0 : i32
      %dma_wait3A_76 = tpu.memref_slice %arg13[%add3A_15, %dma_wait3A_75] : memref<10240x128xf32, #tpu.memory_space<vmem_shared>> -> memref<128x128xf32, #tpu.memory_space<vmem_shared>>
      tpu.wait_dma2 semaphore(%run_scoped3A : memref<!tpu.dma_semaphore, #tpu.memory_space<semaphore_mem>>) src(%arg11 : memref<128x128xf32, #tpu.memory_space<vmem>>) dst(%dma_wait3A_76 : memref<128x128xf32, #tpu.memory_space<vmem_shared>>)
      tpu.yield
    }) : () -> ()
    %add3A_16 = arith.constant 256 : i32
    %add3A_17 = arith.addi %mul3A_0, %add3A_16 : i32
    "tpu.region"() ({
      %run_scoped3A = tpu.sem_alloc : memref<!tpu.dma_semaphore, #tpu.memory_space<semaphore_mem>>
      %dma_start3A_70 = arith.constant 0 : i32
      %dma_start3A_71 = tpu.memref_slice %arg13[%add3A_17, %dma_start3A_70] : memref<10240x128xf32, #tpu.memory_space<vmem_shared>> -> memref<128x128xf32, #tpu.memory_space<vmem_shared>>
      %dma_start3A_72 = arith.constant 0 : i32
      %dma_start3A_73 = tpu.memref_slice %arg13[%add3A_17, %dma_start3A_72] : memref<10240x128xf32, #tpu.memory_space<vmem_shared>> -> memref<128x128xf32, #tpu.memory_space<vmem_shared>>
      tpu.enqueue_dma source(%arg11 : memref<128x128xf32, #tpu.memory_space<vmem>>) target(%dma_start3A_73 : memref<128x128xf32, #tpu.memory_space<vmem_shared>>) target_semaphore(%run_scoped3A : memref<!tpu.dma_semaphore, #tpu.memory_space<semaphore_mem>>)
      %dma_wait3A = arith.constant 0 : i32
      %dma_wait3A_74 = tpu.memref_slice %arg13[%add3A_17, %dma_wait3A] : memref<10240x128xf32, #tpu.memory_space<vmem_shared>> -> memref<128x128xf32, #tpu.memory_space<vmem_shared>>
      %dma_wait3A_75 = arith.constant 0 : i32
      %dma_wait3A_76 = tpu.memref_slice %arg13[%add3A_17, %dma_wait3A_75] : memref<10240x128xf32, #tpu.memory_space<vmem_shared>> -> memref<128x128xf32, #tpu.memory_space<vmem_shared>>
      tpu.wait_dma2 semaphore(%run_scoped3A : memref<!tpu.dma_semaphore, #tpu.memory_space<semaphore_mem>>) src(%arg11 : memref<128x128xf32, #tpu.memory_space<vmem>>) dst(%dma_wait3A_76 : memref<128x128xf32, #tpu.memory_space<vmem_shared>>)
      tpu.yield
    }) : () -> ()
    %add3A_18 = arith.constant 384 : i32
    %add3A_19 = arith.addi %mul3A_0, %add3A_18 : i32
    "tpu.region"() ({
      %run_scoped3A = tpu.sem_alloc : memref<!tpu.dma_semaphore, #tpu.memory_space<semaphore_mem>>
      %dma_start3A_70 = arith.constant 0 : i32
      %dma_start3A_71 = tpu.memref_slice %arg13[%add3A_19, %dma_start3A_70] : memref<10240x128xf32, #tpu.memory_space<vmem_shared>> -> memref<128x128xf32, #tpu.memory_space<vmem_shared>>
      %dma_start3A_72 = arith.constant 0 : i32
      %dma_start3A_73 = tpu.memref_slice %arg13[%add3A_19, %dma_start3A_72] : memref<10240x128xf32, #tpu.memory_space<vmem_shared>> -> memref<128x128xf32, #tpu.memory_space<vmem_shared>>
      tpu.enqueue_dma source(%arg11 : memref<128x128xf32, #tpu.memory_space<vmem>>) target(%dma_start3A_73 : memref<128x128xf32, #tpu.memory_space<vmem_shared>>) target_semaphore(%run_scoped3A : memref<!tpu.dma_semaphore, #tpu.memory_space<semaphore_mem>>)
      %dma_wait3A = arith.constant 0 : i32
      %dma_wait3A_74 = tpu.memref_slice %arg13[%add3A_19, %dma_wait3A] : memref<10240x128xf32, #tpu.memory_space<vmem_shared>> -> memref<128x128xf32, #tpu.memory_space<vmem_shared>>
      %dma_wait3A_75 = arith.constant 0 : i32
      %dma_wait3A_76 = tpu.memref_slice %arg13[%add3A_19, %dma_wait3A_75] : memref<10240x128xf32, #tpu.memory_space<vmem_shared>> -> memref<128x128xf32, #tpu.memory_space<vmem_shared>>
      tpu.wait_dma2 semaphore(%run_scoped3A : memref<!tpu.dma_semaphore, #tpu.memory_space<semaphore_mem>>) src(%arg11 : memref<128x128xf32, #tpu.memory_space<vmem>>) dst(%dma_wait3A_76 : memref<128x128xf32, #tpu.memory_space<vmem_shared>>)
      tpu.yield
    }) : () -> ()
    %add3A_20 = arith.constant 512 : i32
    %add3A_21 = arith.addi %mul3A_0, %add3A_20 : i32
    "tpu.region"() ({
      %run_scoped3A = tpu.sem_alloc : memref<!tpu.dma_semaphore, #tpu.memory_space<semaphore_mem>>
      %dma_start3A_70 = arith.constant 0 : i32
      %dma_start3A_71 = tpu.memref_slice %arg13[%add3A_21, %dma_start3A_70] : memref<10240x128xf32, #tpu.memory_space<vmem_shared>> -> memref<128x128xf32, #tpu.memory_space<vmem_shared>>
      %dma_start3A_72 = arith.constant 0 : i32
      %dma_start3A_73 = tpu.memref_slice %arg13[%add3A_21, %dma_start3A_72] : memref<10240x128xf32, #tpu.memory_space<vmem_shared>> -> memref<128x128xf32, #tpu.memory_space<vmem_shared>>
      tpu.enqueue_dma source(%arg11 : memref<128x128xf32, #tpu.memory_space<vmem>>) target(%dma_start3A_73 : memref<128x128xf32, #tpu.memory_space<vmem_shared>>) target_semaphore(%run_scoped3A : memref<!tpu.dma_semaphore, #tpu.memory_space<semaphore_mem>>)
      %dma_wait3A = arith.constant 0 : i32
      %dma_wait3A_74 = tpu.memref_slice %arg13[%add3A_21, %dma_wait3A] : memref<10240x128xf32, #tpu.memory_space<vmem_shared>> -> memref<128x128xf32, #tpu.memory_space<vmem_shared>>
      %dma_wait3A_75 = arith.constant 0 : i32
      %dma_wait3A_76 = tpu.memref_slice %arg13[%add3A_21, %dma_wait3A_75] : memref<10240x128xf32, #tpu.memory_space<vmem_shared>> -> memref<128x128xf32, #tpu.memory_space<vmem_shared>>
      tpu.wait_dma2 semaphore(%run_scoped3A : memref<!tpu.dma_semaphore, #tpu.memory_space<semaphore_mem>>) src(%arg11 : memref<128x128xf32, #tpu.memory_space<vmem>>) dst(%dma_wait3A_76 : memref<128x128xf32, #tpu.memory_space<vmem_shared>>)
      tpu.yield
    }) : () -> ()
    %barrier3A = arith.constant 0 : index
    tpu.barrier barrier_id(%barrier3A)
    %mul3A_22 = arith.constant 128 : i32
    %mul3A_23 = arith.muli %select_n3A_11, %mul3A_22 : i32
    "tpu.region"() ({
      %run_scoped3A = tpu.sem_alloc : memref<!tpu.dma_semaphore, #tpu.memory_space<semaphore_mem>>
      %dma_start3A_70 = tpu.memref_slice %arg3[%mul3A_23] : memref<327680xi32, #tpu.memory_space<hbm>> -> memref<128xi32, #tpu.memory_space<hbm>>
      %dma_start3A_71 = tpu.memref_slice %arg3[%mul3A_23] : memref<327680xi32, #tpu.memory_space<hbm>> -> memref<128xi32, #tpu.memory_space<hbm>>
      tpu.enqueue_dma source(%dma_start3A_71 : memref<128xi32, #tpu.memory_space<hbm>>) target(%arg7 : memref<128xi32, #tpu.memory_space<vmem>>) target_semaphore(%run_scoped3A : memref<!tpu.dma_semaphore, #tpu.memory_space<semaphore_mem>>)
      %dma_wait3A = tpu.memref_slice %arg3[%mul3A_23] : memref<327680xi32, #tpu.memory_space<hbm>> -> memref<128xi32, #tpu.memory_space<hbm>>
      %dma_wait3A_72 = tpu.memref_slice %arg3[%mul3A_23] : memref<327680xi32, #tpu.memory_space<hbm>> -> memref<128xi32, #tpu.memory_space<hbm>>
      tpu.wait_dma2 semaphore(%run_scoped3A : memref<!tpu.dma_semaphore, #tpu.memory_space<semaphore_mem>>) src(%dma_wait3A_72 : memref<128xi32, #tpu.memory_space<hbm>>) dst(%arg7 : memref<128xi32, #tpu.memory_space<vmem>>)
      tpu.yield
    }) : () -> ()
    "tpu.region"() ({
      %run_scoped3A = tpu.sem_alloc : memref<!tpu.dma_semaphore, #tpu.memory_space<semaphore_mem>>
      %dma_start3A_70 = tpu.memref_slice %arg4[%mul3A_23] : memref<327680xi32, #tpu.memory_space<hbm>> -> memref<128xi32, #tpu.memory_space<hbm>>
      %dma_start3A_71 = tpu.memref_slice %arg4[%mul3A_23] : memref<327680xi32, #tpu.memory_space<hbm>> -> memref<128xi32, #tpu.memory_space<hbm>>
      tpu.enqueue_dma source(%dma_start3A_71 : memref<128xi32, #tpu.memory_space<hbm>>) target(%arg8 : memref<128xi32, #tpu.memory_space<vmem>>) target_semaphore(%run_scoped3A : memref<!tpu.dma_semaphore, #tpu.memory_space<semaphore_mem>>)
      %dma_wait3A = tpu.memref_slice %arg4[%mul3A_23] : memref<327680xi32, #tpu.memory_space<hbm>> -> memref<128xi32, #tpu.memory_space<hbm>>
      %dma_wait3A_72 = tpu.memref_slice %arg4[%mul3A_23] : memref<327680xi32, #tpu.memory_space<hbm>> -> memref<128xi32, #tpu.memory_space<hbm>>
      tpu.wait_dma2 semaphore(%run_scoped3A : memref<!tpu.dma_semaphore, #tpu.memory_space<semaphore_mem>>) src(%dma_wait3A_72 : memref<128xi32, #tpu.memory_space<hbm>>) dst(%arg8 : memref<128xi32, #tpu.memory_space<vmem>>)
      tpu.yield
    }) : () -> ()
    %dma_start3A = arith.constant 0 : i32
    %dma_start3A_24 = arith.constant 0 : i32
    %dma_start3A_25 = tpu.memref_slice %arg2[%dma_start3A, %dma_start3A_24] : memref<10000x128xf32, #tpu.memory_space<hbm>> -> memref<10000x128xf32, #tpu.memory_space<hbm>>
    tpu.enqueue_indirect_dma source(%dma_start3A_25 : memref<10000x128xf32, #tpu.memory_space<hbm>>) target(%arg11 : memref<128x128xf32, #tpu.memory_space<vmem>>) offsets(%arg7 : memref<128xi32, #tpu.memory_space<vmem>>) semaphore(%arg14 : memref<!tpu.dma_semaphore, #tpu.memory_space<semaphore_mem>>)
    %add3A_26 = arith.constant 128 : i32
    %add3A_27 = arith.addi %mul3A_23, %add3A_26 : i32
    "tpu.region"() ({
      %run_scoped3A = tpu.sem_alloc : memref<!tpu.dma_semaphore, #tpu.memory_space<semaphore_mem>>
      %dma_start3A_70 = tpu.memref_slice %arg3[%add3A_27] : memref<327680xi32, #tpu.memory_space<hbm>> -> memref<128xi32, #tpu.memory_space<hbm>>
      %dma_start3A_71 = tpu.memref_slice %arg3[%add3A_27] : memref<327680xi32, #tpu.memory_space<hbm>> -> memref<128xi32, #tpu.memory_space<hbm>>
      tpu.enqueue_dma source(%dma_start3A_71 : memref<128xi32, #tpu.memory_space<hbm>>) target(%arg9 : memref<128xi32, #tpu.memory_space<vmem>>) target_semaphore(%run_scoped3A : memref<!tpu.dma_semaphore, #tpu.memory_space<semaphore_mem>>)
      %dma_wait3A = tpu.memref_slice %arg3[%add3A_27] : memref<327680xi32, #tpu.memory_space<hbm>> -> memref<128xi32, #tpu.memory_space<hbm>>
      %dma_wait3A_72 = tpu.memref_slice %arg3[%add3A_27] : memref<327680xi32, #tpu.memory_space<hbm>> -> memref<128xi32, #tpu.memory_space<hbm>>
      tpu.wait_dma2 semaphore(%run_scoped3A : memref<!tpu.dma_semaphore, #tpu.memory_space<semaphore_mem>>) src(%dma_wait3A_72 : memref<128xi32, #tpu.memory_space<hbm>>) dst(%arg9 : memref<128xi32, #tpu.memory_space<vmem>>)
      tpu.yield
    }) : () -> ()
    %add3A_28 = arith.constant 128 : i32
    %add3A_29 = arith.addi %mul3A_23, %add3A_28 : i32
    "tpu.region"() ({
      %run_scoped3A = tpu.sem_alloc : memref<!tpu.dma_semaphore, #tpu.memory_space<semaphore_mem>>
      %dma_start3A_70 = tpu.memref_slice %arg4[%add3A_29] : memref<327680xi32, #tpu.memory_space<hbm>> -> memref<128xi32, #tpu.memory_space<hbm>>
      %dma_start3A_71 = tpu.memref_slice %arg4[%add3A_29] : memref<327680xi32, #tpu.memory_space<hbm>> -> memref<128xi32, #tpu.memory_space<hbm>>
      tpu.enqueue_dma source(%dma_start3A_71 : memref<128xi32, #tpu.memory_space<hbm>>) target(%arg10 : memref<128xi32, #tpu.memory_space<vmem>>) target_semaphore(%run_scoped3A : memref<!tpu.dma_semaphore, #tpu.memory_space<semaphore_mem>>)
      %dma_wait3A = tpu.memref_slice %arg4[%add3A_29] : memref<327680xi32, #tpu.memory_space<hbm>> -> memref<128xi32, #tpu.memory_space<hbm>>
      %dma_wait3A_72 = tpu.memref_slice %arg4[%add3A_29] : memref<327680xi32, #tpu.memory_space<hbm>> -> memref<128xi32, #tpu.memory_space<hbm>>
      tpu.wait_dma2 semaphore(%run_scoped3A : memref<!tpu.dma_semaphore, #tpu.memory_space<semaphore_mem>>) src(%dma_wait3A_72 : memref<128xi32, #tpu.memory_space<hbm>>) dst(%arg10 : memref<128xi32, #tpu.memory_space<vmem>>)
      tpu.yield
    }) : () -> ()
    %dma_start3A_30 = arith.constant 0 : i32
    %dma_start3A_31 = arith.constant 0 : i32
    %dma_start3A_32 = tpu.memref_slice %arg2[%dma_start3A_30, %dma_start3A_31] : memref<10000x128xf32, #tpu.memory_space<hbm>> -> memref<10000x128xf32, #tpu.memory_space<hbm>>
    tpu.enqueue_indirect_dma source(%dma_start3A_32 : memref<10000x128xf32, #tpu.memory_space<hbm>>) target(%arg12 : memref<128x128xf32, #tpu.memory_space<vmem>>) offsets(%arg9 : memref<128xi32, #tpu.memory_space<vmem>>) semaphore(%arg15 : memref<!tpu.dma_semaphore, #tpu.memory_space<semaphore_mem>>)
    %jit3A = arith.constant 2 : i32
    %div3A = arith.divsi %select_n3A_3, %jit3A : i32
    %sign3A = arith.constant 0 : i32
    %sign3A_33 = arith.cmpi sgt, %select_n3A_3, %sign3A : i32
    %sign3A_34 = arith.extui %sign3A_33 : i1 to i32
    %sign3A_35 = arith.constant 0 : i32
    %sign3A_36 = arith.cmpi slt, %select_n3A_3, %sign3A_35 : i32
    %sign3A_37 = arith.extui %sign3A_36 : i1 to i32
    %sign3A_38 = arith.subi %sign3A_34, %sign3A_37 : i32
    %sign3A_39 = arith.constant 0 : i32
    %sign3A_40 = arith.cmpi sgt, %jit3A, %sign3A_39 : i32
    %sign3A_41 = arith.extui %sign3A_40 : i1 to i32
    %sign3A_42 = arith.constant 0 : i32
    %sign3A_43 = arith.cmpi slt, %jit3A, %sign3A_42 : i32
    %sign3A_44 = arith.extui %sign3A_43 : i1 to i32
    %sign3A_45 = arith.subi %sign3A_41, %sign3A_44 : i32
    %ne3A = arith.cmpi ne, %sign3A_38, %sign3A_45 : i32
    %rem3A = arith.remsi %select_n3A_3, %jit3A : i32
    %ne3A_46 = arith.constant 0 : i32
    %ne3A_47 = arith.cmpi ne, %rem3A, %ne3A_46 : i32
    %and3A = arith.andi %ne3A, %ne3A_47 : i1
    %sub3A = arith.constant 1 : i32
    %sub3A_48 = arith.subi %div3A, %sub3A : i32
    %select_n3A_49 = arith.select %and3A, %sub3A_48, %div3A : i32
    %while3A = arith.constant 0 : i32
    %while3A_50 = arith.constant 0 : i32
    %while3A_51 = arith.subi %select_n3A_49, %while3A_50 : i32
    %while3A_52 = arith.addi %while3A_50, %while3A_51 : i32
    %while3A_53 = arith.constant 1 : i32
    %while3A_54 = arith.divsi %while3A_51, %while3A_53 : i32
    %while3A_55 = arith.muli %while3A_54, %while3A_53 : i32
    %while3A_56 = arith.addi %while3A_50, %while3A_55 : i32
    %while3A_57 = arith.constant 1 : i32
    scf.for %while3A_70 = %while3A_50 to %while3A_56 step %while3A_57  : i32 {
      %dma_wait3A = arith.constant 0 : i32
      %dma_wait3A_71 = arith.constant 0 : i32
      %dma_wait3A_72 = tpu.memref_slice %arg2[%dma_wait3A, %dma_wait3A_71] : memref<10000x128xf32, #tpu.memory_space<hbm>> -> memref<10000x128xf32, #tpu.memory_space<hbm>>
      tpu.wait_indirect_dma semaphore(%arg14 : memref<!tpu.dma_semaphore, #tpu.memory_space<semaphore_mem>>) src(%dma_wait3A_72 : memref<10000x128xf32, #tpu.memory_space<hbm>>) dst(%arg11 : memref<128x128xf32, #tpu.memory_space<vmem>>)
      "tpu.region"() ({
        %run_scoped3A = tpu.sem_alloc : memref<!tpu.dma_semaphore, #tpu.memory_space<semaphore_mem>>
        %dma_start3A_133 = arith.constant 0 : i32
        %dma_start3A_134 = arith.constant 0 : i32
        %dma_start3A_135 = tpu.memref_slice %arg13[%dma_start3A_133, %dma_start3A_134] : memref<10240x128xf32, #tpu.memory_space<vmem_shared>> -> memref<10240x128xf32, #tpu.memory_space<vmem_shared>>
        tpu.enqueue_indirect_dma source(%arg11 : memref<128x128xf32, #tpu.memory_space<vmem>>) target(%dma_start3A_135 : memref<10240x128xf32, #tpu.memory_space<vmem_shared>>) offsets(%arg8 : memref<128xi32, #tpu.memory_space<vmem>>) semaphore(%run_scoped3A : memref<!tpu.dma_semaphore, #tpu.memory_space<semaphore_mem>>) {add = true}
        %dma_wait3A_136 = arith.constant 0 : i32
        %dma_wait3A_137 = arith.constant 0 : i32
        %dma_wait3A_138 = tpu.memref_slice %arg13[%dma_wait3A_136, %dma_wait3A_137] : memref<10240x128xf32, #tpu.memory_space<vmem_shared>> -> memref<10240x128xf32, #tpu.memory_space<vmem_shared>>
        tpu.wait_indirect_dma semaphore(%run_scoped3A : memref<!tpu.dma_semaphore, #tpu.memory_space<semaphore_mem>>) src(%arg11 : memref<128x128xf32, #tpu.memory_space<vmem>>) dst(%dma_wait3A_138 : memref<10240x128xf32, #tpu.memory_space<vmem_shared>>)
        tpu.yield
      }) : () -> ()
      %jit3A_73 = arith.constant 2 : i32
      %div3A_74 = arith.divsi %select_n3A_3, %jit3A_73 : i32
      %sign3A_75 = arith.constant 0 : i32
      %sign3A_76 = arith.cmpi sgt, %select_n3A_3, %sign3A_75 : i32
      %sign3A_77 = arith.extui %sign3A_76 : i1 to i32
      %sign3A_78 = arith.constant 0 : i32
      %sign3A_79 = arith.cmpi slt, %select_n3A_3, %sign3A_78 : i32
      %sign3A_80 = arith.extui %sign3A_79 : i1 to i32
      %sign3A_81 = arith.subi %sign3A_77, %sign3A_80 : i32
      %sign3A_82 = arith.constant 0 : i32
      %sign3A_83 = arith.cmpi sgt, %jit3A_73, %sign3A_82 : i32
      %sign3A_84 = arith.extui %sign3A_83 : i1 to i32
      %sign3A_85 = arith.constant 0 : i32
      %sign3A_86 = arith.cmpi slt, %jit3A_73, %sign3A_85 : i32
      %sign3A_87 = arith.extui %sign3A_86 : i1 to i32
      %sign3A_88 = arith.subi %sign3A_84, %sign3A_87 : i32
      %ne3A_89 = arith.cmpi ne, %sign3A_81, %sign3A_88 : i32
      %rem3A_90 = arith.remsi %select_n3A_3, %jit3A_73 : i32
      %ne3A_91 = arith.constant 0 : i32
      %ne3A_92 = arith.cmpi ne, %rem3A_90, %ne3A_91 : i32
      %and3A_93 = arith.andi %ne3A_89, %ne3A_92 : i1
      %sub3A_94 = arith.constant 1 : i32
      %sub3A_95 = arith.subi %div3A_74, %sub3A_94 : i32
      %select_n3A_96 = arith.select %and3A_93, %sub3A_95, %div3A_74 : i32
      %sub3A_97 = arith.constant 1 : i32
      %sub3A_98 = arith.subi %select_n3A_96, %sub3A_97 : i32
      %lt3A = arith.cmpi slt, %while3A_70, %sub3A_98 : i32
      %convert_element_type3A = arith.extui %lt3A : i1 to i32
      %cond3A = arith.constant 0 : i32
      %cond3A_99 = arith.cmpi ne, %convert_element_type3A, %cond3A : i32
      scf.if %cond3A_99 {
        %mul3A_133 = arith.constant 2 : i32
        %mul3A_134 = arith.muli %mul3A_133, %while3A_70 : i32
        %add3A_135 = arith.constant 2 : i32
        %add3A_136 = arith.addi %mul3A_134, %add3A_135 : i32
        %mul3A_137 = arith.constant 128 : i32
        %mul3A_138 = arith.muli %add3A_136, %mul3A_137 : i32
        %add3A_139 = arith.addi %mul3A_23, %mul3A_138 : i32
        "tpu.region"() ({
          %run_scoped3A = tpu.sem_alloc : memref<!tpu.dma_semaphore, #tpu.memory_space<semaphore_mem>>
          %dma_start3A_143 = tpu.memref_slice %arg3[%add3A_139] : memref<327680xi32, #tpu.memory_space<hbm>> -> memref<128xi32, #tpu.memory_space<hbm>>
          %dma_start3A_144 = tpu.memref_slice %arg3[%add3A_139] : memref<327680xi32, #tpu.memory_space<hbm>> -> memref<128xi32, #tpu.memory_space<hbm>>
          tpu.enqueue_dma source(%dma_start3A_144 : memref<128xi32, #tpu.memory_space<hbm>>) target(%arg7 : memref<128xi32, #tpu.memory_space<vmem>>) target_semaphore(%run_scoped3A : memref<!tpu.dma_semaphore, #tpu.memory_space<semaphore_mem>>)
          %dma_wait3A_145 = tpu.memref_slice %arg3[%add3A_139] : memref<327680xi32, #tpu.memory_space<hbm>> -> memref<128xi32, #tpu.memory_space<hbm>>
          %dma_wait3A_146 = tpu.memref_slice %arg3[%add3A_139] : memref<327680xi32, #tpu.memory_space<hbm>> -> memref<128xi32, #tpu.memory_space<hbm>>
          tpu.wait_dma2 semaphore(%run_scoped3A : memref<!tpu.dma_semaphore, #tpu.memory_space<semaphore_mem>>) src(%dma_wait3A_146 : memref<128xi32, #tpu.memory_space<hbm>>) dst(%arg7 : memref<128xi32, #tpu.memory_space<vmem>>)
          tpu.yield
        }) : () -> ()
        "tpu.region"() ({
          %run_scoped3A = tpu.sem_alloc : memref<!tpu.dma_semaphore, #tpu.memory_space<semaphore_mem>>
          %dma_start3A_143 = tpu.memref_slice %arg4[%add3A_139] : memref<327680xi32, #tpu.memory_space<hbm>> -> memref<128xi32, #tpu.memory_space<hbm>>
          %dma_start3A_144 = tpu.memref_slice %arg4[%add3A_139] : memref<327680xi32, #tpu.memory_space<hbm>> -> memref<128xi32, #tpu.memory_space<hbm>>
          tpu.enqueue_dma source(%dma_start3A_144 : memref<128xi32, #tpu.memory_space<hbm>>) target(%arg8 : memref<128xi32, #tpu.memory_space<vmem>>) target_semaphore(%run_scoped3A : memref<!tpu.dma_semaphore, #tpu.memory_space<semaphore_mem>>)
          %dma_wait3A_145 = tpu.memref_slice %arg4[%add3A_139] : memref<327680xi32, #tpu.memory_space<hbm>> -> memref<128xi32, #tpu.memory_space<hbm>>
          %dma_wait3A_146 = tpu.memref_slice %arg4[%add3A_139] : memref<327680xi32, #tpu.memory_space<hbm>> -> memref<128xi32, #tpu.memory_space<hbm>>
          tpu.wait_dma2 semaphore(%run_scoped3A : memref<!tpu.dma_semaphore, #tpu.memory_space<semaphore_mem>>) src(%dma_wait3A_146 : memref<128xi32, #tpu.memory_space<hbm>>) dst(%arg8 : memref<128xi32, #tpu.memory_space<vmem>>)
          tpu.yield
        }) : () -> ()
        %dma_start3A_140 = arith.constant 0 : i32
        %dma_start3A_141 = arith.constant 0 : i32
        %dma_start3A_142 = tpu.memref_slice %arg2[%dma_start3A_140, %dma_start3A_141] : memref<10000x128xf32, #tpu.memory_space<hbm>> -> memref<10000x128xf32, #tpu.memory_space<hbm>>
        tpu.enqueue_indirect_dma source(%dma_start3A_142 : memref<10000x128xf32, #tpu.memory_space<hbm>>) target(%arg11 : memref<128x128xf32, #tpu.memory_space<vmem>>) offsets(%arg7 : memref<128xi32, #tpu.memory_space<vmem>>) semaphore(%arg14 : memref<!tpu.dma_semaphore, #tpu.memory_space<semaphore_mem>>)
      } else {
      }
      %dma_wait3A_100 = arith.constant 0 : i32
      %dma_wait3A_101 = arith.constant 0 : i32
      %dma_wait3A_102 = tpu.memref_slice %arg2[%dma_wait3A_100, %dma_wait3A_101] : memref<10000x128xf32, #tpu.memory_space<hbm>> -> memref<10000x128xf32, #tpu.memory_space<hbm>>
      tpu.wait_indirect_dma semaphore(%arg15 : memref<!tpu.dma_semaphore, #tpu.memory_space<semaphore_mem>>) src(%dma_wait3A_102 : memref<10000x128xf32, #tpu.memory_space<hbm>>) dst(%arg12 : memref<128x128xf32, #tpu.memory_space<vmem>>)
      "tpu.region"() ({
        %run_scoped3A = tpu.sem_alloc : memref<!tpu.dma_semaphore, #tpu.memory_space<semaphore_mem>>
        %dma_start3A_133 = arith.constant 0 : i32
        %dma_start3A_134 = arith.constant 0 : i32
        %dma_start3A_135 = tpu.memref_slice %arg13[%dma_start3A_133, %dma_start3A_134] : memref<10240x128xf32, #tpu.memory_space<vmem_shared>> -> memref<10240x128xf32, #tpu.memory_space<vmem_shared>>
        tpu.enqueue_indirect_dma source(%arg12 : memref<128x128xf32, #tpu.memory_space<vmem>>) target(%dma_start3A_135 : memref<10240x128xf32, #tpu.memory_space<vmem_shared>>) offsets(%arg10 : memref<128xi32, #tpu.memory_space<vmem>>) semaphore(%run_scoped3A : memref<!tpu.dma_semaphore, #tpu.memory_space<semaphore_mem>>) {add = true}
        %dma_wait3A_136 = arith.constant 0 : i32
        %dma_wait3A_137 = arith.constant 0 : i32
        %dma_wait3A_138 = tpu.memref_slice %arg13[%dma_wait3A_136, %dma_wait3A_137] : memref<10240x128xf32, #tpu.memory_space<vmem_shared>> -> memref<10240x128xf32, #tpu.memory_space<vmem_shared>>
        tpu.wait_indirect_dma semaphore(%run_scoped3A : memref<!tpu.dma_semaphore, #tpu.memory_space<semaphore_mem>>) src(%arg12 : memref<128x128xf32, #tpu.memory_space<vmem>>) dst(%dma_wait3A_138 : memref<10240x128xf32, #tpu.memory_space<vmem_shared>>)
        tpu.yield
      }) : () -> ()
      %jit3A_103 = arith.constant 2 : i32
      %div3A_104 = arith.divsi %select_n3A_3, %jit3A_103 : i32
      %sign3A_105 = arith.constant 0 : i32
      %sign3A_106 = arith.cmpi sgt, %select_n3A_3, %sign3A_105 : i32
      %sign3A_107 = arith.extui %sign3A_106 : i1 to i32
      %sign3A_108 = arith.constant 0 : i32
      %sign3A_109 = arith.cmpi slt, %select_n3A_3, %sign3A_108 : i32
      %sign3A_110 = arith.extui %sign3A_109 : i1 to i32
      %sign3A_111 = arith.subi %sign3A_107, %sign3A_110 : i32
      %sign3A_112 = arith.constant 0 : i32
      %sign3A_113 = arith.cmpi sgt, %jit3A_103, %sign3A_112 : i32
      %sign3A_114 = arith.extui %sign3A_113 : i1 to i32
      %sign3A_115 = arith.constant 0 : i32
      %sign3A_116 = arith.cmpi slt, %jit3A_103, %sign3A_115 : i32
      %sign3A_117 = arith.extui %sign3A_116 : i1 to i32
      %sign3A_118 = arith.subi %sign3A_114, %sign3A_117 : i32
      %ne3A_119 = arith.cmpi ne, %sign3A_111, %sign3A_118 : i32
      %rem3A_120 = arith.remsi %select_n3A_3, %jit3A_103 : i32
      %ne3A_121 = arith.constant 0 : i32
      %ne3A_122 = arith.cmpi ne, %rem3A_120, %ne3A_121 : i32
      %and3A_123 = arith.andi %ne3A_119, %ne3A_122 : i1
      %sub3A_124 = arith.constant 1 : i32
      %sub3A_125 = arith.subi %div3A_104, %sub3A_124 : i32
      %select_n3A_126 = arith.select %and3A_123, %sub3A_125, %div3A_104 : i32
      %sub3A_127 = arith.constant 1 : i32
      %sub3A_128 = arith.subi %select_n3A_126, %sub3A_127 : i32
      %lt3A_129 = arith.cmpi slt, %while3A_70, %sub3A_128 : i32
      %convert_element_type3A_130 = arith.extui %lt3A_129 : i1 to i32
      %cond3A_131 = arith.constant 0 : i32
      %cond3A_132 = arith.cmpi ne, %convert_element_type3A_130, %cond3A_131 : i32
      scf.if %cond3A_132 {
        %mul3A_133 = arith.constant 2 : i32
        %mul3A_134 = arith.muli %mul3A_133, %while3A_70 : i32
        %add3A_135 = arith.constant 3 : i32
        %add3A_136 = arith.addi %mul3A_134, %add3A_135 : i32
        %mul3A_137 = arith.constant 128 : i32
        %mul3A_138 = arith.muli %add3A_136, %mul3A_137 : i32
        %add3A_139 = arith.addi %mul3A_23, %mul3A_138 : i32
        "tpu.region"() ({
          %run_scoped3A = tpu.sem_alloc : memref<!tpu.dma_semaphore, #tpu.memory_space<semaphore_mem>>
          %dma_start3A_143 = tpu.memref_slice %arg3[%add3A_139] : memref<327680xi32, #tpu.memory_space<hbm>> -> memref<128xi32, #tpu.memory_space<hbm>>
          %dma_start3A_144 = tpu.memref_slice %arg3[%add3A_139] : memref<327680xi32, #tpu.memory_space<hbm>> -> memref<128xi32, #tpu.memory_space<hbm>>
          tpu.enqueue_dma source(%dma_start3A_144 : memref<128xi32, #tpu.memory_space<hbm>>) target(%arg9 : memref<128xi32, #tpu.memory_space<vmem>>) target_semaphore(%run_scoped3A : memref<!tpu.dma_semaphore, #tpu.memory_space<semaphore_mem>>)
          %dma_wait3A_145 = tpu.memref_slice %arg3[%add3A_139] : memref<327680xi32, #tpu.memory_space<hbm>> -> memref<128xi32, #tpu.memory_space<hbm>>
          %dma_wait3A_146 = tpu.memref_slice %arg3[%add3A_139] : memref<327680xi32, #tpu.memory_space<hbm>> -> memref<128xi32, #tpu.memory_space<hbm>>
          tpu.wait_dma2 semaphore(%run_scoped3A : memref<!tpu.dma_semaphore, #tpu.memory_space<semaphore_mem>>) src(%dma_wait3A_146 : memref<128xi32, #tpu.memory_space<hbm>>) dst(%arg9 : memref<128xi32, #tpu.memory_space<vmem>>)
          tpu.yield
        }) : () -> ()
        "tpu.region"() ({
          %run_scoped3A = tpu.sem_alloc : memref<!tpu.dma_semaphore, #tpu.memory_space<semaphore_mem>>
          %dma_start3A_143 = tpu.memref_slice %arg4[%add3A_139] : memref<327680xi32, #tpu.memory_space<hbm>> -> memref<128xi32, #tpu.memory_space<hbm>>
          %dma_start3A_144 = tpu.memref_slice %arg4[%add3A_139] : memref<327680xi32, #tpu.memory_space<hbm>> -> memref<128xi32, #tpu.memory_space<hbm>>
          tpu.enqueue_dma source(%dma_start3A_144 : memref<128xi32, #tpu.memory_space<hbm>>) target(%arg10 : memref<128xi32, #tpu.memory_space<vmem>>) target_semaphore(%run_scoped3A : memref<!tpu.dma_semaphore, #tpu.memory_space<semaphore_mem>>)
          %dma_wait3A_145 = tpu.memref_slice %arg4[%add3A_139] : memref<327680xi32, #tpu.memory_space<hbm>> -> memref<128xi32, #tpu.memory_space<hbm>>
          %dma_wait3A_146 = tpu.memref_slice %arg4[%add3A_139] : memref<327680xi32, #tpu.memory_space<hbm>> -> memref<128xi32, #tpu.memory_space<hbm>>
          tpu.wait_dma2 semaphore(%run_scoped3A : memref<!tpu.dma_semaphore, #tpu.memory_space<semaphore_mem>>) src(%dma_wait3A_146 : memref<128xi32, #tpu.memory_space<hbm>>) dst(%arg10 : memref<128xi32, #tpu.memory_space<vmem>>)
          tpu.yield
        }) : () -> ()
        %dma_start3A_140 = arith.constant 0 : i32
        %dma_start3A_141 = arith.constant 0 : i32
        %dma_start3A_142 = tpu.memref_slice %arg2[%dma_start3A_140, %dma_start3A_141] : memref<10000x128xf32, #tpu.memory_space<hbm>> -> memref<10000x128xf32, #tpu.memory_space<hbm>>
        tpu.enqueue_indirect_dma source(%dma_start3A_142 : memref<10000x128xf32, #tpu.memory_space<hbm>>) target(%arg12 : memref<128x128xf32, #tpu.memory_space<vmem>>) offsets(%arg9 : memref<128xi32, #tpu.memory_space<vmem>>) semaphore(%arg15 : memref<!tpu.dma_semaphore, #tpu.memory_space<semaphore_mem>>)
      } else {
      }
    }
    %while3A_58 = arith.constant 1 : i32
    scf.for %while3A_70 = %while3A_56 to %while3A_52 step %while3A_58  : i32 {
      %dma_wait3A = arith.constant 0 : i32
      %dma_wait3A_71 = arith.constant 0 : i32
      %dma_wait3A_72 = tpu.memref_slice %arg2[%dma_wait3A, %dma_wait3A_71] : memref<10000x128xf32, #tpu.memory_space<hbm>> -> memref<10000x128xf32, #tpu.memory_space<hbm>>
      tpu.wait_indirect_dma semaphore(%arg14 : memref<!tpu.dma_semaphore, #tpu.memory_space<semaphore_mem>>) src(%dma_wait3A_72 : memref<10000x128xf32, #tpu.memory_space<hbm>>) dst(%arg11 : memref<128x128xf32, #tpu.memory_space<vmem>>)
      "tpu.region"() ({
        %run_scoped3A = tpu.sem_alloc : memref<!tpu.dma_semaphore, #tpu.memory_space<semaphore_mem>>
        %dma_start3A_133 = arith.constant 0 : i32
        %dma_start3A_134 = arith.constant 0 : i32
        %dma_start3A_135 = tpu.memref_slice %arg13[%dma_start3A_133, %dma_start3A_134] : memref<10240x128xf32, #tpu.memory_space<vmem_shared>> -> memref<10240x128xf32, #tpu.memory_space<vmem_shared>>
        tpu.enqueue_indirect_dma source(%arg11 : memref<128x128xf32, #tpu.memory_space<vmem>>) target(%dma_start3A_135 : memref<10240x128xf32, #tpu.memory_space<vmem_shared>>) offsets(%arg8 : memref<128xi32, #tpu.memory_space<vmem>>) semaphore(%run_scoped3A : memref<!tpu.dma_semaphore, #tpu.memory_space<semaphore_mem>>) {add = true}
        %dma_wait3A_136 = arith.constant 0 : i32
        %dma_wait3A_137 = arith.constant 0 : i32
        %dma_wait3A_138 = tpu.memref_slice %arg13[%dma_wait3A_136, %dma_wait3A_137] : memref<10240x128xf32, #tpu.memory_space<vmem_shared>> -> memref<10240x128xf32, #tpu.memory_space<vmem_shared>>
        tpu.wait_indirect_dma semaphore(%run_scoped3A : memref<!tpu.dma_semaphore, #tpu.memory_space<semaphore_mem>>) src(%arg11 : memref<128x128xf32, #tpu.memory_space<vmem>>) dst(%dma_wait3A_138 : memref<10240x128xf32, #tpu.memory_space<vmem_shared>>)
        tpu.yield
      }) : () -> ()
      %jit3A_73 = arith.constant 2 : i32
      %div3A_74 = arith.divsi %select_n3A_3, %jit3A_73 : i32
      %sign3A_75 = arith.constant 0 : i32
      %sign3A_76 = arith.cmpi sgt, %select_n3A_3, %sign3A_75 : i32
      %sign3A_77 = arith.extui %sign3A_76 : i1 to i32
      %sign3A_78 = arith.constant 0 : i32
      %sign3A_79 = arith.cmpi slt, %select_n3A_3, %sign3A_78 : i32
      %sign3A_80 = arith.extui %sign3A_79 : i1 to i32
      %sign3A_81 = arith.subi %sign3A_77, %sign3A_80 : i32
      %sign3A_82 = arith.constant 0 : i32
      %sign3A_83 = arith.cmpi sgt, %jit3A_73, %sign3A_82 : i32
      %sign3A_84 = arith.extui %sign3A_83 : i1 to i32
      %sign3A_85 = arith.constant 0 : i32
      %sign3A_86 = arith.cmpi slt, %jit3A_73, %sign3A_85 : i32
      %sign3A_87 = arith.extui %sign3A_86 : i1 to i32
      %sign3A_88 = arith.subi %sign3A_84, %sign3A_87 : i32
      %ne3A_89 = arith.cmpi ne, %sign3A_81, %sign3A_88 : i32
      %rem3A_90 = arith.remsi %select_n3A_3, %jit3A_73 : i32
      %ne3A_91 = arith.constant 0 : i32
      %ne3A_92 = arith.cmpi ne, %rem3A_90, %ne3A_91 : i32
      %and3A_93 = arith.andi %ne3A_89, %ne3A_92 : i1
      %sub3A_94 = arith.constant 1 : i32
      %sub3A_95 = arith.subi %div3A_74, %sub3A_94 : i32
      %select_n3A_96 = arith.select %and3A_93, %sub3A_95, %div3A_74 : i32
      %sub3A_97 = arith.constant 1 : i32
      %sub3A_98 = arith.subi %select_n3A_96, %sub3A_97 : i32
      %lt3A = arith.cmpi slt, %while3A_70, %sub3A_98 : i32
      %convert_element_type3A = arith.extui %lt3A : i1 to i32
      %cond3A = arith.constant 0 : i32
      %cond3A_99 = arith.cmpi ne, %convert_element_type3A, %cond3A : i32
      scf.if %cond3A_99 {
        %mul3A_133 = arith.constant 2 : i32
        %mul3A_134 = arith.muli %mul3A_133, %while3A_70 : i32
        %add3A_135 = arith.constant 2 : i32
        %add3A_136 = arith.addi %mul3A_134, %add3A_135 : i32
        %mul3A_137 = arith.constant 128 : i32
        %mul3A_138 = arith.muli %add3A_136, %mul3A_137 : i32
        %add3A_139 = arith.addi %mul3A_23, %mul3A_138 : i32
        "tpu.region"() ({
          %run_scoped3A = tpu.sem_alloc : memref<!tpu.dma_semaphore, #tpu.memory_space<semaphore_mem>>
          %dma_start3A_143 = tpu.memref_slice %arg3[%add3A_139] : memref<327680xi32, #tpu.memory_space<hbm>> -> memref<128xi32, #tpu.memory_space<hbm>>
          %dma_start3A_144 = tpu.memref_slice %arg3[%add3A_139] : memref<327680xi32, #tpu.memory_space<hbm>> -> memref<128xi32, #tpu.memory_space<hbm>>
          tpu.enqueue_dma source(%dma_start3A_144 : memref<128xi32, #tpu.memory_space<hbm>>) target(%arg7 : memref<128xi32, #tpu.memory_space<vmem>>) target_semaphore(%run_scoped3A : memref<!tpu.dma_semaphore, #tpu.memory_space<semaphore_mem>>)
          %dma_wait3A_145 = tpu.memref_slice %arg3[%add3A_139] : memref<327680xi32, #tpu.memory_space<hbm>> -> memref<128xi32, #tpu.memory_space<hbm>>
          %dma_wait3A_146 = tpu.memref_slice %arg3[%add3A_139] : memref<327680xi32, #tpu.memory_space<hbm>> -> memref<128xi32, #tpu.memory_space<hbm>>
          tpu.wait_dma2 semaphore(%run_scoped3A : memref<!tpu.dma_semaphore, #tpu.memory_space<semaphore_mem>>) src(%dma_wait3A_146 : memref<128xi32, #tpu.memory_space<hbm>>) dst(%arg7 : memref<128xi32, #tpu.memory_space<vmem>>)
          tpu.yield
        }) : () -> ()
        "tpu.region"() ({
          %run_scoped3A = tpu.sem_alloc : memref<!tpu.dma_semaphore, #tpu.memory_space<semaphore_mem>>
          %dma_start3A_143 = tpu.memref_slice %arg4[%add3A_139] : memref<327680xi32, #tpu.memory_space<hbm>> -> memref<128xi32, #tpu.memory_space<hbm>>
          %dma_start3A_144 = tpu.memref_slice %arg4[%add3A_139] : memref<327680xi32, #tpu.memory_space<hbm>> -> memref<128xi32, #tpu.memory_space<hbm>>
          tpu.enqueue_dma source(%dma_start3A_144 : memref<128xi32, #tpu.memory_space<hbm>>) target(%arg8 : memref<128xi32, #tpu.memory_space<vmem>>) target_semaphore(%run_scoped3A : memref<!tpu.dma_semaphore, #tpu.memory_space<semaphore_mem>>)
          %dma_wait3A_145 = tpu.memref_slice %arg4[%add3A_139] : memref<327680xi32, #tpu.memory_space<hbm>> -> memref<128xi32, #tpu.memory_space<hbm>>
          %dma_wait3A_146 = tpu.memref_slice %arg4[%add3A_139] : memref<327680xi32, #tpu.memory_space<hbm>> -> memref<128xi32, #tpu.memory_space<hbm>>
          tpu.wait_dma2 semaphore(%run_scoped3A : memref<!tpu.dma_semaphore, #tpu.memory_space<semaphore_mem>>) src(%dma_wait3A_146 : memref<128xi32, #tpu.memory_space<hbm>>) dst(%arg8 : memref<128xi32, #tpu.memory_space<vmem>>)
          tpu.yield
        }) : () -> ()
        %dma_start3A_140 = arith.constant 0 : i32
        %dma_start3A_141 = arith.constant 0 : i32
        %dma_start3A_142 = tpu.memref_slice %arg2[%dma_start3A_140, %dma_start3A_141] : memref<10000x128xf32, #tpu.memory_space<hbm>> -> memref<10000x128xf32, #tpu.memory_space<hbm>>
        tpu.enqueue_indirect_dma source(%dma_start3A_142 : memref<10000x128xf32, #tpu.memory_space<hbm>>) target(%arg11 : memref<128x128xf32, #tpu.memory_space<vmem>>) offsets(%arg7 : memref<128xi32, #tpu.memory_space<vmem>>) semaphore(%arg14 : memref<!tpu.dma_semaphore, #tpu.memory_space<semaphore_mem>>)
      } else {
      }
      %dma_wait3A_100 = arith.constant 0 : i32
      %dma_wait3A_101 = arith.constant 0 : i32
      %dma_wait3A_102 = tpu.memref_slice %arg2[%dma_wait3A_100, %dma_wait3A_101] : memref<10000x128xf32, #tpu.memory_space<hbm>> -> memref<10000x128xf32, #tpu.memory_space<hbm>>
      tpu.wait_indirect_dma semaphore(%arg15 : memref<!tpu.dma_semaphore, #tpu.memory_space<semaphore_mem>>) src(%dma_wait3A_102 : memref<10000x128xf32, #tpu.memory_space<hbm>>) dst(%arg12 : memref<128x128xf32, #tpu.memory_space<vmem>>)
      "tpu.region"() ({
        %run_scoped3A = tpu.sem_alloc : memref<!tpu.dma_semaphore, #tpu.memory_space<semaphore_mem>>
        %dma_start3A_133 = arith.constant 0 : i32
        %dma_start3A_134 = arith.constant 0 : i32
        %dma_start3A_135 = tpu.memref_slice %arg13[%dma_start3A_133, %dma_start3A_134] : memref<10240x128xf32, #tpu.memory_space<vmem_shared>> -> memref<10240x128xf32, #tpu.memory_space<vmem_shared>>
        tpu.enqueue_indirect_dma source(%arg12 : memref<128x128xf32, #tpu.memory_space<vmem>>) target(%dma_start3A_135 : memref<10240x128xf32, #tpu.memory_space<vmem_shared>>) offsets(%arg10 : memref<128xi32, #tpu.memory_space<vmem>>) semaphore(%run_scoped3A : memref<!tpu.dma_semaphore, #tpu.memory_space<semaphore_mem>>) {add = true}
        %dma_wait3A_136 = arith.constant 0 : i32
        %dma_wait3A_137 = arith.constant 0 : i32
        %dma_wait3A_138 = tpu.memref_slice %arg13[%dma_wait3A_136, %dma_wait3A_137] : memref<10240x128xf32, #tpu.memory_space<vmem_shared>> -> memref<10240x128xf32, #tpu.memory_space<vmem_shared>>
        tpu.wait_indirect_dma semaphore(%run_scoped3A : memref<!tpu.dma_semaphore, #tpu.memory_space<semaphore_mem>>) src(%arg12 : memref<128x128xf32, #tpu.memory_space<vmem>>) dst(%dma_wait3A_138 : memref<10240x128xf32, #tpu.memory_space<vmem_shared>>)
        tpu.yield
      }) : () -> ()
      %jit3A_103 = arith.constant 2 : i32
      %div3A_104 = arith.divsi %select_n3A_3, %jit3A_103 : i32
      %sign3A_105 = arith.constant 0 : i32
      %sign3A_106 = arith.cmpi sgt, %select_n3A_3, %sign3A_105 : i32
      %sign3A_107 = arith.extui %sign3A_106 : i1 to i32
      %sign3A_108 = arith.constant 0 : i32
      %sign3A_109 = arith.cmpi slt, %select_n3A_3, %sign3A_108 : i32
      %sign3A_110 = arith.extui %sign3A_109 : i1 to i32
      %sign3A_111 = arith.subi %sign3A_107, %sign3A_110 : i32
      %sign3A_112 = arith.constant 0 : i32
      %sign3A_113 = arith.cmpi sgt, %jit3A_103, %sign3A_112 : i32
      %sign3A_114 = arith.extui %sign3A_113 : i1 to i32
      %sign3A_115 = arith.constant 0 : i32
      %sign3A_116 = arith.cmpi slt, %jit3A_103, %sign3A_115 : i32
      %sign3A_117 = arith.extui %sign3A_116 : i1 to i32
      %sign3A_118 = arith.subi %sign3A_114, %sign3A_117 : i32
      %ne3A_119 = arith.cmpi ne, %sign3A_111, %sign3A_118 : i32
      %rem3A_120 = arith.remsi %select_n3A_3, %jit3A_103 : i32
      %ne3A_121 = arith.constant 0 : i32
      %ne3A_122 = arith.cmpi ne, %rem3A_120, %ne3A_121 : i32
      %and3A_123 = arith.andi %ne3A_119, %ne3A_122 : i1
      %sub3A_124 = arith.constant 1 : i32
      %sub3A_125 = arith.subi %div3A_104, %sub3A_124 : i32
      %select_n3A_126 = arith.select %and3A_123, %sub3A_125, %div3A_104 : i32
      %sub3A_127 = arith.constant 1 : i32
      %sub3A_128 = arith.subi %select_n3A_126, %sub3A_127 : i32
      %lt3A_129 = arith.cmpi slt, %while3A_70, %sub3A_128 : i32
      %convert_element_type3A_130 = arith.extui %lt3A_129 : i1 to i32
      %cond3A_131 = arith.constant 0 : i32
      %cond3A_132 = arith.cmpi ne, %convert_element_type3A_130, %cond3A_131 : i32
      scf.if %cond3A_132 {
        %mul3A_133 = arith.constant 2 : i32
        %mul3A_134 = arith.muli %mul3A_133, %while3A_70 : i32
        %add3A_135 = arith.constant 3 : i32
        %add3A_136 = arith.addi %mul3A_134, %add3A_135 : i32
        %mul3A_137 = arith.constant 128 : i32
        %mul3A_138 = arith.muli %add3A_136, %mul3A_137 : i32
        %add3A_139 = arith.addi %mul3A_23, %mul3A_138 : i32
        "tpu.region"() ({
          %run_scoped3A = tpu.sem_alloc : memref<!tpu.dma_semaphore, #tpu.memory_space<semaphore_mem>>
          %dma_start3A_143 = tpu.memref_slice %arg3[%add3A_139] : memref<327680xi32, #tpu.memory_space<hbm>> -> memref<128xi32, #tpu.memory_space<hbm>>
          %dma_start3A_144 = tpu.memref_slice %arg3[%add3A_139] : memref<327680xi32, #tpu.memory_space<hbm>> -> memref<128xi32, #tpu.memory_space<hbm>>
          tpu.enqueue_dma source(%dma_start3A_144 : memref<128xi32, #tpu.memory_space<hbm>>) target(%arg9 : memref<128xi32, #tpu.memory_space<vmem>>) target_semaphore(%run_scoped3A : memref<!tpu.dma_semaphore, #tpu.memory_space<semaphore_mem>>)
          %dma_wait3A_145 = tpu.memref_slice %arg3[%add3A_139] : memref<327680xi32, #tpu.memory_space<hbm>> -> memref<128xi32, #tpu.memory_space<hbm>>
          %dma_wait3A_146 = tpu.memref_slice %arg3[%add3A_139] : memref<327680xi32, #tpu.memory_space<hbm>> -> memref<128xi32, #tpu.memory_space<hbm>>
          tpu.wait_dma2 semaphore(%run_scoped3A : memref<!tpu.dma_semaphore, #tpu.memory_space<semaphore_mem>>) src(%dma_wait3A_146 : memref<128xi32, #tpu.memory_space<hbm>>) dst(%arg9 : memref<128xi32, #tpu.memory_space<vmem>>)
          tpu.yield
        }) : () -> ()
        "tpu.region"() ({
          %run_scoped3A = tpu.sem_alloc : memref<!tpu.dma_semaphore, #tpu.memory_space<semaphore_mem>>
          %dma_start3A_143 = tpu.memref_slice %arg4[%add3A_139] : memref<327680xi32, #tpu.memory_space<hbm>> -> memref<128xi32, #tpu.memory_space<hbm>>
          %dma_start3A_144 = tpu.memref_slice %arg4[%add3A_139] : memref<327680xi32, #tpu.memory_space<hbm>> -> memref<128xi32, #tpu.memory_space<hbm>>
          tpu.enqueue_dma source(%dma_start3A_144 : memref<128xi32, #tpu.memory_space<hbm>>) target(%arg10 : memref<128xi32, #tpu.memory_space<vmem>>) target_semaphore(%run_scoped3A : memref<!tpu.dma_semaphore, #tpu.memory_space<semaphore_mem>>)
          %dma_wait3A_145 = tpu.memref_slice %arg4[%add3A_139] : memref<327680xi32, #tpu.memory_space<hbm>> -> memref<128xi32, #tpu.memory_space<hbm>>
          %dma_wait3A_146 = tpu.memref_slice %arg4[%add3A_139] : memref<327680xi32, #tpu.memory_space<hbm>> -> memref<128xi32, #tpu.memory_space<hbm>>
          tpu.wait_dma2 semaphore(%run_scoped3A : memref<!tpu.dma_semaphore, #tpu.memory_space<semaphore_mem>>) src(%dma_wait3A_146 : memref<128xi32, #tpu.memory_space<hbm>>) dst(%arg10 : memref<128xi32, #tpu.memory_space<vmem>>)
          tpu.yield
        }) : () -> ()
        %dma_start3A_140 = arith.constant 0 : i32
        %dma_start3A_141 = arith.constant 0 : i32
        %dma_start3A_142 = tpu.memref_slice %arg2[%dma_start3A_140, %dma_start3A_141] : memref<10000x128xf32, #tpu.memory_space<hbm>> -> memref<10000x128xf32, #tpu.memory_space<hbm>>
        tpu.enqueue_indirect_dma source(%dma_start3A_142 : memref<10000x128xf32, #tpu.memory_space<hbm>>) target(%arg12 : memref<128x128xf32, #tpu.memory_space<vmem>>) offsets(%arg9 : memref<128xi32, #tpu.memory_space<vmem>>) semaphore(%arg15 : memref<!tpu.dma_semaphore, #tpu.memory_space<semaphore_mem>>)
      } else {
      }
    }
    %barrier3A_59 = arith.constant 0 : index
    tpu.barrier barrier_id(%barrier3A_59)
    %add3A_60 = arith.constant 0 : i32
    %add3A_61 = arith.addi %mul3A_0, %add3A_60 : i32
    "tpu.region"() ({
      %run_scoped3A = tpu.sem_alloc : memref<!tpu.dma_semaphore, #tpu.memory_space<semaphore_mem>>
      %dma_start3A_70 = arith.constant 0 : i32
      %dma_start3A_71 = tpu.memref_slice %arg13[%add3A_61, %dma_start3A_70] : memref<10240x128xf32, #tpu.memory_space<vmem_shared>> -> memref<128x128xf32, #tpu.memory_space<vmem_shared>>
      %dma_start3A_72 = arith.constant 0 : i32
      %dma_start3A_73 = tpu.memref_slice %arg13[%add3A_61, %dma_start3A_72] : memref<10240x128xf32, #tpu.memory_space<vmem_shared>> -> memref<128x128xf32, #tpu.memory_space<vmem_shared>>
      tpu.enqueue_dma source(%dma_start3A_73 : memref<128x128xf32, #tpu.memory_space<vmem_shared>>) target(%arg11 : memref<128x128xf32, #tpu.memory_space<vmem>>) target_semaphore(%run_scoped3A : memref<!tpu.dma_semaphore, #tpu.memory_space<semaphore_mem>>)
      %dma_wait3A = arith.constant 0 : i32
      %dma_wait3A_74 = tpu.memref_slice %arg13[%add3A_61, %dma_wait3A] : memref<10240x128xf32, #tpu.memory_space<vmem_shared>> -> memref<128x128xf32, #tpu.memory_space<vmem_shared>>
      %dma_wait3A_75 = arith.constant 0 : i32
      %dma_wait3A_76 = tpu.memref_slice %arg13[%add3A_61, %dma_wait3A_75] : memref<10240x128xf32, #tpu.memory_space<vmem_shared>> -> memref<128x128xf32, #tpu.memory_space<vmem_shared>>
      tpu.wait_dma2 semaphore(%run_scoped3A : memref<!tpu.dma_semaphore, #tpu.memory_space<semaphore_mem>>) src(%dma_wait3A_76 : memref<128x128xf32, #tpu.memory_space<vmem_shared>>) dst(%arg11 : memref<128x128xf32, #tpu.memory_space<vmem>>)
      tpu.yield
    }) : () -> ()
    "tpu.region"() ({
      %run_scoped3A = tpu.sem_alloc : memref<!tpu.dma_semaphore, #tpu.memory_space<semaphore_mem>>
      %dma_start3A_70 = arith.constant 0 : i32
      %dma_start3A_71 = tpu.memref_slice %arg6[%arg0, %add3A_61, %dma_start3A_70] : memref<2x10240x128xf32, #tpu.memory_space<hbm>> -> memref<1x128x128xf32, #tpu.memory_space<hbm>>
      %dma_start3A_72 = tpu.memref_squeeze %dma_start3A_71 : memref<1x128x128xf32, #tpu.memory_space<hbm>> -> memref<128x128xf32, #tpu.memory_space<hbm>>
      %dma_start3A_73 = arith.constant 0 : i32
      %dma_start3A_74 = tpu.memref_slice %arg6[%arg0, %add3A_61, %dma_start3A_73] : memref<2x10240x128xf32, #tpu.memory_space<hbm>> -> memref<1x128x128xf32, #tpu.memory_space<hbm>>
      %dma_start3A_75 = tpu.memref_squeeze %dma_start3A_74 : memref<1x128x128xf32, #tpu.memory_space<hbm>> -> memref<128x128xf32, #tpu.memory_space<hbm>>
      tpu.enqueue_dma source(%arg11 : memref<128x128xf32, #tpu.memory_space<vmem>>) target(%dma_start3A_75 : memref<128x128xf32, #tpu.memory_space<hbm>>) target_semaphore(%run_scoped3A : memref<!tpu.dma_semaphore, #tpu.memory_space<semaphore_mem>>)
      %dma_wait3A = arith.constant 0 : i32
      %dma_wait3A_76 = tpu.memref_slice %arg6[%arg0, %add3A_61, %dma_wait3A] : memref<2x10240x128xf32, #tpu.memory_space<hbm>> -> memref<1x128x128xf32, #tpu.memory_space<hbm>>
      %dma_wait3A_77 = tpu.memref_squeeze %dma_wait3A_76 : memref<1x128x128xf32, #tpu.memory_space<hbm>> -> memref<128x128xf32, #tpu.memory_space<hbm>>
      %dma_wait3A_78 = arith.constant 0 : i32
      %dma_wait3A_79 = tpu.memref_slice %arg6[%arg0, %add3A_61, %dma_wait3A_78] : memref<2x10240x128xf32, #tpu.memory_space<hbm>> -> memref<1x128x128xf32, #tpu.memory_space<hbm>>
      %dma_wait3A_80 = tpu.memref_squeeze %dma_wait3A_79 : memref<1x128x128xf32, #tpu.memory_space<hbm>> -> memref<128x128xf32, #tpu.memory_space<hbm>>
      tpu.wait_dma2 semaphore(%run_scoped3A : memref<!tpu.dma_semaphore, #tpu.memory_space<semaphore_mem>>) src(%arg11 : memref<128x128xf32, #tpu.memory_space<vmem>>) dst(%dma_wait3A_80 : memref<128x128xf32, #tpu.memory_space<hbm>>)
      tpu.yield
    }) : () -> ()
    %add3A_62 = arith.constant 128 : i32
    %add3A_63 = arith.addi %mul3A_0, %add3A_62 : i32
    "tpu.region"() ({
      %run_scoped3A = tpu.sem_alloc : memref<!tpu.dma_semaphore, #tpu.memory_space<semaphore_mem>>
      %dma_start3A_70 = arith.constant 0 : i32
      %dma_start3A_71 = tpu.memref_slice %arg13[%add3A_63, %dma_start3A_70] : memref<10240x128xf32, #tpu.memory_space<vmem_shared>> -> memref<128x128xf32, #tpu.memory_space<vmem_shared>>
      %dma_start3A_72 = arith.constant 0 : i32
      %dma_start3A_73 = tpu.memref_slice %arg13[%add3A_63, %dma_start3A_72] : memref<10240x128xf32, #tpu.memory_space<vmem_shared>> -> memref<128x128xf32, #tpu.memory_space<vmem_shared>>
      tpu.enqueue_dma source(%dma_start3A_73 : memref<128x128xf32, #tpu.memory_space<vmem_shared>>) target(%arg11 : memref<128x128xf32, #tpu.memory_space<vmem>>) target_semaphore(%run_scoped3A : memref<!tpu.dma_semaphore, #tpu.memory_space<semaphore_mem>>)
      %dma_wait3A = arith.constant 0 : i32
      %dma_wait3A_74 = tpu.memref_slice %arg13[%add3A_63, %dma_wait3A] : memref<10240x128xf32, #tpu.memory_space<vmem_shared>> -> memref<128x128xf32, #tpu.memory_space<vmem_shared>>
      %dma_wait3A_75 = arith.constant 0 : i32
      %dma_wait3A_76 = tpu.memref_slice %arg13[%add3A_63, %dma_wait3A_75] : memref<10240x128xf32, #tpu.memory_space<vmem_shared>> -> memref<128x128xf32, #tpu.memory_space<vmem_shared>>
      tpu.wait_dma2 semaphore(%run_scoped3A : memref<!tpu.dma_semaphore, #tpu.memory_space<semaphore_mem>>) src(%dma_wait3A_76 : memref<128x128xf32, #tpu.memory_space<vmem_shared>>) dst(%arg11 : memref<128x128xf32, #tpu.memory_space<vmem>>)
      tpu.yield
    }) : () -> ()
    "tpu.region"() ({
      %run_scoped3A = tpu.sem_alloc : memref<!tpu.dma_semaphore, #tpu.memory_space<semaphore_mem>>
      %dma_start3A_70 = arith.constant 0 : i32
      %dma_start3A_71 = tpu.memref_slice %arg6[%arg0, %add3A_63, %dma_start3A_70] : memref<2x10240x128xf32, #tpu.memory_space<hbm>> -> memref<1x128x128xf32, #tpu.memory_space<hbm>>
      %dma_start3A_72 = tpu.memref_squeeze %dma_start3A_71 : memref<1x128x128xf32, #tpu.memory_space<hbm>> -> memref<128x128xf32, #tpu.memory_space<hbm>>
      %dma_start3A_73 = arith.constant 0 : i32
      %dma_start3A_74 = tpu.memref_slice %arg6[%arg0, %add3A_63, %dma_start3A_73] : memref<2x10240x128xf32, #tpu.memory_space<hbm>> -> memref<1x128x128xf32, #tpu.memory_space<hbm>>
      %dma_start3A_75 = tpu.memref_squeeze %dma_start3A_74 : memref<1x128x128xf32, #tpu.memory_space<hbm>> -> memref<128x128xf32, #tpu.memory_space<hbm>>
      tpu.enqueue_dma source(%arg11 : memref<128x128xf32, #tpu.memory_space<vmem>>) target(%dma_start3A_75 : memref<128x128xf32, #tpu.memory_space<hbm>>) target_semaphore(%run_scoped3A : memref<!tpu.dma_semaphore, #tpu.memory_space<semaphore_mem>>)
      %dma_wait3A = arith.constant 0 : i32
      %dma_wait3A_76 = tpu.memref_slice %arg6[%arg0, %add3A_63, %dma_wait3A] : memref<2x10240x128xf32, #tpu.memory_space<hbm>> -> memref<1x128x128xf32, #tpu.memory_space<hbm>>
      %dma_wait3A_77 = tpu.memref_squeeze %dma_wait3A_76 : memref<1x128x128xf32, #tpu.memory_space<hbm>> -> memref<128x128xf32, #tpu.memory_space<hbm>>
      %dma_wait3A_78 = arith.constant 0 : i32
      %dma_wait3A_79 = tpu.memref_slice %arg6[%arg0, %add3A_63, %dma_wait3A_78] : memref<2x10240x128xf32, #tpu.memory_space<hbm>> -> memref<1x128x128xf32, #tpu.memory_space<hbm>>
      %dma_wait3A_80 = tpu.memref_squeeze %dma_wait3A_79 : memref<1x128x128xf32, #tpu.memory_space<hbm>> -> memref<128x128xf32, #tpu.memory_space<hbm>>
      tpu.wait_dma2 semaphore(%run_scoped3A : memref<!tpu.dma_semaphore, #tpu.memory_space<semaphore_mem>>) src(%arg11 : memref<128x128xf32, #tpu.memory_space<vmem>>) dst(%dma_wait3A_80 : memref<128x128xf32, #tpu.memory_space<hbm>>)
      tpu.yield
    }) : () -> ()
    %add3A_64 = arith.constant 256 : i32
    %add3A_65 = arith.addi %mul3A_0, %add3A_64 : i32
    "tpu.region"() ({
      %run_scoped3A = tpu.sem_alloc : memref<!tpu.dma_semaphore, #tpu.memory_space<semaphore_mem>>
      %dma_start3A_70 = arith.constant 0 : i32
      %dma_start3A_71 = tpu.memref_slice %arg13[%add3A_65, %dma_start3A_70] : memref<10240x128xf32, #tpu.memory_space<vmem_shared>> -> memref<128x128xf32, #tpu.memory_space<vmem_shared>>
      %dma_start3A_72 = arith.constant 0 : i32
      %dma_start3A_73 = tpu.memref_slice %arg13[%add3A_65, %dma_start3A_72] : memref<10240x128xf32, #tpu.memory_space<vmem_shared>> -> memref<128x128xf32, #tpu.memory_space<vmem_shared>>
      tpu.enqueue_dma source(%dma_start3A_73 : memref<128x128xf32, #tpu.memory_space<vmem_shared>>) target(%arg11 : memref<128x128xf32, #tpu.memory_space<vmem>>) target_semaphore(%run_scoped3A : memref<!tpu.dma_semaphore, #tpu.memory_space<semaphore_mem>>)
      %dma_wait3A = arith.constant 0 : i32
      %dma_wait3A_74 = tpu.memref_slice %arg13[%add3A_65, %dma_wait3A] : memref<10240x128xf32, #tpu.memory_space<vmem_shared>> -> memref<128x128xf32, #tpu.memory_space<vmem_shared>>
      %dma_wait3A_75 = arith.constant 0 : i32
      %dma_wait3A_76 = tpu.memref_slice %arg13[%add3A_65, %dma_wait3A_75] : memref<10240x128xf32, #tpu.memory_space<vmem_shared>> -> memref<128x128xf32, #tpu.memory_space<vmem_shared>>
      tpu.wait_dma2 semaphore(%run_scoped3A : memref<!tpu.dma_semaphore, #tpu.memory_space<semaphore_mem>>) src(%dma_wait3A_76 : memref<128x128xf32, #tpu.memory_space<vmem_shared>>) dst(%arg11 : memref<128x128xf32, #tpu.memory_space<vmem>>)
      tpu.yield
    }) : () -> ()
    "tpu.region"() ({
      %run_scoped3A = tpu.sem_alloc : memref<!tpu.dma_semaphore, #tpu.memory_space<semaphore_mem>>
      %dma_start3A_70 = arith.constant 0 : i32
      %dma_start3A_71 = tpu.memref_slice %arg6[%arg0, %add3A_65, %dma_start3A_70] : memref<2x10240x128xf32, #tpu.memory_space<hbm>> -> memref<1x128x128xf32, #tpu.memory_space<hbm>>
      %dma_start3A_72 = tpu.memref_squeeze %dma_start3A_71 : memref<1x128x128xf32, #tpu.memory_space<hbm>> -> memref<128x128xf32, #tpu.memory_space<hbm>>
      %dma_start3A_73 = arith.constant 0 : i32
      %dma_start3A_74 = tpu.memref_slice %arg6[%arg0, %add3A_65, %dma_start3A_73] : memref<2x10240x128xf32, #tpu.memory_space<hbm>> -> memref<1x128x128xf32, #tpu.memory_space<hbm>>
      %dma_start3A_75 = tpu.memref_squeeze %dma_start3A_74 : memref<1x128x128xf32, #tpu.memory_space<hbm>> -> memref<128x128xf32, #tpu.memory_space<hbm>>
      tpu.enqueue_dma source(%arg11 : memref<128x128xf32, #tpu.memory_space<vmem>>) target(%dma_start3A_75 : memref<128x128xf32, #tpu.memory_space<hbm>>) target_semaphore(%run_scoped3A : memref<!tpu.dma_semaphore, #tpu.memory_space<semaphore_mem>>)
      %dma_wait3A = arith.constant 0 : i32
      %dma_wait3A_76 = tpu.memref_slice %arg6[%arg0, %add3A_65, %dma_wait3A] : memref<2x10240x128xf32, #tpu.memory_space<hbm>> -> memref<1x128x128xf32, #tpu.memory_space<hbm>>
      %dma_wait3A_77 = tpu.memref_squeeze %dma_wait3A_76 : memref<1x128x128xf32, #tpu.memory_space<hbm>> -> memref<128x128xf32, #tpu.memory_space<hbm>>
      %dma_wait3A_78 = arith.constant 0 : i32
      %dma_wait3A_79 = tpu.memref_slice %arg6[%arg0, %add3A_65, %dma_wait3A_78] : memref<2x10240x128xf32, #tpu.memory_space<hbm>> -> memref<1x128x128xf32, #tpu.memory_space<hbm>>
      %dma_wait3A_80 = tpu.memref_squeeze %dma_wait3A_79 : memref<1x128x128xf32, #tpu.memory_space<hbm>> -> memref<128x128xf32, #tpu.memory_space<hbm>>
      tpu.wait_dma2 semaphore(%run_scoped3A : memref<!tpu.dma_semaphore, #tpu.memory_space<semaphore_mem>>) src(%arg11 : memref<128x128xf32, #tpu.memory_space<vmem>>) dst(%dma_wait3A_80 : memref<128x128xf32, #tpu.memory_space<hbm>>)
      tpu.yield
    }) : () -> ()
    %add3A_66 = arith.constant 384 : i32
    %add3A_67 = arith.addi %mul3A_0, %add3A_66 : i32
    "tpu.region"() ({
      %run_scoped3A = tpu.sem_alloc : memref<!tpu.dma_semaphore, #tpu.memory_space<semaphore_mem>>
      %dma_start3A_70 = arith.constant 0 : i32
      %dma_start3A_71 = tpu.memref_slice %arg13[%add3A_67, %dma_start3A_70] : memref<10240x128xf32, #tpu.memory_space<vmem_shared>> -> memref<128x128xf32, #tpu.memory_space<vmem_shared>>
      %dma_start3A_72 = arith.constant 0 : i32
      %dma_start3A_73 = tpu.memref_slice %arg13[%add3A_67, %dma_start3A_72] : memref<10240x128xf32, #tpu.memory_space<vmem_shared>> -> memref<128x128xf32, #tpu.memory_space<vmem_shared>>
      tpu.enqueue_dma source(%dma_start3A_73 : memref<128x128xf32, #tpu.memory_space<vmem_shared>>) target(%arg11 : memref<128x128xf32, #tpu.memory_space<vmem>>) target_semaphore(%run_scoped3A : memref<!tpu.dma_semaphore, #tpu.memory_space<semaphore_mem>>)
      %dma_wait3A = arith.constant 0 : i32
      %dma_wait3A_74 = tpu.memref_slice %arg13[%add3A_67, %dma_wait3A] : memref<10240x128xf32, #tpu.memory_space<vmem_shared>> -> memref<128x128xf32, #tpu.memory_space<vmem_shared>>
      %dma_wait3A_75 = arith.constant 0 : i32
      %dma_wait3A_76 = tpu.memref_slice %arg13[%add3A_67, %dma_wait3A_75] : memref<10240x128xf32, #tpu.memory_space<vmem_shared>> -> memref<128x128xf32, #tpu.memory_space<vmem_shared>>
      tpu.wait_dma2 semaphore(%run_scoped3A : memref<!tpu.dma_semaphore, #tpu.memory_space<semaphore_mem>>) src(%dma_wait3A_76 : memref<128x128xf32, #tpu.memory_space<vmem_shared>>) dst(%arg11 : memref<128x128xf32, #tpu.memory_space<vmem>>)
      tpu.yield
    }) : () -> ()
    "tpu.region"() ({
      %run_scoped3A = tpu.sem_alloc : memref<!tpu.dma_semaphore, #tpu.memory_space<semaphore_mem>>
      %dma_start3A_70 = arith.constant 0 : i32
      %dma_start3A_71 = tpu.memref_slice %arg6[%arg0, %add3A_67, %dma_start3A_70] : memref<2x10240x128xf32, #tpu.memory_space<hbm>> -> memref<1x128x128xf32, #tpu.memory_space<hbm>>
      %dma_start3A_72 = tpu.memref_squeeze %dma_start3A_71 : memref<1x128x128xf32, #tpu.memory_space<hbm>> -> memref<128x128xf32, #tpu.memory_space<hbm>>
      %dma_start3A_73 = arith.constant 0 : i32
      %dma_start3A_74 = tpu.memref_slice %arg6[%arg0, %add3A_67, %dma_start3A_73] : memref<2x10240x128xf32, #tpu.memory_space<hbm>> -> memref<1x128x128xf32, #tpu.memory_space<hbm>>
      %dma_start3A_75 = tpu.memref_squeeze %dma_start3A_74 : memref<1x128x128xf32, #tpu.memory_space<hbm>> -> memref<128x128xf32, #tpu.memory_space<hbm>>
      tpu.enqueue_dma source(%arg11 : memref<128x128xf32, #tpu.memory_space<vmem>>) target(%dma_start3A_75 : memref<128x128xf32, #tpu.memory_space<hbm>>) target_semaphore(%run_scoped3A : memref<!tpu.dma_semaphore, #tpu.memory_space<semaphore_mem>>)
      %dma_wait3A = arith.constant 0 : i32
      %dma_wait3A_76 = tpu.memref_slice %arg6[%arg0, %add3A_67, %dma_wait3A] : memref<2x10240x128xf32, #tpu.memory_space<hbm>> -> memref<1x128x128xf32, #tpu.memory_space<hbm>>
      %dma_wait3A_77 = tpu.memref_squeeze %dma_wait3A_76 : memref<1x128x128xf32, #tpu.memory_space<hbm>> -> memref<128x128xf32, #tpu.memory_space<hbm>>
      %dma_wait3A_78 = arith.constant 0 : i32
      %dma_wait3A_79 = tpu.memref_slice %arg6[%arg0, %add3A_67, %dma_wait3A_78] : memref<2x10240x128xf32, #tpu.memory_space<hbm>> -> memref<1x128x128xf32, #tpu.memory_space<hbm>>
      %dma_wait3A_80 = tpu.memref_squeeze %dma_wait3A_79 : memref<1x128x128xf32, #tpu.memory_space<hbm>> -> memref<128x128xf32, #tpu.memory_space<hbm>>
      tpu.wait_dma2 semaphore(%run_scoped3A : memref<!tpu.dma_semaphore, #tpu.memory_space<semaphore_mem>>) src(%arg11 : memref<128x128xf32, #tpu.memory_space<vmem>>) dst(%dma_wait3A_80 : memref<128x128xf32, #tpu.memory_space<hbm>>)
      tpu.yield
    }) : () -> ()
    %add3A_68 = arith.constant 512 : i32
    %add3A_69 = arith.addi %mul3A_0, %add3A_68 : i32
    "tpu.region"() ({
      %run_scoped3A = tpu.sem_alloc : memref<!tpu.dma_semaphore, #tpu.memory_space<semaphore_mem>>
      %dma_start3A_70 = arith.constant 0 : i32
      %dma_start3A_71 = tpu.memref_slice %arg13[%add3A_69, %dma_start3A_70] : memref<10240x128xf32, #tpu.memory_space<vmem_shared>> -> memref<128x128xf32, #tpu.memory_space<vmem_shared>>
      %dma_start3A_72 = arith.constant 0 : i32
      %dma_start3A_73 = tpu.memref_slice %arg13[%add3A_69, %dma_start3A_72] : memref<10240x128xf32, #tpu.memory_space<vmem_shared>> -> memref<128x128xf32, #tpu.memory_space<vmem_shared>>
      tpu.enqueue_dma source(%dma_start3A_73 : memref<128x128xf32, #tpu.memory_space<vmem_shared>>) target(%arg11 : memref<128x128xf32, #tpu.memory_space<vmem>>) target_semaphore(%run_scoped3A : memref<!tpu.dma_semaphore, #tpu.memory_space<semaphore_mem>>)
      %dma_wait3A = arith.constant 0 : i32
      %dma_wait3A_74 = tpu.memref_slice %arg13[%add3A_69, %dma_wait3A] : memref<10240x128xf32, #tpu.memory_space<vmem_shared>> -> memref<128x128xf32, #tpu.memory_space<vmem_shared>>
      %dma_wait3A_75 = arith.constant 0 : i32
      %dma_wait3A_76 = tpu.memref_slice %arg13[%add3A_69, %dma_wait3A_75] : memref<10240x128xf32, #tpu.memory_space<vmem_shared>> -> memref<128x128xf32, #tpu.memory_space<vmem_shared>>
      tpu.wait_dma2 semaphore(%run_scoped3A : memref<!tpu.dma_semaphore, #tpu.memory_space<semaphore_mem>>) src(%dma_wait3A_76 : memref<128x128xf32, #tpu.memory_space<vmem_shared>>) dst(%arg11 : memref<128x128xf32, #tpu.memory_space<vmem>>)
      tpu.yield
    }) : () -> ()
    "tpu.region"() ({
      %run_scoped3A = tpu.sem_alloc : memref<!tpu.dma_semaphore, #tpu.memory_space<semaphore_mem>>
      %dma_start3A_70 = arith.constant 0 : i32
      %dma_start3A_71 = tpu.memref_slice %arg6[%arg0, %add3A_69, %dma_start3A_70] : memref<2x10240x128xf32, #tpu.memory_space<hbm>> -> memref<1x128x128xf32, #tpu.memory_space<hbm>>
      %dma_start3A_72 = tpu.memref_squeeze %dma_start3A_71 : memref<1x128x128xf32, #tpu.memory_space<hbm>> -> memref<128x128xf32, #tpu.memory_space<hbm>>
      %dma_start3A_73 = arith.constant 0 : i32
      %dma_start3A_74 = tpu.memref_slice %arg6[%arg0, %add3A_69, %dma_start3A_73] : memref<2x10240x128xf32, #tpu.memory_space<hbm>> -> memref<1x128x128xf32, #tpu.memory_space<hbm>>
      %dma_start3A_75 = tpu.memref_squeeze %dma_start3A_74 : memref<1x128x128xf32, #tpu.memory_space<hbm>> -> memref<128x128xf32, #tpu.memory_space<hbm>>
      tpu.enqueue_dma source(%arg11 : memref<128x128xf32, #tpu.memory_space<vmem>>) target(%dma_start3A_75 : memref<128x128xf32, #tpu.memory_space<hbm>>) target_semaphore(%run_scoped3A : memref<!tpu.dma_semaphore, #tpu.memory_space<semaphore_mem>>)
      %dma_wait3A = arith.constant 0 : i32
      %dma_wait3A_76 = tpu.memref_slice %arg6[%arg0, %add3A_69, %dma_wait3A] : memref<2x10240x128xf32, #tpu.memory_space<hbm>> -> memref<1x128x128xf32, #tpu.memory_space<hbm>>
      %dma_wait3A_77 = tpu.memref_squeeze %dma_wait3A_76 : memref<1x128x128xf32, #tpu.memory_space<hbm>> -> memref<128x128xf32, #tpu.memory_space<hbm>>
      %dma_wait3A_78 = arith.constant 0 : i32
      %dma_wait3A_79 = tpu.memref_slice %arg6[%arg0, %add3A_69, %dma_wait3A_78] : memref<2x10240x128xf32, #tpu.memory_space<hbm>> -> memref<1x128x128xf32, #tpu.memory_space<hbm>>
      %dma_wait3A_80 = tpu.memref_squeeze %dma_wait3A_79 : memref<1x128x128xf32, #tpu.memory_space<hbm>> -> memref<128x128xf32, #tpu.memory_space<hbm>>
      tpu.wait_dma2 semaphore(%run_scoped3A : memref<!tpu.dma_semaphore, #tpu.memory_space<semaphore_mem>>) src(%arg11 : memref<128x128xf32, #tpu.memory_space<vmem>>) dst(%dma_wait3A_80 : memref<128x128xf32, #tpu.memory_space<hbm>>)
      tpu.yield
    }) : () -> ()
    return
  }
}

#map = affine_map<(d0, d1) -> (0, 0)>
#map1 = affine_map<(d0, d1) -> (0)>
#map2 = affine_map<(d0, d1) -> (0, 0, 0)>
module attributes {stable_mosaic.version = 14 : i64} {
  func.func @_sc_agg_body(%arg0: i32, %arg1: i32, %arg2: memref<10000x128xf32, #tpu.memory_space<hbm>>, %arg3: memref<327680xi32, #tpu.memory_space<hbm>>, %arg4: memref<327680xi32, #tpu.memory_space<hbm>>, %arg5: memref<128x128xf32, #tpu.memory_space<hbm>>, %arg6: memref<2x10240x128xf32, #tpu.memory_space<hbm>>, %arg7: memref<128xi32, #tpu.memory_space<vmem>>, %arg8: memref<128xi32, #tpu.memory_space<vmem>>, %arg9: memref<128xi32, #tpu.memory_space<vmem>>, %arg10: memref<128xi32, #tpu.memory_space<vmem>>, %arg11: memref<128x128xf32, #tpu.memory_space<vmem>>, %arg12: memref<128x128xf32, #tpu.memory_space<vmem>>, %arg13: memref<10240x128xf32, #tpu.memory_space<vmem_shared>>, %arg14: memref<!tpu.dma_semaphore, #tpu.memory_space<semaphore_mem>>, %arg15: memref<!tpu.dma_semaphore, #tpu.memory_space<semaphore_mem>>) attributes {dimension_semantics = [#tpu.dimension_semantics<core_parallel>, #tpu.dimension_semantics<subcore_parallel>], iteration_bounds = array<i64: 2, 16>, scalar_prefetch = 0 : i64, scratch_operands = 9 : i64, tpu.core_type = #tpu.core_type<sc_vector_subcore>, window_params = [{transform_indices = #map}, {transform_indices = #map1}, {transform_indices = #map1}, {transform_indices = #map}, {transform_indices = #map2}]} {
    %mul3A = arith.constant 640 : i32
    %mul3A_0 = arith.muli %arg1, %mul3A : i32
    %eq3A = arith.constant 0 : i32
    %eq3A_1 = arith.cmpi eq, %arg0, %eq3A : i32
    %select_n3A = arith.constant 8 : i32
    %select_n3A_2 = arith.constant 152 : i32
    %select_n3A_3 = arith.select %eq3A_1, %select_n3A_2, %select_n3A : i32
    %eq3A_4 = arith.constant 0 : i32
    %eq3A_5 = arith.cmpi eq, %arg0, %eq3A_4 : i32
    %mul3A_6 = arith.constant 152 : i32
    %mul3A_7 = arith.muli %arg1, %mul3A_6 : i32
    %mul3A_8 = arith.constant 8 : i32
    %mul3A_9 = arith.muli %arg1, %mul3A_8 : i32
    %add3A = arith.constant 2432 : i32
    %add3A_10 = arith.addi %add3A, %mul3A_9 : i32
    %select_n3A_11 = arith.select %eq3A_5, %mul3A_7, %add3A_10 : i32
    "tpu.region"() ({
      %run_scoped3A = tpu.sem_alloc : memref<!tpu.dma_semaphore, #tpu.memory_space<semaphore_mem>>
      tpu.enqueue_dma source(%arg5 : memref<128x128xf32, #tpu.memory_space<hbm>>) target(%arg11 : memref<128x128xf32, #tpu.memory_space<vmem>>) target_semaphore(%run_scoped3A : memref<!tpu.dma_semaphore, #tpu.memory_space<semaphore_mem>>)
      tpu.wait_dma2 semaphore(%run_scoped3A : memref<!tpu.dma_semaphore, #tpu.memory_space<semaphore_mem>>) src(%arg5 : memref<128x128xf32, #tpu.memory_space<hbm>>) dst(%arg11 : memref<128x128xf32, #tpu.memory_space<vmem>>)
      tpu.yield
    }) : () -> ()
    %add3A_12 = arith.constant 0 : i32
    %add3A_13 = arith.addi %mul3A_0, %add3A_12 : i32
    "tpu.region"() ({
      %run_scoped3A = tpu.sem_alloc : memref<!tpu.dma_semaphore, #tpu.memory_space<semaphore_mem>>
      %dma_start3A_70 = arith.constant 0 : i32
      %dma_start3A_71 = tpu.memref_slice %arg13[%add3A_13, %dma_start3A_70] : memref<10240x128xf32, #tpu.memory_space<vmem_shared>> -> memref<128x128xf32, #tpu.memory_space<vmem_shared>>
      %dma_start3A_72 = arith.constant 0 : i32
      %dma_start3A_73 = tpu.memref_slice %arg13[%add3A_13, %dma_start3A_72] : memref<10240x128xf32, #tpu.memory_space<vmem_shared>> -> memref<128x128xf32, #tpu.memory_space<vmem_shared>>
      tpu.enqueue_dma source(%arg11 : memref<128x128xf32, #tpu.memory_space<vmem>>) target(%dma_start3A_73 : memref<128x128xf32, #tpu.memory_space<vmem_shared>>) target_semaphore(%run_scoped3A : memref<!tpu.dma_semaphore, #tpu.memory_space<semaphore_mem>>)
      %dma_wait3A = arith.constant 0 : i32
      %dma_wait3A_74 = tpu.memref_slice %arg13[%add3A_13, %dma_wait3A] : memref<10240x128xf32, #tpu.memory_space<vmem_shared>> -> memref<128x128xf32, #tpu.memory_space<vmem_shared>>
      %dma_wait3A_75 = arith.constant 0 : i32
      %dma_wait3A_76 = tpu.memref_slice %arg13[%add3A_13, %dma_wait3A_75] : memref<10240x128xf32, #tpu.memory_space<vmem_shared>> -> memref<128x128xf32, #tpu.memory_space<vmem_shared>>
      tpu.wait_dma2 semaphore(%run_scoped3A : memref<!tpu.dma_semaphore, #tpu.memory_space<semaphore_mem>>) src(%arg11 : memref<128x128xf32, #tpu.memory_space<vmem>>) dst(%dma_wait3A_76 : memref<128x128xf32, #tpu.memory_space<vmem_shared>>)
      tpu.yield
    }) : () -> ()
    %add3A_14 = arith.constant 128 : i32
    %add3A_15 = arith.addi %mul3A_0, %add3A_14 : i32
    "tpu.region"() ({
      %run_scoped3A = tpu.sem_alloc : memref<!tpu.dma_semaphore, #tpu.memory_space<semaphore_mem>>
      %dma_start3A_70 = arith.constant 0 : i32
      %dma_start3A_71 = tpu.memref_slice %arg13[%add3A_15, %dma_start3A_70] : memref<10240x128xf32, #tpu.memory_space<vmem_shared>> -> memref<128x128xf32, #tpu.memory_space<vmem_shared>>
      %dma_start3A_72 = arith.constant 0 : i32
      %dma_start3A_73 = tpu.memref_slice %arg13[%add3A_15, %dma_start3A_72] : memref<10240x128xf32, #tpu.memory_space<vmem_shared>> -> memref<128x128xf32, #tpu.memory_space<vmem_shared>>
      tpu.enqueue_dma source(%arg11 : memref<128x128xf32, #tpu.memory_space<vmem>>) target(%dma_start3A_73 : memref<128x128xf32, #tpu.memory_space<vmem_shared>>) target_semaphore(%run_scoped3A : memref<!tpu.dma_semaphore, #tpu.memory_space<semaphore_mem>>)
      %dma_wait3A = arith.constant 0 : i32
      %dma_wait3A_74 = tpu.memref_slice %arg13[%add3A_15, %dma_wait3A] : memref<10240x128xf32, #tpu.memory_space<vmem_shared>> -> memref<128x128xf32, #tpu.memory_space<vmem_shared>>
      %dma_wait3A_75 = arith.constant 0 : i32
      %dma_wait3A_76 = tpu.memref_slice %arg13[%add3A_15, %dma_wait3A_75] : memref<10240x128xf32, #tpu.memory_space<vmem_shared>> -> memref<128x128xf32, #tpu.memory_space<vmem_shared>>
      tpu.wait_dma2 semaphore(%run_scoped3A : memref<!tpu.dma_semaphore, #tpu.memory_space<semaphore_mem>>) src(%arg11 : memref<128x128xf32, #tpu.memory_space<vmem>>) dst(%dma_wait3A_76 : memref<128x128xf32, #tpu.memory_space<vmem_shared>>)
      tpu.yield
    }) : () -> ()
    %add3A_16 = arith.constant 256 : i32
    %add3A_17 = arith.addi %mul3A_0, %add3A_16 : i32
    "tpu.region"() ({
      %run_scoped3A = tpu.sem_alloc : memref<!tpu.dma_semaphore, #tpu.memory_space<semaphore_mem>>
      %dma_start3A_70 = arith.constant 0 : i32
      %dma_start3A_71 = tpu.memref_slice %arg13[%add3A_17, %dma_start3A_70] : memref<10240x128xf32, #tpu.memory_space<vmem_shared>> -> memref<128x128xf32, #tpu.memory_space<vmem_shared>>
      %dma_start3A_72 = arith.constant 0 : i32
      %dma_start3A_73 = tpu.memref_slice %arg13[%add3A_17, %dma_start3A_72] : memref<10240x128xf32, #tpu.memory_space<vmem_shared>> -> memref<128x128xf32, #tpu.memory_space<vmem_shared>>
      tpu.enqueue_dma source(%arg11 : memref<128x128xf32, #tpu.memory_space<vmem>>) target(%dma_start3A_73 : memref<128x128xf32, #tpu.memory_space<vmem_shared>>) target_semaphore(%run_scoped3A : memref<!tpu.dma_semaphore, #tpu.memory_space<semaphore_mem>>)
      %dma_wait3A = arith.constant 0 : i32
      %dma_wait3A_74 = tpu.memref_slice %arg13[%add3A_17, %dma_wait3A] : memref<10240x128xf32, #tpu.memory_space<vmem_shared>> -> memref<128x128xf32, #tpu.memory_space<vmem_shared>>
      %dma_wait3A_75 = arith.constant 0 : i32
      %dma_wait3A_76 = tpu.memref_slice %arg13[%add3A_17, %dma_wait3A_75] : memref<10240x128xf32, #tpu.memory_space<vmem_shared>> -> memref<128x128xf32, #tpu.memory_space<vmem_shared>>
      tpu.wait_dma2 semaphore(%run_scoped3A : memref<!tpu.dma_semaphore, #tpu.memory_space<semaphore_mem>>) src(%arg11 : memref<128x128xf32, #tpu.memory_space<vmem>>) dst(%dma_wait3A_76 : memref<128x128xf32, #tpu.memory_space<vmem_shared>>)
      tpu.yield
    }) : () -> ()
    %add3A_18 = arith.constant 384 : i32
    %add3A_19 = arith.addi %mul3A_0, %add3A_18 : i32
    "tpu.region"() ({
      %run_scoped3A = tpu.sem_alloc : memref<!tpu.dma_semaphore, #tpu.memory_space<semaphore_mem>>
      %dma_start3A_70 = arith.constant 0 : i32
      %dma_start3A_71 = tpu.memref_slice %arg13[%add3A_19, %dma_start3A_70] : memref<10240x128xf32, #tpu.memory_space<vmem_shared>> -> memref<128x128xf32, #tpu.memory_space<vmem_shared>>
      %dma_start3A_72 = arith.constant 0 : i32
      %dma_start3A_73 = tpu.memref_slice %arg13[%add3A_19, %dma_start3A_72] : memref<10240x128xf32, #tpu.memory_space<vmem_shared>> -> memref<128x128xf32, #tpu.memory_space<vmem_shared>>
      tpu.enqueue_dma source(%arg11 : memref<128x128xf32, #tpu.memory_space<vmem>>) target(%dma_start3A_73 : memref<128x128xf32, #tpu.memory_space<vmem_shared>>) target_semaphore(%run_scoped3A : memref<!tpu.dma_semaphore, #tpu.memory_space<semaphore_mem>>)
      %dma_wait3A = arith.constant 0 : i32
      %dma_wait3A_74 = tpu.memref_slice %arg13[%add3A_19, %dma_wait3A] : memref<10240x128xf32, #tpu.memory_space<vmem_shared>> -> memref<128x128xf32, #tpu.memory_space<vmem_shared>>
      %dma_wait3A_75 = arith.constant 0 : i32
      %dma_wait3A_76 = tpu.memref_slice %arg13[%add3A_19, %dma_wait3A_75] : memref<10240x128xf32, #tpu.memory_space<vmem_shared>> -> memref<128x128xf32, #tpu.memory_space<vmem_shared>>
      tpu.wait_dma2 semaphore(%run_scoped3A : memref<!tpu.dma_semaphore, #tpu.memory_space<semaphore_mem>>) src(%arg11 : memref<128x128xf32, #tpu.memory_space<vmem>>) dst(%dma_wait3A_76 : memref<128x128xf32, #tpu.memory_space<vmem_shared>>)
      tpu.yield
    }) : () -> ()
    %add3A_20 = arith.constant 512 : i32
    %add3A_21 = arith.addi %mul3A_0, %add3A_20 : i32
    "tpu.region"() ({
      %run_scoped3A = tpu.sem_alloc : memref<!tpu.dma_semaphore, #tpu.memory_space<semaphore_mem>>
      %dma_start3A_70 = arith.constant 0 : i32
      %dma_start3A_71 = tpu.memref_slice %arg13[%add3A_21, %dma_start3A_70] : memref<10240x128xf32, #tpu.memory_space<vmem_shared>> -> memref<128x128xf32, #tpu.memory_space<vmem_shared>>
      %dma_start3A_72 = arith.constant 0 : i32
      %dma_start3A_73 = tpu.memref_slice %arg13[%add3A_21, %dma_start3A_72] : memref<10240x128xf32, #tpu.memory_space<vmem_shared>> -> memref<128x128xf32, #tpu.memory_space<vmem_shared>>
      tpu.enqueue_dma source(%arg11 : memref<128x128xf32, #tpu.memory_space<vmem>>) target(%dma_start3A_73 : memref<128x128xf32, #tpu.memory_space<vmem_shared>>) target_semaphore(%run_scoped3A : memref<!tpu.dma_semaphore, #tpu.memory_space<semaphore_mem>>)
      %dma_wait3A = arith.constant 0 : i32
      %dma_wait3A_74 = tpu.memref_slice %arg13[%add3A_21, %dma_wait3A] : memref<10240x128xf32, #tpu.memory_space<vmem_shared>> -> memref<128x128xf32, #tpu.memory_space<vmem_shared>>
      %dma_wait3A_75 = arith.constant 0 : i32
      %dma_wait3A_76 = tpu.memref_slice %arg13[%add3A_21, %dma_wait3A_75] : memref<10240x128xf32, #tpu.memory_space<vmem_shared>> -> memref<128x128xf32, #tpu.memory_space<vmem_shared>>
      tpu.wait_dma2 semaphore(%run_scoped3A : memref<!tpu.dma_semaphore, #tpu.memory_space<semaphore_mem>>) src(%arg11 : memref<128x128xf32, #tpu.memory_space<vmem>>) dst(%dma_wait3A_76 : memref<128x128xf32, #tpu.memory_space<vmem_shared>>)
      tpu.yield
    }) : () -> ()
    %barrier3A = arith.constant 0 : index
    tpu.barrier barrier_id(%barrier3A)
    %mul3A_22 = arith.constant 128 : i32
    %mul3A_23 = arith.muli %select_n3A_11, %mul3A_22 : i32
    "tpu.region"() ({
      %run_scoped3A = tpu.sem_alloc : memref<!tpu.dma_semaphore, #tpu.memory_space<semaphore_mem>>
      %dma_start3A_70 = tpu.memref_slice %arg3[%mul3A_23] : memref<327680xi32, #tpu.memory_space<hbm>> -> memref<128xi32, #tpu.memory_space<hbm>>
      %dma_start3A_71 = tpu.memref_slice %arg3[%mul3A_23] : memref<327680xi32, #tpu.memory_space<hbm>> -> memref<128xi32, #tpu.memory_space<hbm>>
      tpu.enqueue_dma source(%dma_start3A_71 : memref<128xi32, #tpu.memory_space<hbm>>) target(%arg7 : memref<128xi32, #tpu.memory_space<vmem>>) target_semaphore(%run_scoped3A : memref<!tpu.dma_semaphore, #tpu.memory_space<semaphore_mem>>)
      %dma_wait3A = tpu.memref_slice %arg3[%mul3A_23] : memref<327680xi32, #tpu.memory_space<hbm>> -> memref<128xi32, #tpu.memory_space<hbm>>
      %dma_wait3A_72 = tpu.memref_slice %arg3[%mul3A_23] : memref<327680xi32, #tpu.memory_space<hbm>> -> memref<128xi32, #tpu.memory_space<hbm>>
      tpu.wait_dma2 semaphore(%run_scoped3A : memref<!tpu.dma_semaphore, #tpu.memory_space<semaphore_mem>>) src(%dma_wait3A_72 : memref<128xi32, #tpu.memory_space<hbm>>) dst(%arg7 : memref<128xi32, #tpu.memory_space<vmem>>)
      tpu.yield
    }) : () -> ()
    "tpu.region"() ({
      %run_scoped3A = tpu.sem_alloc : memref<!tpu.dma_semaphore, #tpu.memory_space<semaphore_mem>>
      %dma_start3A_70 = tpu.memref_slice %arg4[%mul3A_23] : memref<327680xi32, #tpu.memory_space<hbm>> -> memref<128xi32, #tpu.memory_space<hbm>>
      %dma_start3A_71 = tpu.memref_slice %arg4[%mul3A_23] : memref<327680xi32, #tpu.memory_space<hbm>> -> memref<128xi32, #tpu.memory_space<hbm>>
      tpu.enqueue_dma source(%dma_start3A_71 : memref<128xi32, #tpu.memory_space<hbm>>) target(%arg8 : memref<128xi32, #tpu.memory_space<vmem>>) target_semaphore(%run_scoped3A : memref<!tpu.dma_semaphore, #tpu.memory_space<semaphore_mem>>)
      %dma_wait3A = tpu.memref_slice %arg4[%mul3A_23] : memref<327680xi32, #tpu.memory_space<hbm>> -> memref<128xi32, #tpu.memory_space<hbm>>
      %dma_wait3A_72 = tpu.memref_slice %arg4[%mul3A_23] : memref<327680xi32, #tpu.memory_space<hbm>> -> memref<128xi32, #tpu.memory_space<hbm>>
      tpu.wait_dma2 semaphore(%run_scoped3A : memref<!tpu.dma_semaphore, #tpu.memory_space<semaphore_mem>>) src(%dma_wait3A_72 : memref<128xi32, #tpu.memory_space<hbm>>) dst(%arg8 : memref<128xi32, #tpu.memory_space<vmem>>)
      tpu.yield
    }) : () -> ()
    %dma_start3A = arith.constant 0 : i32
    %dma_start3A_24 = arith.constant 0 : i32
    %dma_start3A_25 = tpu.memref_slice %arg2[%dma_start3A, %dma_start3A_24] : memref<10000x128xf32, #tpu.memory_space<hbm>> -> memref<10000x128xf32, #tpu.memory_space<hbm>>
    tpu.enqueue_indirect_dma source(%dma_start3A_25 : memref<10000x128xf32, #tpu.memory_space<hbm>>) target(%arg11 : memref<128x128xf32, #tpu.memory_space<vmem>>) offsets(%arg7 : memref<128xi32, #tpu.memory_space<vmem>>) semaphore(%arg14 : memref<!tpu.dma_semaphore, #tpu.memory_space<semaphore_mem>>)
    %add3A_26 = arith.constant 128 : i32
    %add3A_27 = arith.addi %mul3A_23, %add3A_26 : i32
    "tpu.region"() ({
      %run_scoped3A = tpu.sem_alloc : memref<!tpu.dma_semaphore, #tpu.memory_space<semaphore_mem>>
      %dma_start3A_70 = tpu.memref_slice %arg3[%add3A_27] : memref<327680xi32, #tpu.memory_space<hbm>> -> memref<128xi32, #tpu.memory_space<hbm>>
      %dma_start3A_71 = tpu.memref_slice %arg3[%add3A_27] : memref<327680xi32, #tpu.memory_space<hbm>> -> memref<128xi32, #tpu.memory_space<hbm>>
      tpu.enqueue_dma source(%dma_start3A_71 : memref<128xi32, #tpu.memory_space<hbm>>) target(%arg9 : memref<128xi32, #tpu.memory_space<vmem>>) target_semaphore(%run_scoped3A : memref<!tpu.dma_semaphore, #tpu.memory_space<semaphore_mem>>)
      %dma_wait3A = tpu.memref_slice %arg3[%add3A_27] : memref<327680xi32, #tpu.memory_space<hbm>> -> memref<128xi32, #tpu.memory_space<hbm>>
      %dma_wait3A_72 = tpu.memref_slice %arg3[%add3A_27] : memref<327680xi32, #tpu.memory_space<hbm>> -> memref<128xi32, #tpu.memory_space<hbm>>
      tpu.wait_dma2 semaphore(%run_scoped3A : memref<!tpu.dma_semaphore, #tpu.memory_space<semaphore_mem>>) src(%dma_wait3A_72 : memref<128xi32, #tpu.memory_space<hbm>>) dst(%arg9 : memref<128xi32, #tpu.memory_space<vmem>>)
      tpu.yield
    }) : () -> ()
    %add3A_28 = arith.constant 128 : i32
    %add3A_29 = arith.addi %mul3A_23, %add3A_28 : i32
    "tpu.region"() ({
      %run_scoped3A = tpu.sem_alloc : memref<!tpu.dma_semaphore, #tpu.memory_space<semaphore_mem>>
      %dma_start3A_70 = tpu.memref_slice %arg4[%add3A_29] : memref<327680xi32, #tpu.memory_space<hbm>> -> memref<128xi32, #tpu.memory_space<hbm>>
      %dma_start3A_71 = tpu.memref_slice %arg4[%add3A_29] : memref<327680xi32, #tpu.memory_space<hbm>> -> memref<128xi32, #tpu.memory_space<hbm>>
      tpu.enqueue_dma source(%dma_start3A_71 : memref<128xi32, #tpu.memory_space<hbm>>) target(%arg10 : memref<128xi32, #tpu.memory_space<vmem>>) target_semaphore(%run_scoped3A : memref<!tpu.dma_semaphore, #tpu.memory_space<semaphore_mem>>)
      %dma_wait3A = tpu.memref_slice %arg4[%add3A_29] : memref<327680xi32, #tpu.memory_space<hbm>> -> memref<128xi32, #tpu.memory_space<hbm>>
      %dma_wait3A_72 = tpu.memref_slice %arg4[%add3A_29] : memref<327680xi32, #tpu.memory_space<hbm>> -> memref<128xi32, #tpu.memory_space<hbm>>
      tpu.wait_dma2 semaphore(%run_scoped3A : memref<!tpu.dma_semaphore, #tpu.memory_space<semaphore_mem>>) src(%dma_wait3A_72 : memref<128xi32, #tpu.memory_space<hbm>>) dst(%arg10 : memref<128xi32, #tpu.memory_space<vmem>>)
      tpu.yield
    }) : () -> ()
    %dma_start3A_30 = arith.constant 0 : i32
    %dma_start3A_31 = arith.constant 0 : i32
    %dma_start3A_32 = tpu.memref_slice %arg2[%dma_start3A_30, %dma_start3A_31] : memref<10000x128xf32, #tpu.memory_space<hbm>> -> memref<10000x128xf32, #tpu.memory_space<hbm>>
    tpu.enqueue_indirect_dma source(%dma_start3A_32 : memref<10000x128xf32, #tpu.memory_space<hbm>>) target(%arg12 : memref<128x128xf32, #tpu.memory_space<vmem>>) offsets(%arg9 : memref<128xi32, #tpu.memory_space<vmem>>) semaphore(%arg15 : memref<!tpu.dma_semaphore, #tpu.memory_space<semaphore_mem>>)
    %jit3A = arith.constant 2 : i32
    %div3A = arith.divsi %select_n3A_3, %jit3A : i32
    %sign3A = arith.constant 0 : i32
    %sign3A_33 = arith.cmpi sgt, %select_n3A_3, %sign3A : i32
    %sign3A_34 = arith.extui %sign3A_33 : i1 to i32
    %sign3A_35 = arith.constant 0 : i32
    %sign3A_36 = arith.cmpi slt, %select_n3A_3, %sign3A_35 : i32
    %sign3A_37 = arith.extui %sign3A_36 : i1 to i32
    %sign3A_38 = arith.subi %sign3A_34, %sign3A_37 : i32
    %sign3A_39 = arith.constant 0 : i32
    %sign3A_40 = arith.cmpi sgt, %jit3A, %sign3A_39 : i32
    %sign3A_41 = arith.extui %sign3A_40 : i1 to i32
    %sign3A_42 = arith.constant 0 : i32
    %sign3A_43 = arith.cmpi slt, %jit3A, %sign3A_42 : i32
    %sign3A_44 = arith.extui %sign3A_43 : i1 to i32
    %sign3A_45 = arith.subi %sign3A_41, %sign3A_44 : i32
    %ne3A = arith.cmpi ne, %sign3A_38, %sign3A_45 : i32
    %rem3A = arith.remsi %select_n3A_3, %jit3A : i32
    %ne3A_46 = arith.constant 0 : i32
    %ne3A_47 = arith.cmpi ne, %rem3A, %ne3A_46 : i32
    %and3A = arith.andi %ne3A, %ne3A_47 : i1
    %sub3A = arith.constant 1 : i32
    %sub3A_48 = arith.subi %div3A, %sub3A : i32
    %select_n3A_49 = arith.select %and3A, %sub3A_48, %div3A : i32
    %while3A = arith.constant 0 : i32
    %while3A_50 = arith.constant 0 : i32
    %while3A_51 = arith.subi %select_n3A_49, %while3A_50 : i32
    %while3A_52 = arith.addi %while3A_50, %while3A_51 : i32
    %while3A_53 = arith.constant 1 : i32
    %while3A_54 = arith.divsi %while3A_51, %while3A_53 : i32
    %while3A_55 = arith.muli %while3A_54, %while3A_53 : i32
    %while3A_56 = arith.addi %while3A_50, %while3A_55 : i32
    %while3A_57 = arith.constant 1 : i32
    scf.for %while3A_70 = %while3A_50 to %while3A_56 step %while3A_57  : i32 {
      %dma_wait3A = arith.constant 0 : i32
      %dma_wait3A_71 = arith.constant 0 : i32
      %dma_wait3A_72 = tpu.memref_slice %arg2[%dma_wait3A, %dma_wait3A_71] : memref<10000x128xf32, #tpu.memory_space<hbm>> -> memref<10000x128xf32, #tpu.memory_space<hbm>>
      tpu.wait_indirect_dma semaphore(%arg14 : memref<!tpu.dma_semaphore, #tpu.memory_space<semaphore_mem>>) src(%dma_wait3A_72 : memref<10000x128xf32, #tpu.memory_space<hbm>>) dst(%arg11 : memref<128x128xf32, #tpu.memory_space<vmem>>)
      "tpu.region"() ({
        %run_scoped3A = tpu.sem_alloc : memref<!tpu.dma_semaphore, #tpu.memory_space<semaphore_mem>>
        %dma_start3A_133 = arith.constant 0 : i32
        %dma_start3A_134 = arith.constant 0 : i32
        %dma_start3A_135 = tpu.memref_slice %arg13[%dma_start3A_133, %dma_start3A_134] : memref<10240x128xf32, #tpu.memory_space<vmem_shared>> -> memref<10240x128xf32, #tpu.memory_space<vmem_shared>>
        tpu.enqueue_indirect_dma source(%arg11 : memref<128x128xf32, #tpu.memory_space<vmem>>) target(%dma_start3A_135 : memref<10240x128xf32, #tpu.memory_space<vmem_shared>>) offsets(%arg8 : memref<128xi32, #tpu.memory_space<vmem>>) semaphore(%run_scoped3A : memref<!tpu.dma_semaphore, #tpu.memory_space<semaphore_mem>>) {add = true}
        %dma_wait3A_136 = arith.constant 0 : i32
        %dma_wait3A_137 = arith.constant 0 : i32
        %dma_wait3A_138 = tpu.memref_slice %arg13[%dma_wait3A_136, %dma_wait3A_137] : memref<10240x128xf32, #tpu.memory_space<vmem_shared>> -> memref<10240x128xf32, #tpu.memory_space<vmem_shared>>
        tpu.wait_indirect_dma semaphore(%run_scoped3A : memref<!tpu.dma_semaphore, #tpu.memory_space<semaphore_mem>>) src(%arg11 : memref<128x128xf32, #tpu.memory_space<vmem>>) dst(%dma_wait3A_138 : memref<10240x128xf32, #tpu.memory_space<vmem_shared>>)
        tpu.yield
      }) : () -> ()
      %jit3A_73 = arith.constant 2 : i32
      %div3A_74 = arith.divsi %select_n3A_3, %jit3A_73 : i32
      %sign3A_75 = arith.constant 0 : i32
      %sign3A_76 = arith.cmpi sgt, %select_n3A_3, %sign3A_75 : i32
      %sign3A_77 = arith.extui %sign3A_76 : i1 to i32
      %sign3A_78 = arith.constant 0 : i32
      %sign3A_79 = arith.cmpi slt, %select_n3A_3, %sign3A_78 : i32
      %sign3A_80 = arith.extui %sign3A_79 : i1 to i32
      %sign3A_81 = arith.subi %sign3A_77, %sign3A_80 : i32
      %sign3A_82 = arith.constant 0 : i32
      %sign3A_83 = arith.cmpi sgt, %jit3A_73, %sign3A_82 : i32
      %sign3A_84 = arith.extui %sign3A_83 : i1 to i32
      %sign3A_85 = arith.constant 0 : i32
      %sign3A_86 = arith.cmpi slt, %jit3A_73, %sign3A_85 : i32
      %sign3A_87 = arith.extui %sign3A_86 : i1 to i32
      %sign3A_88 = arith.subi %sign3A_84, %sign3A_87 : i32
      %ne3A_89 = arith.cmpi ne, %sign3A_81, %sign3A_88 : i32
      %rem3A_90 = arith.remsi %select_n3A_3, %jit3A_73 : i32
      %ne3A_91 = arith.constant 0 : i32
      %ne3A_92 = arith.cmpi ne, %rem3A_90, %ne3A_91 : i32
      %and3A_93 = arith.andi %ne3A_89, %ne3A_92 : i1
      %sub3A_94 = arith.constant 1 : i32
      %sub3A_95 = arith.subi %div3A_74, %sub3A_94 : i32
      %select_n3A_96 = arith.select %and3A_93, %sub3A_95, %div3A_74 : i32
      %sub3A_97 = arith.constant 1 : i32
      %sub3A_98 = arith.subi %select_n3A_96, %sub3A_97 : i32
      %lt3A = arith.cmpi slt, %while3A_70, %sub3A_98 : i32
      %convert_element_type3A = arith.extui %lt3A : i1 to i32
      %cond3A = arith.constant 0 : i32
      %cond3A_99 = arith.cmpi ne, %convert_element_type3A, %cond3A : i32
      scf.if %cond3A_99 {
        %mul3A_133 = arith.constant 2 : i32
        %mul3A_134 = arith.muli %mul3A_133, %while3A_70 : i32
        %add3A_135 = arith.constant 2 : i32
        %add3A_136 = arith.addi %mul3A_134, %add3A_135 : i32
        %mul3A_137 = arith.constant 128 : i32
        %mul3A_138 = arith.muli %add3A_136, %mul3A_137 : i32
        %add3A_139 = arith.addi %mul3A_23, %mul3A_138 : i32
        "tpu.region"() ({
          %run_scoped3A = tpu.sem_alloc : memref<!tpu.dma_semaphore, #tpu.memory_space<semaphore_mem>>
          %dma_start3A_143 = tpu.memref_slice %arg3[%add3A_139] : memref<327680xi32, #tpu.memory_space<hbm>> -> memref<128xi32, #tpu.memory_space<hbm>>
          %dma_start3A_144 = tpu.memref_slice %arg3[%add3A_139] : memref<327680xi32, #tpu.memory_space<hbm>> -> memref<128xi32, #tpu.memory_space<hbm>>
          tpu.enqueue_dma source(%dma_start3A_144 : memref<128xi32, #tpu.memory_space<hbm>>) target(%arg7 : memref<128xi32, #tpu.memory_space<vmem>>) target_semaphore(%run_scoped3A : memref<!tpu.dma_semaphore, #tpu.memory_space<semaphore_mem>>)
          %dma_wait3A_145 = tpu.memref_slice %arg3[%add3A_139] : memref<327680xi32, #tpu.memory_space<hbm>> -> memref<128xi32, #tpu.memory_space<hbm>>
          %dma_wait3A_146 = tpu.memref_slice %arg3[%add3A_139] : memref<327680xi32, #tpu.memory_space<hbm>> -> memref<128xi32, #tpu.memory_space<hbm>>
          tpu.wait_dma2 semaphore(%run_scoped3A : memref<!tpu.dma_semaphore, #tpu.memory_space<semaphore_mem>>) src(%dma_wait3A_146 : memref<128xi32, #tpu.memory_space<hbm>>) dst(%arg7 : memref<128xi32, #tpu.memory_space<vmem>>)
          tpu.yield
        }) : () -> ()
        "tpu.region"() ({
          %run_scoped3A = tpu.sem_alloc : memref<!tpu.dma_semaphore, #tpu.memory_space<semaphore_mem>>
          %dma_start3A_143 = tpu.memref_slice %arg4[%add3A_139] : memref<327680xi32, #tpu.memory_space<hbm>> -> memref<128xi32, #tpu.memory_space<hbm>>
          %dma_start3A_144 = tpu.memref_slice %arg4[%add3A_139] : memref<327680xi32, #tpu.memory_space<hbm>> -> memref<128xi32, #tpu.memory_space<hbm>>
          tpu.enqueue_dma source(%dma_start3A_144 : memref<128xi32, #tpu.memory_space<hbm>>) target(%arg8 : memref<128xi32, #tpu.memory_space<vmem>>) target_semaphore(%run_scoped3A : memref<!tpu.dma_semaphore, #tpu.memory_space<semaphore_mem>>)
          %dma_wait3A_145 = tpu.memref_slice %arg4[%add3A_139] : memref<327680xi32, #tpu.memory_space<hbm>> -> memref<128xi32, #tpu.memory_space<hbm>>
          %dma_wait3A_146 = tpu.memref_slice %arg4[%add3A_139] : memref<327680xi32, #tpu.memory_space<hbm>> -> memref<128xi32, #tpu.memory_space<hbm>>
          tpu.wait_dma2 semaphore(%run_scoped3A : memref<!tpu.dma_semaphore, #tpu.memory_space<semaphore_mem>>) src(%dma_wait3A_146 : memref<128xi32, #tpu.memory_space<hbm>>) dst(%arg8 : memref<128xi32, #tpu.memory_space<vmem>>)
          tpu.yield
        }) : () -> ()
        %dma_start3A_140 = arith.constant 0 : i32
        %dma_start3A_141 = arith.constant 0 : i32
        %dma_start3A_142 = tpu.memref_slice %arg2[%dma_start3A_140, %dma_start3A_141] : memref<10000x128xf32, #tpu.memory_space<hbm>> -> memref<10000x128xf32, #tpu.memory_space<hbm>>
        tpu.enqueue_indirect_dma source(%dma_start3A_142 : memref<10000x128xf32, #tpu.memory_space<hbm>>) target(%arg11 : memref<128x128xf32, #tpu.memory_space<vmem>>) offsets(%arg7 : memref<128xi32, #tpu.memory_space<vmem>>) semaphore(%arg14 : memref<!tpu.dma_semaphore, #tpu.memory_space<semaphore_mem>>)
      } else {
      }
      %dma_wait3A_100 = arith.constant 0 : i32
      %dma_wait3A_101 = arith.constant 0 : i32
      %dma_wait3A_102 = tpu.memref_slice %arg2[%dma_wait3A_100, %dma_wait3A_101] : memref<10000x128xf32, #tpu.memory_space<hbm>> -> memref<10000x128xf32, #tpu.memory_space<hbm>>
      tpu.wait_indirect_dma semaphore(%arg15 : memref<!tpu.dma_semaphore, #tpu.memory_space<semaphore_mem>>) src(%dma_wait3A_102 : memref<10000x128xf32, #tpu.memory_space<hbm>>) dst(%arg12 : memref<128x128xf32, #tpu.memory_space<vmem>>)
      "tpu.region"() ({
        %run_scoped3A = tpu.sem_alloc : memref<!tpu.dma_semaphore, #tpu.memory_space<semaphore_mem>>
        %dma_start3A_133 = arith.constant 0 : i32
        %dma_start3A_134 = arith.constant 0 : i32
        %dma_start3A_135 = tpu.memref_slice %arg13[%dma_start3A_133, %dma_start3A_134] : memref<10240x128xf32, #tpu.memory_space<vmem_shared>> -> memref<10240x128xf32, #tpu.memory_space<vmem_shared>>
        tpu.enqueue_indirect_dma source(%arg12 : memref<128x128xf32, #tpu.memory_space<vmem>>) target(%dma_start3A_135 : memref<10240x128xf32, #tpu.memory_space<vmem_shared>>) offsets(%arg10 : memref<128xi32, #tpu.memory_space<vmem>>) semaphore(%run_scoped3A : memref<!tpu.dma_semaphore, #tpu.memory_space<semaphore_mem>>) {add = true}
        %dma_wait3A_136 = arith.constant 0 : i32
        %dma_wait3A_137 = arith.constant 0 : i32
        %dma_wait3A_138 = tpu.memref_slice %arg13[%dma_wait3A_136, %dma_wait3A_137] : memref<10240x128xf32, #tpu.memory_space<vmem_shared>> -> memref<10240x128xf32, #tpu.memory_space<vmem_shared>>
        tpu.wait_indirect_dma semaphore(%run_scoped3A : memref<!tpu.dma_semaphore, #tpu.memory_space<semaphore_mem>>) src(%arg12 : memref<128x128xf32, #tpu.memory_space<vmem>>) dst(%dma_wait3A_138 : memref<10240x128xf32, #tpu.memory_space<vmem_shared>>)
        tpu.yield
      }) : () -> ()
      %jit3A_103 = arith.constant 2 : i32
      %div3A_104 = arith.divsi %select_n3A_3, %jit3A_103 : i32
      %sign3A_105 = arith.constant 0 : i32
      %sign3A_106 = arith.cmpi sgt, %select_n3A_3, %sign3A_105 : i32
      %sign3A_107 = arith.extui %sign3A_106 : i1 to i32
      %sign3A_108 = arith.constant 0 : i32
      %sign3A_109 = arith.cmpi slt, %select_n3A_3, %sign3A_108 : i32
      %sign3A_110 = arith.extui %sign3A_109 : i1 to i32
      %sign3A_111 = arith.subi %sign3A_107, %sign3A_110 : i32
      %sign3A_112 = arith.constant 0 : i32
      %sign3A_113 = arith.cmpi sgt, %jit3A_103, %sign3A_112 : i32
      %sign3A_114 = arith.extui %sign3A_113 : i1 to i32
      %sign3A_115 = arith.constant 0 : i32
      %sign3A_116 = arith.cmpi slt, %jit3A_103, %sign3A_115 : i32
      %sign3A_117 = arith.extui %sign3A_116 : i1 to i32
      %sign3A_118 = arith.subi %sign3A_114, %sign3A_117 : i32
      %ne3A_119 = arith.cmpi ne, %sign3A_111, %sign3A_118 : i32
      %rem3A_120 = arith.remsi %select_n3A_3, %jit3A_103 : i32
      %ne3A_121 = arith.constant 0 : i32
      %ne3A_122 = arith.cmpi ne, %rem3A_120, %ne3A_121 : i32
      %and3A_123 = arith.andi %ne3A_119, %ne3A_122 : i1
      %sub3A_124 = arith.constant 1 : i32
      %sub3A_125 = arith.subi %div3A_104, %sub3A_124 : i32
      %select_n3A_126 = arith.select %and3A_123, %sub3A_125, %div3A_104 : i32
      %sub3A_127 = arith.constant 1 : i32
      %sub3A_128 = arith.subi %select_n3A_126, %sub3A_127 : i32
      %lt3A_129 = arith.cmpi slt, %while3A_70, %sub3A_128 : i32
      %convert_element_type3A_130 = arith.extui %lt3A_129 : i1 to i32
      %cond3A_131 = arith.constant 0 : i32
      %cond3A_132 = arith.cmpi ne, %convert_element_type3A_130, %cond3A_131 : i32
      scf.if %cond3A_132 {
        %mul3A_133 = arith.constant 2 : i32
        %mul3A_134 = arith.muli %mul3A_133, %while3A_70 : i32
        %add3A_135 = arith.constant 3 : i32
        %add3A_136 = arith.addi %mul3A_134, %add3A_135 : i32
        %mul3A_137 = arith.constant 128 : i32
        %mul3A_138 = arith.muli %add3A_136, %mul3A_137 : i32
        %add3A_139 = arith.addi %mul3A_23, %mul3A_138 : i32
        "tpu.region"() ({
          %run_scoped3A = tpu.sem_alloc : memref<!tpu.dma_semaphore, #tpu.memory_space<semaphore_mem>>
          %dma_start3A_143 = tpu.memref_slice %arg3[%add3A_139] : memref<327680xi32, #tpu.memory_space<hbm>> -> memref<128xi32, #tpu.memory_space<hbm>>
          %dma_start3A_144 = tpu.memref_slice %arg3[%add3A_139] : memref<327680xi32, #tpu.memory_space<hbm>> -> memref<128xi32, #tpu.memory_space<hbm>>
          tpu.enqueue_dma source(%dma_start3A_144 : memref<128xi32, #tpu.memory_space<hbm>>) target(%arg9 : memref<128xi32, #tpu.memory_space<vmem>>) target_semaphore(%run_scoped3A : memref<!tpu.dma_semaphore, #tpu.memory_space<semaphore_mem>>)
          %dma_wait3A_145 = tpu.memref_slice %arg3[%add3A_139] : memref<327680xi32, #tpu.memory_space<hbm>> -> memref<128xi32, #tpu.memory_space<hbm>>
          %dma_wait3A_146 = tpu.memref_slice %arg3[%add3A_139] : memref<327680xi32, #tpu.memory_space<hbm>> -> memref<128xi32, #tpu.memory_space<hbm>>
          tpu.wait_dma2 semaphore(%run_scoped3A : memref<!tpu.dma_semaphore, #tpu.memory_space<semaphore_mem>>) src(%dma_wait3A_146 : memref<128xi32, #tpu.memory_space<hbm>>) dst(%arg9 : memref<128xi32, #tpu.memory_space<vmem>>)
          tpu.yield
        }) : () -> ()
        "tpu.region"() ({
          %run_scoped3A = tpu.sem_alloc : memref<!tpu.dma_semaphore, #tpu.memory_space<semaphore_mem>>
          %dma_start3A_143 = tpu.memref_slice %arg4[%add3A_139] : memref<327680xi32, #tpu.memory_space<hbm>> -> memref<128xi32, #tpu.memory_space<hbm>>
          %dma_start3A_144 = tpu.memref_slice %arg4[%add3A_139] : memref<327680xi32, #tpu.memory_space<hbm>> -> memref<128xi32, #tpu.memory_space<hbm>>
          tpu.enqueue_dma source(%dma_start3A_144 : memref<128xi32, #tpu.memory_space<hbm>>) target(%arg10 : memref<128xi32, #tpu.memory_space<vmem>>) target_semaphore(%run_scoped3A : memref<!tpu.dma_semaphore, #tpu.memory_space<semaphore_mem>>)
          %dma_wait3A_145 = tpu.memref_slice %arg4[%add3A_139] : memref<327680xi32, #tpu.memory_space<hbm>> -> memref<128xi32, #tpu.memory_space<hbm>>
          %dma_wait3A_146 = tpu.memref_slice %arg4[%add3A_139] : memref<327680xi32, #tpu.memory_space<hbm>> -> memref<128xi32, #tpu.memory_space<hbm>>
          tpu.wait_dma2 semaphore(%run_scoped3A : memref<!tpu.dma_semaphore, #tpu.memory_space<semaphore_mem>>) src(%dma_wait3A_146 : memref<128xi32, #tpu.memory_space<hbm>>) dst(%arg10 : memref<128xi32, #tpu.memory_space<vmem>>)
          tpu.yield
        }) : () -> ()
        %dma_start3A_140 = arith.constant 0 : i32
        %dma_start3A_141 = arith.constant 0 : i32
        %dma_start3A_142 = tpu.memref_slice %arg2[%dma_start3A_140, %dma_start3A_141] : memref<10000x128xf32, #tpu.memory_space<hbm>> -> memref<10000x128xf32, #tpu.memory_space<hbm>>
        tpu.enqueue_indirect_dma source(%dma_start3A_142 : memref<10000x128xf32, #tpu.memory_space<hbm>>) target(%arg12 : memref<128x128xf32, #tpu.memory_space<vmem>>) offsets(%arg9 : memref<128xi32, #tpu.memory_space<vmem>>) semaphore(%arg15 : memref<!tpu.dma_semaphore, #tpu.memory_space<semaphore_mem>>)
      } else {
      }
    }
    %while3A_58 = arith.constant 1 : i32
    scf.for %while3A_70 = %while3A_56 to %while3A_52 step %while3A_58  : i32 {
      %dma_wait3A = arith.constant 0 : i32
      %dma_wait3A_71 = arith.constant 0 : i32
      %dma_wait3A_72 = tpu.memref_slice %arg2[%dma_wait3A, %dma_wait3A_71] : memref<10000x128xf32, #tpu.memory_space<hbm>> -> memref<10000x128xf32, #tpu.memory_space<hbm>>
      tpu.wait_indirect_dma semaphore(%arg14 : memref<!tpu.dma_semaphore, #tpu.memory_space<semaphore_mem>>) src(%dma_wait3A_72 : memref<10000x128xf32, #tpu.memory_space<hbm>>) dst(%arg11 : memref<128x128xf32, #tpu.memory_space<vmem>>)
      "tpu.region"() ({
        %run_scoped3A = tpu.sem_alloc : memref<!tpu.dma_semaphore, #tpu.memory_space<semaphore_mem>>
        %dma_start3A_133 = arith.constant 0 : i32
        %dma_start3A_134 = arith.constant 0 : i32
        %dma_start3A_135 = tpu.memref_slice %arg13[%dma_start3A_133, %dma_start3A_134] : memref<10240x128xf32, #tpu.memory_space<vmem_shared>> -> memref<10240x128xf32, #tpu.memory_space<vmem_shared>>
        tpu.enqueue_indirect_dma source(%arg11 : memref<128x128xf32, #tpu.memory_space<vmem>>) target(%dma_start3A_135 : memref<10240x128xf32, #tpu.memory_space<vmem_shared>>) offsets(%arg8 : memref<128xi32, #tpu.memory_space<vmem>>) semaphore(%run_scoped3A : memref<!tpu.dma_semaphore, #tpu.memory_space<semaphore_mem>>) {add = true}
        %dma_wait3A_136 = arith.constant 0 : i32
        %dma_wait3A_137 = arith.constant 0 : i32
        %dma_wait3A_138 = tpu.memref_slice %arg13[%dma_wait3A_136, %dma_wait3A_137] : memref<10240x128xf32, #tpu.memory_space<vmem_shared>> -> memref<10240x128xf32, #tpu.memory_space<vmem_shared>>
        tpu.wait_indirect_dma semaphore(%run_scoped3A : memref<!tpu.dma_semaphore, #tpu.memory_space<semaphore_mem>>) src(%arg11 : memref<128x128xf32, #tpu.memory_space<vmem>>) dst(%dma_wait3A_138 : memref<10240x128xf32, #tpu.memory_space<vmem_shared>>)
        tpu.yield
      }) : () -> ()
      %jit3A_73 = arith.constant 2 : i32
      %div3A_74 = arith.divsi %select_n3A_3, %jit3A_73 : i32
      %sign3A_75 = arith.constant 0 : i32
      %sign3A_76 = arith.cmpi sgt, %select_n3A_3, %sign3A_75 : i32
      %sign3A_77 = arith.extui %sign3A_76 : i1 to i32
      %sign3A_78 = arith.constant 0 : i32
      %sign3A_79 = arith.cmpi slt, %select_n3A_3, %sign3A_78 : i32
      %sign3A_80 = arith.extui %sign3A_79 : i1 to i32
      %sign3A_81 = arith.subi %sign3A_77, %sign3A_80 : i32
      %sign3A_82 = arith.constant 0 : i32
      %sign3A_83 = arith.cmpi sgt, %jit3A_73, %sign3A_82 : i32
      %sign3A_84 = arith.extui %sign3A_83 : i1 to i32
      %sign3A_85 = arith.constant 0 : i32
      %sign3A_86 = arith.cmpi slt, %jit3A_73, %sign3A_85 : i32
      %sign3A_87 = arith.extui %sign3A_86 : i1 to i32
      %sign3A_88 = arith.subi %sign3A_84, %sign3A_87 : i32
      %ne3A_89 = arith.cmpi ne, %sign3A_81, %sign3A_88 : i32
      %rem3A_90 = arith.remsi %select_n3A_3, %jit3A_73 : i32
      %ne3A_91 = arith.constant 0 : i32
      %ne3A_92 = arith.cmpi ne, %rem3A_90, %ne3A_91 : i32
      %and3A_93 = arith.andi %ne3A_89, %ne3A_92 : i1
      %sub3A_94 = arith.constant 1 : i32
      %sub3A_95 = arith.subi %div3A_74, %sub3A_94 : i32
      %select_n3A_96 = arith.select %and3A_93, %sub3A_95, %div3A_74 : i32
      %sub3A_97 = arith.constant 1 : i32
      %sub3A_98 = arith.subi %select_n3A_96, %sub3A_97 : i32
      %lt3A = arith.cmpi slt, %while3A_70, %sub3A_98 : i32
      %convert_element_type3A = arith.extui %lt3A : i1 to i32
      %cond3A = arith.constant 0 : i32
      %cond3A_99 = arith.cmpi ne, %convert_element_type3A, %cond3A : i32
      scf.if %cond3A_99 {
        %mul3A_133 = arith.constant 2 : i32
        %mul3A_134 = arith.muli %mul3A_133, %while3A_70 : i32
        %add3A_135 = arith.constant 2 : i32
        %add3A_136 = arith.addi %mul3A_134, %add3A_135 : i32
        %mul3A_137 = arith.constant 128 : i32
        %mul3A_138 = arith.muli %add3A_136, %mul3A_137 : i32
        %add3A_139 = arith.addi %mul3A_23, %mul3A_138 : i32
        "tpu.region"() ({
          %run_scoped3A = tpu.sem_alloc : memref<!tpu.dma_semaphore, #tpu.memory_space<semaphore_mem>>
          %dma_start3A_143 = tpu.memref_slice %arg3[%add3A_139] : memref<327680xi32, #tpu.memory_space<hbm>> -> memref<128xi32, #tpu.memory_space<hbm>>
          %dma_start3A_144 = tpu.memref_slice %arg3[%add3A_139] : memref<327680xi32, #tpu.memory_space<hbm>> -> memref<128xi32, #tpu.memory_space<hbm>>
          tpu.enqueue_dma source(%dma_start3A_144 : memref<128xi32, #tpu.memory_space<hbm>>) target(%arg7 : memref<128xi32, #tpu.memory_space<vmem>>) target_semaphore(%run_scoped3A : memref<!tpu.dma_semaphore, #tpu.memory_space<semaphore_mem>>)
          %dma_wait3A_145 = tpu.memref_slice %arg3[%add3A_139] : memref<327680xi32, #tpu.memory_space<hbm>> -> memref<128xi32, #tpu.memory_space<hbm>>
          %dma_wait3A_146 = tpu.memref_slice %arg3[%add3A_139] : memref<327680xi32, #tpu.memory_space<hbm>> -> memref<128xi32, #tpu.memory_space<hbm>>
          tpu.wait_dma2 semaphore(%run_scoped3A : memref<!tpu.dma_semaphore, #tpu.memory_space<semaphore_mem>>) src(%dma_wait3A_146 : memref<128xi32, #tpu.memory_space<hbm>>) dst(%arg7 : memref<128xi32, #tpu.memory_space<vmem>>)
          tpu.yield
        }) : () -> ()
        "tpu.region"() ({
          %run_scoped3A = tpu.sem_alloc : memref<!tpu.dma_semaphore, #tpu.memory_space<semaphore_mem>>
          %dma_start3A_143 = tpu.memref_slice %arg4[%add3A_139] : memref<327680xi32, #tpu.memory_space<hbm>> -> memref<128xi32, #tpu.memory_space<hbm>>
          %dma_start3A_144 = tpu.memref_slice %arg4[%add3A_139] : memref<327680xi32, #tpu.memory_space<hbm>> -> memref<128xi32, #tpu.memory_space<hbm>>
          tpu.enqueue_dma source(%dma_start3A_144 : memref<128xi32, #tpu.memory_space<hbm>>) target(%arg8 : memref<128xi32, #tpu.memory_space<vmem>>) target_semaphore(%run_scoped3A : memref<!tpu.dma_semaphore, #tpu.memory_space<semaphore_mem>>)
          %dma_wait3A_145 = tpu.memref_slice %arg4[%add3A_139] : memref<327680xi32, #tpu.memory_space<hbm>> -> memref<128xi32, #tpu.memory_space<hbm>>
          %dma_wait3A_146 = tpu.memref_slice %arg4[%add3A_139] : memref<327680xi32, #tpu.memory_space<hbm>> -> memref<128xi32, #tpu.memory_space<hbm>>
          tpu.wait_dma2 semaphore(%run_scoped3A : memref<!tpu.dma_semaphore, #tpu.memory_space<semaphore_mem>>) src(%dma_wait3A_146 : memref<128xi32, #tpu.memory_space<hbm>>) dst(%arg8 : memref<128xi32, #tpu.memory_space<vmem>>)
          tpu.yield
        }) : () -> ()
        %dma_start3A_140 = arith.constant 0 : i32
        %dma_start3A_141 = arith.constant 0 : i32
        %dma_start3A_142 = tpu.memref_slice %arg2[%dma_start3A_140, %dma_start3A_141] : memref<10000x128xf32, #tpu.memory_space<hbm>> -> memref<10000x128xf32, #tpu.memory_space<hbm>>
        tpu.enqueue_indirect_dma source(%dma_start3A_142 : memref<10000x128xf32, #tpu.memory_space<hbm>>) target(%arg11 : memref<128x128xf32, #tpu.memory_space<vmem>>) offsets(%arg7 : memref<128xi32, #tpu.memory_space<vmem>>) semaphore(%arg14 : memref<!tpu.dma_semaphore, #tpu.memory_space<semaphore_mem>>)
      } else {
      }
      %dma_wait3A_100 = arith.constant 0 : i32
      %dma_wait3A_101 = arith.constant 0 : i32
      %dma_wait3A_102 = tpu.memref_slice %arg2[%dma_wait3A_100, %dma_wait3A_101] : memref<10000x128xf32, #tpu.memory_space<hbm>> -> memref<10000x128xf32, #tpu.memory_space<hbm>>
      tpu.wait_indirect_dma semaphore(%arg15 : memref<!tpu.dma_semaphore, #tpu.memory_space<semaphore_mem>>) src(%dma_wait3A_102 : memref<10000x128xf32, #tpu.memory_space<hbm>>) dst(%arg12 : memref<128x128xf32, #tpu.memory_space<vmem>>)
      "tpu.region"() ({
        %run_scoped3A = tpu.sem_alloc : memref<!tpu.dma_semaphore, #tpu.memory_space<semaphore_mem>>
        %dma_start3A_133 = arith.constant 0 : i32
        %dma_start3A_134 = arith.constant 0 : i32
        %dma_start3A_135 = tpu.memref_slice %arg13[%dma_start3A_133, %dma_start3A_134] : memref<10240x128xf32, #tpu.memory_space<vmem_shared>> -> memref<10240x128xf32, #tpu.memory_space<vmem_shared>>
        tpu.enqueue_indirect_dma source(%arg12 : memref<128x128xf32, #tpu.memory_space<vmem>>) target(%dma_start3A_135 : memref<10240x128xf32, #tpu.memory_space<vmem_shared>>) offsets(%arg10 : memref<128xi32, #tpu.memory_space<vmem>>) semaphore(%run_scoped3A : memref<!tpu.dma_semaphore, #tpu.memory_space<semaphore_mem>>) {add = true}
        %dma_wait3A_136 = arith.constant 0 : i32
        %dma_wait3A_137 = arith.constant 0 : i32
        %dma_wait3A_138 = tpu.memref_slice %arg13[%dma_wait3A_136, %dma_wait3A_137] : memref<10240x128xf32, #tpu.memory_space<vmem_shared>> -> memref<10240x128xf32, #tpu.memory_space<vmem_shared>>
        tpu.wait_indirect_dma semaphore(%run_scoped3A : memref<!tpu.dma_semaphore, #tpu.memory_space<semaphore_mem>>) src(%arg12 : memref<128x128xf32, #tpu.memory_space<vmem>>) dst(%dma_wait3A_138 : memref<10240x128xf32, #tpu.memory_space<vmem_shared>>)
        tpu.yield
      }) : () -> ()
      %jit3A_103 = arith.constant 2 : i32
      %div3A_104 = arith.divsi %select_n3A_3, %jit3A_103 : i32
      %sign3A_105 = arith.constant 0 : i32
      %sign3A_106 = arith.cmpi sgt, %select_n3A_3, %sign3A_105 : i32
      %sign3A_107 = arith.extui %sign3A_106 : i1 to i32
      %sign3A_108 = arith.constant 0 : i32
      %sign3A_109 = arith.cmpi slt, %select_n3A_3, %sign3A_108 : i32
      %sign3A_110 = arith.extui %sign3A_109 : i1 to i32
      %sign3A_111 = arith.subi %sign3A_107, %sign3A_110 : i32
      %sign3A_112 = arith.constant 0 : i32
      %sign3A_113 = arith.cmpi sgt, %jit3A_103, %sign3A_112 : i32
      %sign3A_114 = arith.extui %sign3A_113 : i1 to i32
      %sign3A_115 = arith.constant 0 : i32
      %sign3A_116 = arith.cmpi slt, %jit3A_103, %sign3A_115 : i32
      %sign3A_117 = arith.extui %sign3A_116 : i1 to i32
      %sign3A_118 = arith.subi %sign3A_114, %sign3A_117 : i32
      %ne3A_119 = arith.cmpi ne, %sign3A_111, %sign3A_118 : i32
      %rem3A_120 = arith.remsi %select_n3A_3, %jit3A_103 : i32
      %ne3A_121 = arith.constant 0 : i32
      %ne3A_122 = arith.cmpi ne, %rem3A_120, %ne3A_121 : i32
      %and3A_123 = arith.andi %ne3A_119, %ne3A_122 : i1
      %sub3A_124 = arith.constant 1 : i32
      %sub3A_125 = arith.subi %div3A_104, %sub3A_124 : i32
      %select_n3A_126 = arith.select %and3A_123, %sub3A_125, %div3A_104 : i32
      %sub3A_127 = arith.constant 1 : i32
      %sub3A_128 = arith.subi %select_n3A_126, %sub3A_127 : i32
      %lt3A_129 = arith.cmpi slt, %while3A_70, %sub3A_128 : i32
      %convert_element_type3A_130 = arith.extui %lt3A_129 : i1 to i32
      %cond3A_131 = arith.constant 0 : i32
      %cond3A_132 = arith.cmpi ne, %convert_element_type3A_130, %cond3A_131 : i32
      scf.if %cond3A_132 {
        %mul3A_133 = arith.constant 2 : i32
        %mul3A_134 = arith.muli %mul3A_133, %while3A_70 : i32
        %add3A_135 = arith.constant 3 : i32
        %add3A_136 = arith.addi %mul3A_134, %add3A_135 : i32
        %mul3A_137 = arith.constant 128 : i32
        %mul3A_138 = arith.muli %add3A_136, %mul3A_137 : i32
        %add3A_139 = arith.addi %mul3A_23, %mul3A_138 : i32
        "tpu.region"() ({
          %run_scoped3A = tpu.sem_alloc : memref<!tpu.dma_semaphore, #tpu.memory_space<semaphore_mem>>
          %dma_start3A_143 = tpu.memref_slice %arg3[%add3A_139] : memref<327680xi32, #tpu.memory_space<hbm>> -> memref<128xi32, #tpu.memory_space<hbm>>
          %dma_start3A_144 = tpu.memref_slice %arg3[%add3A_139] : memref<327680xi32, #tpu.memory_space<hbm>> -> memref<128xi32, #tpu.memory_space<hbm>>
          tpu.enqueue_dma source(%dma_start3A_144 : memref<128xi32, #tpu.memory_space<hbm>>) target(%arg9 : memref<128xi32, #tpu.memory_space<vmem>>) target_semaphore(%run_scoped3A : memref<!tpu.dma_semaphore, #tpu.memory_space<semaphore_mem>>)
          %dma_wait3A_145 = tpu.memref_slice %arg3[%add3A_139] : memref<327680xi32, #tpu.memory_space<hbm>> -> memref<128xi32, #tpu.memory_space<hbm>>
          %dma_wait3A_146 = tpu.memref_slice %arg3[%add3A_139] : memref<327680xi32, #tpu.memory_space<hbm>> -> memref<128xi32, #tpu.memory_space<hbm>>
          tpu.wait_dma2 semaphore(%run_scoped3A : memref<!tpu.dma_semaphore, #tpu.memory_space<semaphore_mem>>) src(%dma_wait3A_146 : memref<128xi32, #tpu.memory_space<hbm>>) dst(%arg9 : memref<128xi32, #tpu.memory_space<vmem>>)
          tpu.yield
        }) : () -> ()
        "tpu.region"() ({
          %run_scoped3A = tpu.sem_alloc : memref<!tpu.dma_semaphore, #tpu.memory_space<semaphore_mem>>
          %dma_start3A_143 = tpu.memref_slice %arg4[%add3A_139] : memref<327680xi32, #tpu.memory_space<hbm>> -> memref<128xi32, #tpu.memory_space<hbm>>
          %dma_start3A_144 = tpu.memref_slice %arg4[%add3A_139] : memref<327680xi32, #tpu.memory_space<hbm>> -> memref<128xi32, #tpu.memory_space<hbm>>
          tpu.enqueue_dma source(%dma_start3A_144 : memref<128xi32, #tpu.memory_space<hbm>>) target(%arg10 : memref<128xi32, #tpu.memory_space<vmem>>) target_semaphore(%run_scoped3A : memref<!tpu.dma_semaphore, #tpu.memory_space<semaphore_mem>>)
          %dma_wait3A_145 = tpu.memref_slice %arg4[%add3A_139] : memref<327680xi32, #tpu.memory_space<hbm>> -> memref<128xi32, #tpu.memory_space<hbm>>
          %dma_wait3A_146 = tpu.memref_slice %arg4[%add3A_139] : memref<327680xi32, #tpu.memory_space<hbm>> -> memref<128xi32, #tpu.memory_space<hbm>>
          tpu.wait_dma2 semaphore(%run_scoped3A : memref<!tpu.dma_semaphore, #tpu.memory_space<semaphore_mem>>) src(%dma_wait3A_146 : memref<128xi32, #tpu.memory_space<hbm>>) dst(%arg10 : memref<128xi32, #tpu.memory_space<vmem>>)
          tpu.yield
        }) : () -> ()
        %dma_start3A_140 = arith.constant 0 : i32
        %dma_start3A_141 = arith.constant 0 : i32
        %dma_start3A_142 = tpu.memref_slice %arg2[%dma_start3A_140, %dma_start3A_141] : memref<10000x128xf32, #tpu.memory_space<hbm>> -> memref<10000x128xf32, #tpu.memory_space<hbm>>
        tpu.enqueue_indirect_dma source(%dma_start3A_142 : memref<10000x128xf32, #tpu.memory_space<hbm>>) target(%arg12 : memref<128x128xf32, #tpu.memory_space<vmem>>) offsets(%arg9 : memref<128xi32, #tpu.memory_space<vmem>>) semaphore(%arg15 : memref<!tpu.dma_semaphore, #tpu.memory_space<semaphore_mem>>)
      } else {
      }
    }
    %barrier3A_59 = arith.constant 0 : index
    tpu.barrier barrier_id(%barrier3A_59)
    %add3A_60 = arith.constant 0 : i32
    %add3A_61 = arith.addi %mul3A_0, %add3A_60 : i32
    "tpu.region"() ({
      %run_scoped3A = tpu.sem_alloc : memref<!tpu.dma_semaphore, #tpu.memory_space<semaphore_mem>>
      %dma_start3A_70 = arith.constant 0 : i32
      %dma_start3A_71 = tpu.memref_slice %arg13[%add3A_61, %dma_start3A_70] : memref<10240x128xf32, #tpu.memory_space<vmem_shared>> -> memref<128x128xf32, #tpu.memory_space<vmem_shared>>
      %dma_start3A_72 = arith.constant 0 : i32
      %dma_start3A_73 = tpu.memref_slice %arg13[%add3A_61, %dma_start3A_72] : memref<10240x128xf32, #tpu.memory_space<vmem_shared>> -> memref<128x128xf32, #tpu.memory_space<vmem_shared>>
      tpu.enqueue_dma source(%dma_start3A_73 : memref<128x128xf32, #tpu.memory_space<vmem_shared>>) target(%arg11 : memref<128x128xf32, #tpu.memory_space<vmem>>) target_semaphore(%run_scoped3A : memref<!tpu.dma_semaphore, #tpu.memory_space<semaphore_mem>>)
      %dma_wait3A = arith.constant 0 : i32
      %dma_wait3A_74 = tpu.memref_slice %arg13[%add3A_61, %dma_wait3A] : memref<10240x128xf32, #tpu.memory_space<vmem_shared>> -> memref<128x128xf32, #tpu.memory_space<vmem_shared>>
      %dma_wait3A_75 = arith.constant 0 : i32
      %dma_wait3A_76 = tpu.memref_slice %arg13[%add3A_61, %dma_wait3A_75] : memref<10240x128xf32, #tpu.memory_space<vmem_shared>> -> memref<128x128xf32, #tpu.memory_space<vmem_shared>>
      tpu.wait_dma2 semaphore(%run_scoped3A : memref<!tpu.dma_semaphore, #tpu.memory_space<semaphore_mem>>) src(%dma_wait3A_76 : memref<128x128xf32, #tpu.memory_space<vmem_shared>>) dst(%arg11 : memref<128x128xf32, #tpu.memory_space<vmem>>)
      tpu.yield
    }) : () -> ()
    "tpu.region"() ({
      %run_scoped3A = tpu.sem_alloc : memref<!tpu.dma_semaphore, #tpu.memory_space<semaphore_mem>>
      %dma_start3A_70 = arith.constant 0 : i32
      %dma_start3A_71 = tpu.memref_slice %arg6[%arg0, %add3A_61, %dma_start3A_70] : memref<2x10240x128xf32, #tpu.memory_space<hbm>> -> memref<1x128x128xf32, #tpu.memory_space<hbm>>
      %dma_start3A_72 = tpu.memref_squeeze %dma_start3A_71 : memref<1x128x128xf32, #tpu.memory_space<hbm>> -> memref<128x128xf32, #tpu.memory_space<hbm>>
      %dma_start3A_73 = arith.constant 0 : i32
      %dma_start3A_74 = tpu.memref_slice %arg6[%arg0, %add3A_61, %dma_start3A_73] : memref<2x10240x128xf32, #tpu.memory_space<hbm>> -> memref<1x128x128xf32, #tpu.memory_space<hbm>>
      %dma_start3A_75 = tpu.memref_squeeze %dma_start3A_74 : memref<1x128x128xf32, #tpu.memory_space<hbm>> -> memref<128x128xf32, #tpu.memory_space<hbm>>
      tpu.enqueue_dma source(%arg11 : memref<128x128xf32, #tpu.memory_space<vmem>>) target(%dma_start3A_75 : memref<128x128xf32, #tpu.memory_space<hbm>>) target_semaphore(%run_scoped3A : memref<!tpu.dma_semaphore, #tpu.memory_space<semaphore_mem>>)
      %dma_wait3A = arith.constant 0 : i32
      %dma_wait3A_76 = tpu.memref_slice %arg6[%arg0, %add3A_61, %dma_wait3A] : memref<2x10240x128xf32, #tpu.memory_space<hbm>> -> memref<1x128x128xf32, #tpu.memory_space<hbm>>
      %dma_wait3A_77 = tpu.memref_squeeze %dma_wait3A_76 : memref<1x128x128xf32, #tpu.memory_space<hbm>> -> memref<128x128xf32, #tpu.memory_space<hbm>>
      %dma_wait3A_78 = arith.constant 0 : i32
      %dma_wait3A_79 = tpu.memref_slice %arg6[%arg0, %add3A_61, %dma_wait3A_78] : memref<2x10240x128xf32, #tpu.memory_space<hbm>> -> memref<1x128x128xf32, #tpu.memory_space<hbm>>
      %dma_wait3A_80 = tpu.memref_squeeze %dma_wait3A_79 : memref<1x128x128xf32, #tpu.memory_space<hbm>> -> memref<128x128xf32, #tpu.memory_space<hbm>>
      tpu.wait_dma2 semaphore(%run_scoped3A : memref<!tpu.dma_semaphore, #tpu.memory_space<semaphore_mem>>) src(%arg11 : memref<128x128xf32, #tpu.memory_space<vmem>>) dst(%dma_wait3A_80 : memref<128x128xf32, #tpu.memory_space<hbm>>)
      tpu.yield
    }) : () -> ()
    %add3A_62 = arith.constant 128 : i32
    %add3A_63 = arith.addi %mul3A_0, %add3A_62 : i32
    "tpu.region"() ({
      %run_scoped3A = tpu.sem_alloc : memref<!tpu.dma_semaphore, #tpu.memory_space<semaphore_mem>>
      %dma_start3A_70 = arith.constant 0 : i32
      %dma_start3A_71 = tpu.memref_slice %arg13[%add3A_63, %dma_start3A_70] : memref<10240x128xf32, #tpu.memory_space<vmem_shared>> -> memref<128x128xf32, #tpu.memory_space<vmem_shared>>
      %dma_start3A_72 = arith.constant 0 : i32
      %dma_start3A_73 = tpu.memref_slice %arg13[%add3A_63, %dma_start3A_72] : memref<10240x128xf32, #tpu.memory_space<vmem_shared>> -> memref<128x128xf32, #tpu.memory_space<vmem_shared>>
      tpu.enqueue_dma source(%dma_start3A_73 : memref<128x128xf32, #tpu.memory_space<vmem_shared>>) target(%arg11 : memref<128x128xf32, #tpu.memory_space<vmem>>) target_semaphore(%run_scoped3A : memref<!tpu.dma_semaphore, #tpu.memory_space<semaphore_mem>>)
      %dma_wait3A = arith.constant 0 : i32
      %dma_wait3A_74 = tpu.memref_slice %arg13[%add3A_63, %dma_wait3A] : memref<10240x128xf32, #tpu.memory_space<vmem_shared>> -> memref<128x128xf32, #tpu.memory_space<vmem_shared>>
      %dma_wait3A_75 = arith.constant 0 : i32
      %dma_wait3A_76 = tpu.memref_slice %arg13[%add3A_63, %dma_wait3A_75] : memref<10240x128xf32, #tpu.memory_space<vmem_shared>> -> memref<128x128xf32, #tpu.memory_space<vmem_shared>>
      tpu.wait_dma2 semaphore(%run_scoped3A : memref<!tpu.dma_semaphore, #tpu.memory_space<semaphore_mem>>) src(%dma_wait3A_76 : memref<128x128xf32, #tpu.memory_space<vmem_shared>>) dst(%arg11 : memref<128x128xf32, #tpu.memory_space<vmem>>)
      tpu.yield
    }) : () -> ()
    "tpu.region"() ({
      %run_scoped3A = tpu.sem_alloc : memref<!tpu.dma_semaphore, #tpu.memory_space<semaphore_mem>>
      %dma_start3A_70 = arith.constant 0 : i32
      %dma_start3A_71 = tpu.memref_slice %arg6[%arg0, %add3A_63, %dma_start3A_70] : memref<2x10240x128xf32, #tpu.memory_space<hbm>> -> memref<1x128x128xf32, #tpu.memory_space<hbm>>
      %dma_start3A_72 = tpu.memref_squeeze %dma_start3A_71 : memref<1x128x128xf32, #tpu.memory_space<hbm>> -> memref<128x128xf32, #tpu.memory_space<hbm>>
      %dma_start3A_73 = arith.constant 0 : i32
      %dma_start3A_74 = tpu.memref_slice %arg6[%arg0, %add3A_63, %dma_start3A_73] : memref<2x10240x128xf32, #tpu.memory_space<hbm>> -> memref<1x128x128xf32, #tpu.memory_space<hbm>>
      %dma_start3A_75 = tpu.memref_squeeze %dma_start3A_74 : memref<1x128x128xf32, #tpu.memory_space<hbm>> -> memref<128x128xf32, #tpu.memory_space<hbm>>
      tpu.enqueue_dma source(%arg11 : memref<128x128xf32, #tpu.memory_space<vmem>>) target(%dma_start3A_75 : memref<128x128xf32, #tpu.memory_space<hbm>>) target_semaphore(%run_scoped3A : memref<!tpu.dma_semaphore, #tpu.memory_space<semaphore_mem>>)
      %dma_wait3A = arith.constant 0 : i32
      %dma_wait3A_76 = tpu.memref_slice %arg6[%arg0, %add3A_63, %dma_wait3A] : memref<2x10240x128xf32, #tpu.memory_space<hbm>> -> memref<1x128x128xf32, #tpu.memory_space<hbm>>
      %dma_wait3A_77 = tpu.memref_squeeze %dma_wait3A_76 : memref<1x128x128xf32, #tpu.memory_space<hbm>> -> memref<128x128xf32, #tpu.memory_space<hbm>>
      %dma_wait3A_78 = arith.constant 0 : i32
      %dma_wait3A_79 = tpu.memref_slice %arg6[%arg0, %add3A_63, %dma_wait3A_78] : memref<2x10240x128xf32, #tpu.memory_space<hbm>> -> memref<1x128x128xf32, #tpu.memory_space<hbm>>
      %dma_wait3A_80 = tpu.memref_squeeze %dma_wait3A_79 : memref<1x128x128xf32, #tpu.memory_space<hbm>> -> memref<128x128xf32, #tpu.memory_space<hbm>>
      tpu.wait_dma2 semaphore(%run_scoped3A : memref<!tpu.dma_semaphore, #tpu.memory_space<semaphore_mem>>) src(%arg11 : memref<128x128xf32, #tpu.memory_space<vmem>>) dst(%dma_wait3A_80 : memref<128x128xf32, #tpu.memory_space<hbm>>)
      tpu.yield
    }) : () -> ()
    %add3A_64 = arith.constant 256 : i32
    %add3A_65 = arith.addi %mul3A_0, %add3A_64 : i32
    "tpu.region"() ({
      %run_scoped3A = tpu.sem_alloc : memref<!tpu.dma_semaphore, #tpu.memory_space<semaphore_mem>>
      %dma_start3A_70 = arith.constant 0 : i32
      %dma_start3A_71 = tpu.memref_slice %arg13[%add3A_65, %dma_start3A_70] : memref<10240x128xf32, #tpu.memory_space<vmem_shared>> -> memref<128x128xf32, #tpu.memory_space<vmem_shared>>
      %dma_start3A_72 = arith.constant 0 : i32
      %dma_start3A_73 = tpu.memref_slice %arg13[%add3A_65, %dma_start3A_72] : memref<10240x128xf32, #tpu.memory_space<vmem_shared>> -> memref<128x128xf32, #tpu.memory_space<vmem_shared>>
      tpu.enqueue_dma source(%dma_start3A_73 : memref<128x128xf32, #tpu.memory_space<vmem_shared>>) target(%arg11 : memref<128x128xf32, #tpu.memory_space<vmem>>) target_semaphore(%run_scoped3A : memref<!tpu.dma_semaphore, #tpu.memory_space<semaphore_mem>>)
      %dma_wait3A = arith.constant 0 : i32
      %dma_wait3A_74 = tpu.memref_slice %arg13[%add3A_65, %dma_wait3A] : memref<10240x128xf32, #tpu.memory_space<vmem_shared>> -> memref<128x128xf32, #tpu.memory_space<vmem_shared>>
      %dma_wait3A_75 = arith.constant 0 : i32
      %dma_wait3A_76 = tpu.memref_slice %arg13[%add3A_65, %dma_wait3A_75] : memref<10240x128xf32, #tpu.memory_space<vmem_shared>> -> memref<128x128xf32, #tpu.memory_space<vmem_shared>>
      tpu.wait_dma2 semaphore(%run_scoped3A : memref<!tpu.dma_semaphore, #tpu.memory_space<semaphore_mem>>) src(%dma_wait3A_76 : memref<128x128xf32, #tpu.memory_space<vmem_shared>>) dst(%arg11 : memref<128x128xf32, #tpu.memory_space<vmem>>)
      tpu.yield
    }) : () -> ()
    "tpu.region"() ({
      %run_scoped3A = tpu.sem_alloc : memref<!tpu.dma_semaphore, #tpu.memory_space<semaphore_mem>>
      %dma_start3A_70 = arith.constant 0 : i32
      %dma_start3A_71 = tpu.memref_slice %arg6[%arg0, %add3A_65, %dma_start3A_70] : memref<2x10240x128xf32, #tpu.memory_space<hbm>> -> memref<1x128x128xf32, #tpu.memory_space<hbm>>
      %dma_start3A_72 = tpu.memref_squeeze %dma_start3A_71 : memref<1x128x128xf32, #tpu.memory_space<hbm>> -> memref<128x128xf32, #tpu.memory_space<hbm>>
      %dma_start3A_73 = arith.constant 0 : i32
      %dma_start3A_74 = tpu.memref_slice %arg6[%arg0, %add3A_65, %dma_start3A_73] : memref<2x10240x128xf32, #tpu.memory_space<hbm>> -> memref<1x128x128xf32, #tpu.memory_space<hbm>>
      %dma_start3A_75 = tpu.memref_squeeze %dma_start3A_74 : memref<1x128x128xf32, #tpu.memory_space<hbm>> -> memref<128x128xf32, #tpu.memory_space<hbm>>
      tpu.enqueue_dma source(%arg11 : memref<128x128xf32, #tpu.memory_space<vmem>>) target(%dma_start3A_75 : memref<128x128xf32, #tpu.memory_space<hbm>>) target_semaphore(%run_scoped3A : memref<!tpu.dma_semaphore, #tpu.memory_space<semaphore_mem>>)
      %dma_wait3A = arith.constant 0 : i32
      %dma_wait3A_76 = tpu.memref_slice %arg6[%arg0, %add3A_65, %dma_wait3A] : memref<2x10240x128xf32, #tpu.memory_space<hbm>> -> memref<1x128x128xf32, #tpu.memory_space<hbm>>
      %dma_wait3A_77 = tpu.memref_squeeze %dma_wait3A_76 : memref<1x128x128xf32, #tpu.memory_space<hbm>> -> memref<128x128xf32, #tpu.memory_space<hbm>>
      %dma_wait3A_78 = arith.constant 0 : i32
      %dma_wait3A_79 = tpu.memref_slice %arg6[%arg0, %add3A_65, %dma_wait3A_78] : memref<2x10240x128xf32, #tpu.memory_space<hbm>> -> memref<1x128x128xf32, #tpu.memory_space<hbm>>
      %dma_wait3A_80 = tpu.memref_squeeze %dma_wait3A_79 : memref<1x128x128xf32, #tpu.memory_space<hbm>> -> memref<128x128xf32, #tpu.memory_space<hbm>>
      tpu.wait_dma2 semaphore(%run_scoped3A : memref<!tpu.dma_semaphore, #tpu.memory_space<semaphore_mem>>) src(%arg11 : memref<128x128xf32, #tpu.memory_space<vmem>>) dst(%dma_wait3A_80 : memref<128x128xf32, #tpu.memory_space<hbm>>)
      tpu.yield
    }) : () -> ()
    %add3A_66 = arith.constant 384 : i32
    %add3A_67 = arith.addi %mul3A_0, %add3A_66 : i32
    "tpu.region"() ({
      %run_scoped3A = tpu.sem_alloc : memref<!tpu.dma_semaphore, #tpu.memory_space<semaphore_mem>>
      %dma_start3A_70 = arith.constant 0 : i32
      %dma_start3A_71 = tpu.memref_slice %arg13[%add3A_67, %dma_start3A_70] : memref<10240x128xf32, #tpu.memory_space<vmem_shared>> -> memref<128x128xf32, #tpu.memory_space<vmem_shared>>
      %dma_start3A_72 = arith.constant 0 : i32
      %dma_start3A_73 = tpu.memref_slice %arg13[%add3A_67, %dma_start3A_72] : memref<10240x128xf32, #tpu.memory_space<vmem_shared>> -> memref<128x128xf32, #tpu.memory_space<vmem_shared>>
      tpu.enqueue_dma source(%dma_start3A_73 : memref<128x128xf32, #tpu.memory_space<vmem_shared>>) target(%arg11 : memref<128x128xf32, #tpu.memory_space<vmem>>) target_semaphore(%run_scoped3A : memref<!tpu.dma_semaphore, #tpu.memory_space<semaphore_mem>>)
      %dma_wait3A = arith.constant 0 : i32
      %dma_wait3A_74 = tpu.memref_slice %arg13[%add3A_67, %dma_wait3A] : memref<10240x128xf32, #tpu.memory_space<vmem_shared>> -> memref<128x128xf32, #tpu.memory_space<vmem_shared>>
      %dma_wait3A_75 = arith.constant 0 : i32
      %dma_wait3A_76 = tpu.memref_slice %arg13[%add3A_67, %dma_wait3A_75] : memref<10240x128xf32, #tpu.memory_space<vmem_shared>> -> memref<128x128xf32, #tpu.memory_space<vmem_shared>>
      tpu.wait_dma2 semaphore(%run_scoped3A : memref<!tpu.dma_semaphore, #tpu.memory_space<semaphore_mem>>) src(%dma_wait3A_76 : memref<128x128xf32, #tpu.memory_space<vmem_shared>>) dst(%arg11 : memref<128x128xf32, #tpu.memory_space<vmem>>)
      tpu.yield
    }) : () -> ()
    "tpu.region"() ({
      %run_scoped3A = tpu.sem_alloc : memref<!tpu.dma_semaphore, #tpu.memory_space<semaphore_mem>>
      %dma_start3A_70 = arith.constant 0 : i32
      %dma_start3A_71 = tpu.memref_slice %arg6[%arg0, %add3A_67, %dma_start3A_70] : memref<2x10240x128xf32, #tpu.memory_space<hbm>> -> memref<1x128x128xf32, #tpu.memory_space<hbm>>
      %dma_start3A_72 = tpu.memref_squeeze %dma_start3A_71 : memref<1x128x128xf32, #tpu.memory_space<hbm>> -> memref<128x128xf32, #tpu.memory_space<hbm>>
      %dma_start3A_73 = arith.constant 0 : i32
      %dma_start3A_74 = tpu.memref_slice %arg6[%arg0, %add3A_67, %dma_start3A_73] : memref<2x10240x128xf32, #tpu.memory_space<hbm>> -> memref<1x128x128xf32, #tpu.memory_space<hbm>>
      %dma_start3A_75 = tpu.memref_squeeze %dma_start3A_74 : memref<1x128x128xf32, #tpu.memory_space<hbm>> -> memref<128x128xf32, #tpu.memory_space<hbm>>
      tpu.enqueue_dma source(%arg11 : memref<128x128xf32, #tpu.memory_space<vmem>>) target(%dma_start3A_75 : memref<128x128xf32, #tpu.memory_space<hbm>>) target_semaphore(%run_scoped3A : memref<!tpu.dma_semaphore, #tpu.memory_space<semaphore_mem>>)
      %dma_wait3A = arith.constant 0 : i32
      %dma_wait3A_76 = tpu.memref_slice %arg6[%arg0, %add3A_67, %dma_wait3A] : memref<2x10240x128xf32, #tpu.memory_space<hbm>> -> memref<1x128x128xf32, #tpu.memory_space<hbm>>
      %dma_wait3A_77 = tpu.memref_squeeze %dma_wait3A_76 : memref<1x128x128xf32, #tpu.memory_space<hbm>> -> memref<128x128xf32, #tpu.memory_space<hbm>>
      %dma_wait3A_78 = arith.constant 0 : i32
      %dma_wait3A_79 = tpu.memref_slice %arg6[%arg0, %add3A_67, %dma_wait3A_78] : memref<2x10240x128xf32, #tpu.memory_space<hbm>> -> memref<1x128x128xf32, #tpu.memory_space<hbm>>
      %dma_wait3A_80 = tpu.memref_squeeze %dma_wait3A_79 : memref<1x128x128xf32, #tpu.memory_space<hbm>> -> memref<128x128xf32, #tpu.memory_space<hbm>>
      tpu.wait_dma2 semaphore(%run_scoped3A : memref<!tpu.dma_semaphore, #tpu.memory_space<semaphore_mem>>) src(%arg11 : memref<128x128xf32, #tpu.memory_space<vmem>>) dst(%dma_wait3A_80 : memref<128x128xf32, #tpu.memory_space<hbm>>)
      tpu.yield
    }) : () -> ()
    %add3A_68 = arith.constant 512 : i32
    %add3A_69 = arith.addi %mul3A_0, %add3A_68 : i32
    "tpu.region"() ({
      %run_scoped3A = tpu.sem_alloc : memref<!tpu.dma_semaphore, #tpu.memory_space<semaphore_mem>>
      %dma_start3A_70 = arith.constant 0 : i32
      %dma_start3A_71 = tpu.memref_slice %arg13[%add3A_69, %dma_start3A_70] : memref<10240x128xf32, #tpu.memory_space<vmem_shared>> -> memref<128x128xf32, #tpu.memory_space<vmem_shared>>
      %dma_start3A_72 = arith.constant 0 : i32
      %dma_start3A_73 = tpu.memref_slice %arg13[%add3A_69, %dma_start3A_72] : memref<10240x128xf32, #tpu.memory_space<vmem_shared>> -> memref<128x128xf32, #tpu.memory_space<vmem_shared>>
      tpu.enqueue_dma source(%dma_start3A_73 : memref<128x128xf32, #tpu.memory_space<vmem_shared>>) target(%arg11 : memref<128x128xf32, #tpu.memory_space<vmem>>) target_semaphore(%run_scoped3A : memref<!tpu.dma_semaphore, #tpu.memory_space<semaphore_mem>>)
      %dma_wait3A = arith.constant 0 : i32
      %dma_wait3A_74 = tpu.memref_slice %arg13[%add3A_69, %dma_wait3A] : memref<10240x128xf32, #tpu.memory_space<vmem_shared>> -> memref<128x128xf32, #tpu.memory_space<vmem_shared>>
      %dma_wait3A_75 = arith.constant 0 : i32
      %dma_wait3A_76 = tpu.memref_slice %arg13[%add3A_69, %dma_wait3A_75] : memref<10240x128xf32, #tpu.memory_space<vmem_shared>> -> memref<128x128xf32, #tpu.memory_space<vmem_shared>>
      tpu.wait_dma2 semaphore(%run_scoped3A : memref<!tpu.dma_semaphore, #tpu.memory_space<semaphore_mem>>) src(%dma_wait3A_76 : memref<128x128xf32, #tpu.memory_space<vmem_shared>>) dst(%arg11 : memref<128x128xf32, #tpu.memory_space<vmem>>)
      tpu.yield
    }) : () -> ()
    "tpu.region"() ({
      %run_scoped3A = tpu.sem_alloc : memref<!tpu.dma_semaphore, #tpu.memory_space<semaphore_mem>>
      %dma_start3A_70 = arith.constant 0 : i32
      %dma_start3A_71 = tpu.memref_slice %arg6[%arg0, %add3A_69, %dma_start3A_70] : memref<2x10240x128xf32, #tpu.memory_space<hbm>> -> memref<1x128x128xf32, #tpu.memory_space<hbm>>
      %dma_start3A_72 = tpu.memref_squeeze %dma_start3A_71 : memref<1x128x128xf32, #tpu.memory_space<hbm>> -> memref<128x128xf32, #tpu.memory_space<hbm>>
      %dma_start3A_73 = arith.constant 0 : i32
      %dma_start3A_74 = tpu.memref_slice %arg6[%arg0, %add3A_69, %dma_start3A_73] : memref<2x10240x128xf32, #tpu.memory_space<hbm>> -> memref<1x128x128xf32, #tpu.memory_space<hbm>>
      %dma_start3A_75 = tpu.memref_squeeze %dma_start3A_74 : memref<1x128x128xf32, #tpu.memory_space<hbm>> -> memref<128x128xf32, #tpu.memory_space<hbm>>
      tpu.enqueue_dma source(%arg11 : memref<128x128xf32, #tpu.memory_space<vmem>>) target(%dma_start3A_75 : memref<128x128xf32, #tpu.memory_space<hbm>>) target_semaphore(%run_scoped3A : memref<!tpu.dma_semaphore, #tpu.memory_space<semaphore_mem>>)
      %dma_wait3A = arith.constant 0 : i32
      %dma_wait3A_76 = tpu.memref_slice %arg6[%arg0, %add3A_69, %dma_wait3A] : memref<2x10240x128xf32, #tpu.memory_space<hbm>> -> memref<1x128x128xf32, #tpu.memory_space<hbm>>
      %dma_wait3A_77 = tpu.memref_squeeze %dma_wait3A_76 : memref<1x128x128xf32, #tpu.memory_space<hbm>> -> memref<128x128xf32, #tpu.memory_space<hbm>>
      %dma_wait3A_78 = arith.constant 0 : i32
      %dma_wait3A_79 = tpu.memref_slice %arg6[%arg0, %add3A_69, %dma_wait3A_78] : memref<2x10240x128xf32, #tpu.memory_space<hbm>> -> memref<1x128x128xf32, #tpu.memory_space<hbm>>
      %dma_wait3A_80 = tpu.memref_squeeze %dma_wait3A_79 : memref<1x128x128xf32, #tpu.memory_space<hbm>> -> memref<128x128xf32, #tpu.memory_space<hbm>>
      tpu.wait_dma2 semaphore(%run_scoped3A : memref<!tpu.dma_semaphore, #tpu.memory_space<semaphore_mem>>) src(%arg11 : memref<128x128xf32, #tpu.memory_space<vmem>>) dst(%dma_wait3A_80 : memref<128x128xf32, #tpu.memory_space<hbm>>)
      tpu.yield
    }) : () -> ()
    return
  }
}

module attributes {stable_mosaic.version = 14 : i64} {
  func.func @_tc_body(%arg0: i32, %arg1: memref<2x1000x128xf32, #tpu.memory_space<vmem>>, %arg2: memref<2x1000x128xf32, #tpu.memory_space<vmem>>, %arg3: memref<1000x128xf32, #tpu.memory_space<vmem>>, %arg4: memref<128x128xf32, #tpu.memory_space<vmem>>, %arg5: memref<1x128xf32, #tpu.memory_space<vmem>>, %arg6: memref<128x128xf32, #tpu.memory_space<vmem>>, %arg7: memref<1000x128xf32, #tpu.memory_space<vmem>>) attributes {dimension_semantics = [#tpu.dimension_semantics<arbitrary>], iteration_bounds = array<i64: 10>, scalar_prefetch = 0 : i64, scratch_operands = 0 : i64, tpu.core_type = #tpu.core_type<tc>, window_params = [{transform_indices = @transform_0, window_bounds = array<i64: 2, 1000, 128>}, {transform_indices = @transform_1, window_bounds = array<i64: 2, 1000, 128>}, {transform_indices = @transform_2, window_bounds = array<i64: 1000, 128>}, {pipeline_mode = #tpu.pipeline_mode<synchronous>, transform_indices = @transform_3, window_bounds = array<i64: 128, 128>}, {pipeline_mode = #tpu.pipeline_mode<synchronous>, transform_indices = @transform_4, window_bounds = array<i64: 1, 128>}, {pipeline_mode = #tpu.pipeline_mode<synchronous>, transform_indices = @transform_5, window_bounds = array<i64: 128, 128>}, {transform_indices = @transform_6, window_bounds = array<i64: 1000, 128>}]} {
    %get3A = arith.constant 0 : index
    %get3A_0 = arith.constant 0 : index
    %get3A_1 = arith.constant 0 : index
    %get3A_2 = vector.load %arg1[%get3A, %get3A_0, %get3A_1] : memref<2x1000x128xf32, #tpu.memory_space<vmem>>, vector<1x1000x128xf32>
    %get3A_3 = vector.shape_cast %get3A_2 : vector<1x1000x128xf32> to vector<1000x128xf32>
    %get3A_4 = arith.constant 1 : index
    %get3A_5 = arith.constant 0 : index
    %get3A_6 = arith.constant 0 : index
    %get3A_7 = vector.load %arg1[%get3A_4, %get3A_5, %get3A_6] : memref<2x1000x128xf32, #tpu.memory_space<vmem>>, vector<1x1000x128xf32>
    %get3A_8 = vector.shape_cast %get3A_7 : vector<1x1000x128xf32> to vector<1000x128xf32>
    %add3A = arith.addf %get3A_3, %get3A_8 : vector<1000x128xf32>
    %get3A_9 = arith.constant 0 : index
    %get3A_10 = arith.constant 0 : index
    %get3A_11 = arith.constant 0 : index
    %get3A_12 = vector.load %arg2[%get3A_9, %get3A_10, %get3A_11] : memref<2x1000x128xf32, #tpu.memory_space<vmem>>, vector<1x1000x1xf32>
    %get3A_13 = vector.shape_cast %get3A_12 : vector<1x1000x1xf32> to vector<1000x1xf32>
    %get3A_14 = arith.constant 1 : index
    %get3A_15 = arith.constant 0 : index
    %get3A_16 = arith.constant 0 : index
    %get3A_17 = vector.load %arg2[%get3A_14, %get3A_15, %get3A_16] : memref<2x1000x128xf32, #tpu.memory_space<vmem>>, vector<1x1000x1xf32>
    %get3A_18 = vector.shape_cast %get3A_17 : vector<1x1000x1xf32> to vector<1000x1xf32>
    %add3A_19 = arith.addf %get3A_13, %get3A_18 : vector<1000x1xf32>
    %max3A = arith.constant 1.000000e+00 : f32
    %max3A_20 = vector.broadcast %max3A : f32 to vector<1000x1xf32>
    %max3A_21 = arith.maximumf %add3A_19, %max3A_20 : vector<1000x1xf32>
    %div3A = arith.constant 1.000000e+00 : f32
    %div3A_22 = vector.broadcast %div3A : f32 to vector<1000x1xf32>
    %div3A_23 = arith.divf %div3A_22, %max3A_21 : vector<1000x1xf32>
    %mul3A = vector.broadcast %div3A_23 : vector<1000x1xf32> to vector<1000x128xf32>
    %mul3A_24 = arith.mulf %add3A, %mul3A : vector<1000x128xf32>
    %get3A_25 = arith.constant 0 : index
    %get3A_26 = arith.constant 0 : index
    %get3A_27 = vector.load %arg4[%get3A_25, %get3A_26] : memref<128x128xf32, #tpu.memory_space<vmem>>, vector<128x128xf32>
    %dot_general3A = arith.constant dense<0.000000e+00> : vector<1000x128xf32>
    %dot_general3A_28 = tpu.matmul %mul3A_24, %get3A_27, %dot_general3A {dimension_numbers = #tpu.dot_dimension_numbers<[1], [1], [0], [0], [0, 0, 1, 0], [], []>, transpose_lhs_hint = false} : vector<1000x128xf32>, vector<128x128xf32>, vector<1000x128xf32> -> vector<1000x128xf32>
    %get3A_29 = arith.constant 0 : index
    %get3A_30 = arith.constant 0 : index
    %get3A_31 = vector.load %arg3[%get3A_29, %get3A_30] : memref<1000x128xf32, #tpu.memory_space<vmem>>, vector<1000x128xf32>
    %get3A_32 = arith.constant 0 : index
    %get3A_33 = arith.constant 0 : index
    %get3A_34 = vector.load %arg6[%get3A_32, %get3A_33] : memref<128x128xf32, #tpu.memory_space<vmem>>, vector<128x128xf32>
    %dot_general3A_35 = arith.constant dense<0.000000e+00> : vector<1000x128xf32>
    %dot_general3A_36 = tpu.matmul %get3A_31, %get3A_34, %dot_general3A_35 {dimension_numbers = #tpu.dot_dimension_numbers<[1], [1], [0], [0], [0, 0, 1, 0], [], []>, transpose_lhs_hint = false} : vector<1000x128xf32>, vector<128x128xf32>, vector<1000x128xf32> -> vector<1000x128xf32>
    %add3A_37 = arith.addf %dot_general3A_28, %dot_general3A_36 : vector<1000x128xf32>
    %get3A_38 = arith.constant 0 : index
    %get3A_39 = arith.constant 0 : index
    %get3A_40 = vector.load %arg5[%get3A_38, %get3A_39] : memref<1x128xf32, #tpu.memory_space<vmem>>, vector<1x128xf32>
    %add3A_41 = vector.broadcast %get3A_40 : vector<1x128xf32> to vector<1000x128xf32>
    %add3A_42 = arith.addf %add3A_37, %add3A_41 : vector<1000x128xf32>
    %max3A_43 = arith.constant 0.000000e+00 : f32
    %max3A_44 = vector.broadcast %max3A_43 : f32 to vector<1000x128xf32>
    %max3A_45 = arith.maximumf %add3A_42, %max3A_44 : vector<1000x128xf32>
    %swap3A = arith.constant 0 : index
    %swap3A_46 = arith.constant 0 : index
    %swap3A_47 = vector.load %arg7[%swap3A, %swap3A_46] : memref<1000x128xf32, #tpu.memory_space<vmem>>, vector<1000x128xf32>
    tpu.vector_store %arg7[%swap3A, %swap3A_46], %max3A_45 {strides = array<i32>} : memref<1000x128xf32, #tpu.memory_space<vmem>>, vector<1000x128xf32>,
    return
  }
  func.func @transform_0(%arg0: i32) -> (i32, i32, i32) {
    %c0_i32 = arith.constant 0 : i32
    %c0_i32_0 = arith.constant 0 : i32
    %c0_i32_1 = arith.constant 0 : i32
    return %c0_i32, %arg0, %c0_i32_0 : i32, i32, i32
  }
  func.func @transform_1(%arg0: i32) -> (i32, i32, i32) {
    %c0_i32 = arith.constant 0 : i32
    %c0_i32_0 = arith.constant 0 : i32
    %c0_i32_1 = arith.constant 0 : i32
    return %c0_i32, %arg0, %c0_i32_0 : i32, i32, i32
  }
  func.func @transform_2(%arg0: i32) -> (i32, i32) {
    %c0_i32 = arith.constant 0 : i32
    %c0_i32_0 = arith.constant 0 : i32
    return %arg0, %c0_i32 : i32, i32
  }
  func.func @transform_3(%arg0: i32) -> (i32, i32) {
    %c0_i32 = arith.constant 0 : i32
    %c0_i32_0 = arith.constant 0 : i32
    %c0_i32_1 = arith.constant 0 : i32
    return %c0_i32, %c0_i32_0 : i32, i32
  }
  func.func @transform_4(%arg0: i32) -> (i32, i32) {
    %c0_i32 = arith.constant 0 : i32
    %c0_i32_0 = arith.constant 0 : i32
    %c0_i32_1 = arith.constant 0 : i32
    return %c0_i32, %c0_i32_0 : i32, i32
  }
  func.func @transform_5(%arg0: i32) -> (i32, i32) {
    %c0_i32 = arith.constant 0 : i32
    %c0_i32_0 = arith.constant 0 : i32
    %c0_i32_1 = arith.constant 0 : i32
    return %c0_i32, %c0_i32_0 : i32, i32
  }
  func.func @transform_6(%arg0: i32) -> (i32, i32) {
    %c0_i32 = arith.constant 0 : i32
    %c0_i32_0 = arith.constant 0 : i32
    return %arg0, %c0_i32 : i32, i32
  }
}

module attributes {stable_mosaic.version = 14 : i64} {
  func.func @_tc_body(%arg0: i32, %arg1: memref<2x1000x128xf32, #tpu.memory_space<vmem>>, %arg2: memref<2x1000x128xf32, #tpu.memory_space<vmem>>, %arg3: memref<1000x128xf32, #tpu.memory_space<vmem>>, %arg4: memref<128x128xf32, #tpu.memory_space<vmem>>, %arg5: memref<1x128xf32, #tpu.memory_space<vmem>>, %arg6: memref<128x128xf32, #tpu.memory_space<vmem>>, %arg7: memref<1000x128xf32, #tpu.memory_space<vmem>>) attributes {dimension_semantics = [#tpu.dimension_semantics<arbitrary>], iteration_bounds = array<i64: 10>, scalar_prefetch = 0 : i64, scratch_operands = 0 : i64, tpu.core_type = #tpu.core_type<tc>, window_params = [{transform_indices = @transform_0, window_bounds = array<i64: 2, 1000, 128>}, {transform_indices = @transform_1, window_bounds = array<i64: 2, 1000, 128>}, {transform_indices = @transform_2, window_bounds = array<i64: 1000, 128>}, {pipeline_mode = #tpu.pipeline_mode<synchronous>, transform_indices = @transform_3, window_bounds = array<i64: 128, 128>}, {pipeline_mode = #tpu.pipeline_mode<synchronous>, transform_indices = @transform_4, window_bounds = array<i64: 1, 128>}, {pipeline_mode = #tpu.pipeline_mode<synchronous>, transform_indices = @transform_5, window_bounds = array<i64: 128, 128>}, {transform_indices = @transform_6, window_bounds = array<i64: 1000, 128>}]} {
    %get3A = arith.constant 0 : index
    %get3A_0 = arith.constant 0 : index
    %get3A_1 = arith.constant 0 : index
    %get3A_2 = vector.load %arg1[%get3A, %get3A_0, %get3A_1] : memref<2x1000x128xf32, #tpu.memory_space<vmem>>, vector<1x1000x128xf32>
    %get3A_3 = vector.shape_cast %get3A_2 : vector<1x1000x128xf32> to vector<1000x128xf32>
    %get3A_4 = arith.constant 1 : index
    %get3A_5 = arith.constant 0 : index
    %get3A_6 = arith.constant 0 : index
    %get3A_7 = vector.load %arg1[%get3A_4, %get3A_5, %get3A_6] : memref<2x1000x128xf32, #tpu.memory_space<vmem>>, vector<1x1000x128xf32>
    %get3A_8 = vector.shape_cast %get3A_7 : vector<1x1000x128xf32> to vector<1000x128xf32>
    %add3A = arith.addf %get3A_3, %get3A_8 : vector<1000x128xf32>
    %get3A_9 = arith.constant 0 : index
    %get3A_10 = arith.constant 0 : index
    %get3A_11 = arith.constant 0 : index
    %get3A_12 = vector.load %arg2[%get3A_9, %get3A_10, %get3A_11] : memref<2x1000x128xf32, #tpu.memory_space<vmem>>, vector<1x1000x1xf32>
    %get3A_13 = vector.shape_cast %get3A_12 : vector<1x1000x1xf32> to vector<1000x1xf32>
    %get3A_14 = arith.constant 1 : index
    %get3A_15 = arith.constant 0 : index
    %get3A_16 = arith.constant 0 : index
    %get3A_17 = vector.load %arg2[%get3A_14, %get3A_15, %get3A_16] : memref<2x1000x128xf32, #tpu.memory_space<vmem>>, vector<1x1000x1xf32>
    %get3A_18 = vector.shape_cast %get3A_17 : vector<1x1000x1xf32> to vector<1000x1xf32>
    %add3A_19 = arith.addf %get3A_13, %get3A_18 : vector<1000x1xf32>
    %max3A = arith.constant 1.000000e+00 : f32
    %max3A_20 = vector.broadcast %max3A : f32 to vector<1000x1xf32>
    %max3A_21 = arith.maximumf %add3A_19, %max3A_20 : vector<1000x1xf32>
    %div3A = arith.constant 1.000000e+00 : f32
    %div3A_22 = vector.broadcast %div3A : f32 to vector<1000x1xf32>
    %div3A_23 = arith.divf %div3A_22, %max3A_21 : vector<1000x1xf32>
    %mul3A = vector.broadcast %div3A_23 : vector<1000x1xf32> to vector<1000x128xf32>
    %mul3A_24 = arith.mulf %add3A, %mul3A : vector<1000x128xf32>
    %get3A_25 = arith.constant 0 : index
    %get3A_26 = arith.constant 0 : index
    %get3A_27 = vector.load %arg4[%get3A_25, %get3A_26] : memref<128x128xf32, #tpu.memory_space<vmem>>, vector<128x128xf32>
    %dot_general3A = arith.constant dense<0.000000e+00> : vector<1000x128xf32>
    %dot_general3A_28 = tpu.matmul %mul3A_24, %get3A_27, %dot_general3A {dimension_numbers = #tpu.dot_dimension_numbers<[1], [1], [0], [0], [0, 0, 1, 0], [], []>, transpose_lhs_hint = false} : vector<1000x128xf32>, vector<128x128xf32>, vector<1000x128xf32> -> vector<1000x128xf32>
    %get3A_29 = arith.constant 0 : index
    %get3A_30 = arith.constant 0 : index
    %get3A_31 = vector.load %arg3[%get3A_29, %get3A_30] : memref<1000x128xf32, #tpu.memory_space<vmem>>, vector<1000x128xf32>
    %get3A_32 = arith.constant 0 : index
    %get3A_33 = arith.constant 0 : index
    %get3A_34 = vector.load %arg6[%get3A_32, %get3A_33] : memref<128x128xf32, #tpu.memory_space<vmem>>, vector<128x128xf32>
    %dot_general3A_35 = arith.constant dense<0.000000e+00> : vector<1000x128xf32>
    %dot_general3A_36 = tpu.matmul %get3A_31, %get3A_34, %dot_general3A_35 {dimension_numbers = #tpu.dot_dimension_numbers<[1], [1], [0], [0], [0, 0, 1, 0], [], []>, transpose_lhs_hint = false} : vector<1000x128xf32>, vector<128x128xf32>, vector<1000x128xf32> -> vector<1000x128xf32>
    %add3A_37 = arith.addf %dot_general3A_28, %dot_general3A_36 : vector<1000x128xf32>
    %get3A_38 = arith.constant 0 : index
    %get3A_39 = arith.constant 0 : index
    %get3A_40 = vector.load %arg5[%get3A_38, %get3A_39] : memref<1x128xf32, #tpu.memory_space<vmem>>, vector<1x128xf32>
    %add3A_41 = vector.broadcast %get3A_40 : vector<1x128xf32> to vector<1000x128xf32>
    %add3A_42 = arith.addf %add3A_37, %add3A_41 : vector<1000x128xf32>
    %swap3A = arith.constant 0 : index
    %swap3A_43 = arith.constant 0 : index
    %swap3A_44 = vector.load %arg7[%swap3A, %swap3A_43] : memref<1000x128xf32, #tpu.memory_space<vmem>>, vector<1000x128xf32>
    tpu.vector_store %arg7[%swap3A, %swap3A_43], %add3A_42 {strides = array<i32>} : memref<1000x128xf32, #tpu.memory_space<vmem>>, vector<1000x128xf32>,
    return
  }
  func.func @transform_0(%arg0: i32) -> (i32, i32, i32) {
    %c0_i32 = arith.constant 0 : i32
    %c0_i32_0 = arith.constant 0 : i32
    %c0_i32_1 = arith.constant 0 : i32
    return %c0_i32, %arg0, %c0_i32_0 : i32, i32, i32
  }
  func.func @transform_1(%arg0: i32) -> (i32, i32, i32) {
    %c0_i32 = arith.constant 0 : i32
    %c0_i32_0 = arith.constant 0 : i32
    %c0_i32_1 = arith.constant 0 : i32
    return %c0_i32, %arg0, %c0_i32_0 : i32, i32, i32
  }
  func.func @transform_2(%arg0: i32) -> (i32, i32) {
    %c0_i32 = arith.constant 0 : i32
    %c0_i32_0 = arith.constant 0 : i32
    return %arg0, %c0_i32 : i32, i32
  }
  func.func @transform_3(%arg0: i32) -> (i32, i32) {
    %c0_i32 = arith.constant 0 : i32
    %c0_i32_0 = arith.constant 0 : i32
    %c0_i32_1 = arith.constant 0 : i32
    return %c0_i32, %c0_i32_0 : i32, i32
  }
  func.func @transform_4(%arg0: i32) -> (i32, i32) {
    %c0_i32 = arith.constant 0 : i32
    %c0_i32_0 = arith.constant 0 : i32
    %c0_i32_1 = arith.constant 0 : i32
    return %c0_i32, %c0_i32_0 : i32, i32
  }
  func.func @transform_5(%arg0: i32) -> (i32, i32) {
    %c0_i32 = arith.constant 0 : i32
    %c0_i32_0 = arith.constant 0 : i32
    %c0_i32_1 = arith.constant 0 : i32
    return %c0_i32, %c0_i32_0 : i32, i32
  }
  func.func @transform_6(%arg0: i32) -> (i32, i32) {
    %c0_i32 = arith.constant 0 : i32
    %c0_i32_0 = arith.constant 0 : i32
    return %arg0, %c0_i32 : i32, i32
  }
}

</mosaic_0001>

<sc_bundles>
// kernel: kernel.10.cloned.1.call-start
scs
__scs_entry_jumppad:
0x0: {  	(pc) =	sbr.rel $0x88, $3  }
0x1: {  	(tag) =	ssettag $0x0;
	lr =	simm.s32 $0x1  }
0x2: {  	[smem:$0x3F99] =	sst lr;
	_ =	strace $0xD0000000  }
0x3: {  	_ = 	snop  }
0x4: {  	_ = 	snop  }
0x5: {  	_ = 	snop  }
0x6: {  	_ = 	snop  }
0x7: {  	_ = 	snop  }
__scs_overlays_trampoline_lowered:
0x8: {  	[smem:$0x3FA8] =	sst s0  }
0x9: {  	[smem:$0x3FA9] =	sst s1  }
0xa: {  	[smem:$0x3FAA] =	sst s2  }
0xb: {  	[smem:$0x3FAB] =	sst s3  }
0xc: {  	[smem:$0x3FAC] =	sst s4  }
0xd: {  	[smem:$0x3FAD] =	sst s5  }
0xe: {  	[smem:$0x3FAE] =	sst s6  }
0xf: {  	[smem:$0x3FAF] =	sst s7  }
0x10: {  	[smem:$0x3FB0] =	sst s8  }
0x11: {  	[smem:$0x3FB1] =	sst s9;
	s0 =	simm.s32 @!p0 $0x0  }
0x12: {  	s1 =	sld [smem:$0x3F97];
	s0 =	simm.s32 @p0 $0x1  }
0x13: {  	[smem:$0x3FB2] =	sst s0;
	s0 =	simm.s32 @!p1 $0x0  }
0x14: {  	s2 =	sld [smem:$0x3F96];
	s0 =	simm.s32 @p1 $0x1  }
0x15: {  	[smem:$0x3FB3] =	sst s0;
	s0 =	simm.s32 @!p2 $0x0  }
0x16: {  	s3 =	sld [smem:$0x3FDB];
	s0 =	simm.s32 @p2 $0x1  }
0x17: {  	s4 =	simm.s32 $0x1BF5;
	[smem:$0x3FB5] =	sst s0  }
0x18: {  	s0 =	sld [smem:$0x3F98];
	_ =	swait.ge [sflag:s4], $0x0  }
0x19: {  	s7 =	sld [smem:$0x3F99]  }
0x1a: {  	s8 =	sadd.s32 $0xFFFFE003, lr  }
0x1b: {  	s9 =	sadd.s32 $0xFFFFFEF7, lr;
	s5 =	simm.s32 $0xFFFFFFFF;
	p2 =	slt.u32 s8, $0xFFFFF086  }
0x1c: {  	p1 =	slt.u32 s9, $0xF7A;
	s5 =	simm.s32 @!p2 $0x0  }
0x1d: {  	s5 =	simm.s32 @p1 $0x1;
	p0 =	seq.s32 s7, s2  }
0x1e: {  	s7 =	smul.u32 @!p0 $0xF7A, s2;
	p2 =	seq.s32 @!p0 s5, $0x0  }
0x1f: {  	s9 =	smul.u32 $0xF7A, s1;
	s8 =	simm.s32 @!p0 $0x1BF5;
	p2 =	por !p2, p0  }
0x20: {  	[sflag:s8] =	ssyncset.s32 @!p0 $0xFFFFF086;
	s6 =	sadd.s32 @!p0 s3, s7;
	s7 =	simm.s32 @!p0 $0x108  }
0x21: {  	s3 =	sadd.s32 s3, s9;
	s6 =	sadd.s32 @!p0 $0x88, s6;
	s7 =	simm.s32 @p2 $0x1082  }
0x22: {  	[simem:s7], [sflag:s8] =	dma.local @!p0 [hbm:s6], $0xF7A  }
0x23: {  	s9 =	sor.u32 $0xD0000000, s2;
	s6 =	simm.s32 $0x108;
	_ =	swait.ge @!p0 [sflag:s8], $0x0  }
0x24: {  	s3 =	sadd.s32 $0x88, s3;
	s6 =	simm.s32 @!p1 $0x1082;
	[sflag:s4] =	ssyncset.s32 $0xFFFFF086  }
0x25: {  	[simem:s6], [sflag:s4] =	dma.local [hbm:s3], $0xF7A  }
0x26: {  	[smem:$0x3F99] =	sst s1;
	(tag) =	ssettag s2;
	_ =	strace s9  }
0x27: {  	s1 =	sld [smem:$0x3FA9]  }
0x28: {  	s2 =	sld [smem:$0x3FAA]  }
0x29: {  	s4 =	sld [smem:$0x3FAC]  }
0x2a: {  	p0 =	seq.s32 s5, $0x0;
	s5 =	sld [smem:$0x3FAD]  }
0x2b: {  	s6 =	sld [smem:$0x3FAE]  }
0x2c: {  	s7 =	sld [smem:$0x3FAF]  }
0x2d: {  	s3 =	simm.s32 $0x108;
	s8 =	sld [smem:$0x3FB0]  }
0x2e: {  	s3 =	simm.s32 @!p0 $0x1082;
	s9 =	sld [smem:$0x3FB1]  }
0x2f: {  	lr =	sadd.s32 s0, s3;
	s0 =	sld [smem:$0x3FA8]  }
0x30: {  	s3 =	sld [smem:$0x3FAB]  }
0x31: {  	[smem:$0x3FB4] =	sst s10  }
0x32: {  	s10 =	sld [smem:$0x3FB2];
	_ =	sdelay $0x3  }
0x33: {  	p0 =	seq.s32 s10, $0x1;
	s10 =	sld [smem:$0x3FB4];
	_ =	sdelay $0x3  }
0x34: {  	[smem:$0x3FB4] =	sst s10  }
0x35: {  	s10 =	sld [smem:$0x3FB3];
	_ =	sdelay $0x3  }
0x36: {  	p1 =	seq.s32 s10, $0x1;
	s10 =	sld [smem:$0x3FB4];
	_ =	sdelay $0x3  }
0x37: {  	[smem:$0x3FB4] =	sst s10  }
0x38: {  	s10 =	sld [smem:$0x3FB5]  }
0x39: {  	_ = 	snop;
	(pc) =	sbr.ind lr, $3  }
0x3a: {  	_ = 	snop  }
0x3b: {  	_ = 	snop  }
0x3c: {  	p2 =	seq.s32 s10, $0x1;
	s10 =	sld [smem:$0x3FB4]  }
0x3d: {  	_ =	shalt  }
0x3e: {  	_ =	shalt  }
0x3f: {  	_ =	shalt  }
0x40: {  	_ =	shalt  }
0x41: {  	_ =	shalt  }
0x42: {  	_ =	shalt  }
0x43: {  	_ =	shalt  }
0x44: {  	_ =	shalt  }
0x45: {  	_ =	shalt  }
0x46: {  	_ =	shalt  }
0x47: {  	_ =	shalt  }
0x48: {  	_ =	shalt  }
0x49: {  	_ =	shalt  }
0x4a: {  	_ =	shalt  }
0x4b: {  	_ =	shalt  }
0x4c: {  	_ =	shalt  }
0x4d: {  	_ =	shalt  }
0x4e: {  	_ =	shalt  }
0x4f: {  	_ =	shalt  }
0x50: {  	_ =	shalt  }
0x51: {  	_ =	shalt  }
0x52: {  	_ =	shalt  }
0x53: {  	_ =	shalt  }
0x54: {  	_ =	shalt  }
0x55: {  	_ =	shalt  }
0x56: {  	_ =	shalt  }
0x57: {  	_ =	shalt  }
0x58: {  	_ =	shalt  }
0x59: {  	_ =	shalt  }
0x5a: {  	_ =	shalt  }
0x5b: {  	_ =	shalt  }
0x5c: {  	_ =	shalt  }
0x5d: {  	_ =	shalt  }
0x5e: {  	_ =	shalt  }
0x5f: {  	_ =	shalt  }
0x60: {  	_ =	shalt  }
0x61: {  	_ =	shalt  }
0x62: {  	_ =	shalt  }
0x63: {  	_ =	shalt  }
0x64: {  	_ =	shalt  }
0x65: {  	_ =	shalt  }
0x66: {  	_ =	shalt  }
0x67: {  	_ =	shalt  }
0x68: {  	_ =	shalt  }
0x69: {  	_ =	shalt  }
0x6a: {  	_ =	shalt  }
0x6b: {  	_ =	shalt  }
0x6c: {  	_ =	shalt  }
0x6d: {  	_ =	shalt  }
0x6e: {  	_ =	shalt  }
0x6f: {  	_ =	shalt  }
0x70: {  	_ =	shalt  }
0x71: {  	_ =	shalt  }
0x72: {  	_ =	shalt  }
0x73: {  	_ =	shalt  }
0x74: {  	_ =	shalt  }
0x75: {  	_ =	shalt  }
0x76: {  	_ =	shalt  }
0x77: {  	_ =	shalt  }
0x78: {  	_ =	shalt  }
0x79: {  	_ =	shalt  }
0x7a: {  	_ =	shalt  }
0x7b: {  	_ =	shalt  }
0x7c: {  	_ =	shalt  }
0x7d: {  	_ =	shalt  }
0x7e: {  	_ =	shalt  }
0x7f: {  	_ =	shalt  }
0x80: {  	_ =	shalt  }
0x81: {  	_ =	shalt  }
0x82: {  	_ =	shalt  }
0x83: {  	_ =	shalt  }
0x84: {  	_ =	shalt  }
0x85: {  	_ =	shalt  }
0x86: {  	_ =	shalt  }
0x87: {  	_ =	shalt  }
.Lfunc_end0:
.L_simem_size_0:
called_computation.1_lowered:
.L_overlay_start_0:
0x88: {  	s2 =	sld [smem:$0x3FD9]  }
0x89: {  	s3 =	sld [smem:$0x3FFE];
	_ =	sdelay $0x1  }
0x8a: {  	s1 =	srdreg.scid  }
0x8b: {  	s0 =	sand.u32 $0x1, s1  }
0x8c: {  	s17 =	sshll.u32 s0, $0xA;
	s2 =	sadd.s32 s3, s2  }
0x8d: {  	s2 =	sadd.s32 s2, s17  }
0x8e: {  	[smem:$0x3FC0] =	sst s2  }
0x8f: {  	_ = 	snop  }
0x90: {  	s2 =	sld [smem:$0x3FC9];
	(tm) =	ssettm $0x1  }
0x91: {  	s18 =	sld [smem:$0x3FFB];
	_ =	sdelay $0x3  }
0x92: {  	_ =	strace s18  }
0x93: {  	s3 =	sld [smem:$0x3FFC];
	_ =	sdelay $0x3  }
0x94: {  	_ =	strace s3  }
0x95: {  	s3 =	sld [smem:$0x3FFD];
	_ =	sdelay $0x3  }
0x96: {  	_ =	strace s3  }
0x97: {  	_ =	strace $0x8FFFFFFF  }
0x98: {  	s19 =	sld [smem:$0x3FDB];
	_ =	sdelay $0x1  }
0x99: {  	s4 =	simm.s32 $_scs_section_size  }
0x9a: {  	s5 =	simm.s32 $_size__tile_overlayer_lowered;
	s6 =	simm.s32 $_tile_overlayer_lowered  }
0x9b: {  	s22 =	simm.s32 $0x1BFF;
	s21 =	sshll.u32 s6, $0x1;
	s3 =	sadd.s32 s4, s19  }
0x9c: {  	s7 =	simm.s32 $0x0;
	s20 =	sshll.u32 s5, $0x1;
	s5 =	sadd.s32 s21, s3  }
0x9d: {  	[timem:s7], [sflag:s22] =	dma.local [hbm:s5], s20  }
0x9e: {  	_ =	swait.ge [sflag:s22], s20  }
0x9f: {  	s4 =	ssub.s32 $0x0, s20;
	[sflag:s22] =	ssyncset.done $0x0  }
0xa0: {  	[sflag:s22] =	ssyncadd.s32 s4;
	_ =	sdelay $0x1  }
0xa1: {  	s23 =	simm.s32 $0x1B8B  }
0xa2: {  	_ =	swait.ge [sflag:s23], $0x1  }
0xa3: {  	[sflag:s23] =	ssyncset.done $0x0  }
0xa4: {  	s25 =	simm.s32 $0x1B8E;
	s24 =	sld [smem:$0x3FFE];
	[sflag:s23] =	ssyncadd.s32 $0xFFFFFFFF  }
0xa5: {  	s26 =	simm.s32 $execute0_lowered;
	[smem:$0x3FD2] =	sst s25  }
0xa6: {  	s5 =	sshll.u32 s26, $0x1;
	_ =	strace $0x80000046;
	[dreg:$0x1] =	wrdreg $0xFFFFFFFF  }
0xa7: {  	s28 =	simm.s32 $_size_execute0_lowered;
	s3 =	sadd.s32 s3, s5;
	[dreg:$0x0] =	wrdreg $0x0  }
0xa8: {  	s5 =	sshll.u32 s28, $0x1;
	[dreg:$0x2] =	wrdreg s3  }
0xa9: {  	[dreg:$0x3] =	wrdreg s5  }
0xaa: {  	[dreg:$0x4] =	wrdreg $0xC0  }
0xab: {  	_ =	task [dreg:s7], $0x5FFFF  }
0xac: {  	[dreg:$0x1] =	wrdreg $0xFFFFFFFF  }
0xad: {  	[dreg:$0x0] =	wrdreg $0x60  }
0xae: {  	[dreg:$0x2] =	wrdreg s2  }
0xaf: {  	[dreg:$0x3] =	wrdreg s24  }
0xb0: {  	[dreg:$0x4] =	wrdreg $0x82000  }
0xb1: {  	[dreg:$0x5] =	wrdreg $0xA  }
0xb2: {  	_ =	task.clear_ibuf [dreg:s7], $0x6FFFF;
	_ =	strace $0x90000046  }
0xb3: {  	s29 =	simm.s32 $0xA;
	_ =	strace $0x80000048  }
0xb4: {  	_ =	swait.ge [sflag:s29], $0x1  }
0xb5: {  	[sflag:s29] =	ssyncadd.s32 $0xFFFFFFFF  }
0xb6: {  	_ =	strace $0x90000048  }
0xb7: {  	_ =	sfence  }
0xb8: {  	s30 =	sld [smem:$0x0];
	_ =	sdelay $0x2  }
0xb9: {  	s31 =	sshll.u32 s1, $0xD;
	s1 =	sshrl.u32 s1, $0x2  }
0xba: {  	s3 =	sand.u32 $0x4000, s31;
	s1 =	sadd.s32 s1, s30  }
0xbb: {  	s0 =	sor.u32 s3, s0;
	s1 =	sshll.u32 s1, $0x11  }
0xbc: {  	s0 =	sor.u32 s1, s0  }
0xbd: {  	s0 =	sadd.s32 $0x8F2B, s0  }
0xbe: {  	[sflag:s0] =	ssyncadd.remote.s32 $0x1  }
0xbf: {  	_ =	sfence.sel $0xFFFF  }
0xc0: {  	[dreg:$0x0] =	wrdreg $0xFFFFFFFF;
	(pc) =	sbr.abs _section_cstart, $3  }
0xc1: {  	[dreg:$0x1] =	wrdreg $0xFFFFFFFF  }
0xc2: {  	_ =	task.clear_ibuf [dreg:s7], $0x2FFFF;
	_ =	strace $0x9FFFFFFF  }
0xc3: {  	(tm) =	ssettm $0x7FFFFFFF  }
tec
execute0_lowered:
.L_overlay_start_1:
0x0: {  	(tag) =	ssettag $0x1  }
0x1: {  	s1 =	rddreg [dreg:$0x0]  }
0x2: {  	s0 =	rddreg [dreg:$0x1]  }
0x3: {  	s2 =	rddreg [dreg:$0x2];
	s3 =	simm.s32 $0x0;
	s6 =	srdreg.scid  }
0x4: {  	s11 =	stileid.u32;
	s28 =	simm.s32 $0x180;
	s29 =	simm.s32 $0x4200  }
0x5: {  	s30 =	simm.s32 $0x1;
	s31 =	simm.s32 $0x2;
	[smem:$0x7FF] =	sst s3  }
0x6: {  	s4 =	sadd.s32 $0xC000, s0;
	s12 =	sand.u32 $0x1, s6;
	s6 =	smul.u32 $0x98, s11  }
0x7: {  	s5 =	sadd.s32 $0x2000, s0;
	s7 =	sadd.s32 $0x16000, s0;
	s8 =	smul.u32 $0x50000, s11  }
0x8: {  	s0 =	sadd.s32 $0x16800, s0;
	s10 =	sshll.u32 s11, $0x3;
	s15 =	smul.u32 $0x14000, s11  }
0x9: {  	_ =	strace $0x80000047;
	[dreg:$0x4] =	wrdreg s7;
	s26 =	ssub.s32 $0x2, s12  }
0xa: {  	p0 =	seq.s32 s12, $0x0;
	s11 =	sor.u32 $0x980, s10;
	s20 =	smul.u32 $0x140000, s12  }
0xb: {  	s9 =	sshrl.u32 s26, $0x1;
	s11 =	smov.u32 @p0 s6;
	s13 =	sshrl.u32 s8, $0x2  }
0xc: {  	s16 =	sadd.s32 $0x4000, s15;
	s17 =	sadd.s32 $0x8000, s15;
	s18 =	sadd.s32 $0xC000, s15  }
0xd: {  	s19 =	sadd.s32 $0x10000, s15;
	s21 =	ssub.s32 s26, s9;
	s6 =	sadd.s32 s13, s2  }
0xe: {  	s7 =	sadd.s32 s16, s2;
	s8 =	sadd.s32 s17, s2;
	s9 =	sadd.s32 s18, s2  }
0xf: {  	s10 =	sadd.s32 s19, s2;
	s13 =	sshll.u32 s11, $0x4;
	s22 =	sadd.s32 s20, s16  }
0x10: {  	s17 =	sadd.s32 s20, s17;
	s24 =	sadd.s32 s20, s18;
	s11 =	sadd.s32 s4, s13  }
0x11: {  	s14 =	sor.u32 $0x10, s13;
	s12 =	sadd.s32 s5, s13;
	s16 =	sshrl.u32 s22, $0x3  }
0x12: {  	s23 =	sshrl.u32 s17, $0x3;
	s25 =	sshrl.u32 s24, $0x3;
	s21 =	smax.u32 s21, $0x1  }
0x13: {  	s24 =	simm.s32 $0x3;
	s4 =	sadd.s32 s4, s14;
	s5 =	sadd.s32 s5, s14  }
0x14: {  	s14 =	sadd.s32 s15, s20;
	s20 =	sadd.s32 s20, s19;
	s19 =	sadd.s32 s0, s25  }
0x15: {  	s25 =	simm.s32 $0x80;
	[dreg:$0x5] =	wrdreg s4;
	s4 =	simm.s32 $0x4C  }
0x16: {  	[dreg:$0x6] =	wrdreg s5;
	s5 =	sshrl.u32 s14, $0x3;
	s26 =	sshrl.u32 s20, $0x3  }
0x17: {  	s4 =	simm.s32 @!p0 $0x4;
	s5 =	sadd.s32 s0, s5;
	s20 =	sadd.s32 s0, s26  }
0x18: {  	s26 =	simm.s32 $0x100;
	s15 =	sadd.s32 $0xFFFFFFFF, s4;
	[dreg:$0x8] =	wrdreg s5  }
0x19: {  	s5 =	sadd.s32 s0, s16;
	s4 =	sshll.u32 s4, $0x5;
	[dreg:$0x7] =	wrdreg s15  }
0x1a: {  	[dreg:$0x9] =	wrdreg s5;
	s5 =	sadd.s32 s0, s23;
	s22 =	sadd.s32 $0xFFFFFFE0, s4  }
0x1b: {  	s23 =	simm.s32 $0x200;
	s0 =	simm.s32 $0x0;
	[dreg:$0xa] =	wrdreg s5  }
.LBB2_1:
0x1c: {  	s4 =	rddreg [dreg:$0x4]  }
0x1d: {  	[tilespmem:s23], [sflag:$0x3] =	stream.linear.gather [hbm4b:s4+s3], $0x4000, $0x38;
	[tilespmem:$0x1C200] =	vst v63  }
0x1e: {  	_ =	swait.ge [sflag:s24], $0x4000  }
0x1f: {  	[sflag:s24] =	ssyncset.done $0x0  }
0x20: {  	[sflag:s24] =	ssyncadd.s32 $0xFFFFC000  }
0x21: {  	[spmem:s6] =	stream.linear.scatter [tilespmem:s23], [sflag:$0x3], $0x4000, $0x38;
	[tilespmem:$0x1C200] =	vst v63  }
0x22: {  	_ =	swait.ge [sflag:s24], $0x4000  }
0x23: {  	[sflag:s24] =	ssyncset.done $0x0  }
0x24: {  	[sflag:s24] =	ssyncadd.s32 $0xFFFFC000  }
0x25: {  	[spmem:s7] =	stream.linear.scatter [tilespmem:s23], [sflag:$0x3], $0x4000, $0x38;
	[tilespmem:$0x1C200] =	vst v63  }
0x26: {  	_ =	swait.ge [sflag:s24], $0x4000  }
0x27: {  	[sflag:s24] =	ssyncset.done $0x0  }
0x28: {  	[sflag:s24] =	ssyncadd.s32 $0xFFFFC000  }
0x29: {  	[spmem:s8] =	stream.linear.scatter [tilespmem:s23], [sflag:$0x3], $0x4000, $0x38;
	[tilespmem:$0x1C200] =	vst v63  }
0x2a: {  	_ =	swait.ge [sflag:s24], $0x4000  }
0x2b: {  	[sflag:s24] =	ssyncset.done $0x0  }
0x2c: {  	[sflag:s24] =	ssyncadd.s32 $0xFFFFC000  }
0x2d: {  	[spmem:s9] =	stream.linear.scatter [tilespmem:s23], [sflag:$0x3], $0x4000, $0x38;
	[tilespmem:$0x1C200] =	vst v63  }
0x2e: {  	_ =	swait.ge [sflag:s24], $0x4000  }
0x2f: {  	[sflag:s24] =	ssyncset.done $0x0  }
0x30: {  	[sflag:s24] =	ssyncadd.s32 $0xFFFFC000  }
0x31: {  	[spmem:s10] =	stream.linear.scatter [tilespmem:s23], [sflag:$0x3], $0x4000, $0x38;
	[tilespmem:$0x1C200] =	vst v63  }
0x32: {  	_ =	swait.ge [sflag:s24], $0x4000  }
0x33: {  	[sflag:s24] =	ssyncset.done $0x0  }
0x34: {  	[sflag:s24] =	ssyncadd.s32 $0xFFFFC000  }
0x35: {  	[bflag:$0x0] =	sbarrier.arrive $0xFFFF  }
0x36: {  	[tilespmem:s3], [sflag:$0x3] =	stream.linear.gather [hbm4b:s11+s3], $0x80, $0x38;
	[tilespmem:$0x1C200] =	vst v63  }
0x37: {  	_ =	swait.ge [sflag:s24], $0x80  }
0x38: {  	[sflag:s24] =	ssyncset.done $0x0  }
0x39: {  	[sflag:s24] =	ssyncadd.s32 $0xFFFFFF80  }
0x3a: {  	[tilespmem:s25], [sflag:$0x3] =	stream.linear.gather [hbm4b:s12+s3], $0x80, $0x38;
	[tilespmem:$0x1C200] =	vst v63  }
0x3b: {  	_ =	swait.ge [sflag:s24], $0x80  }
0x3c: {  	[sflag:s24] =	ssyncset.done $0x0  }
0x3d: {  	[sflag:s24] =	ssyncadd.s32 $0xFFFFFF80  }
0x3e: {  	[tilespmem:s23], [sflag:$0x1] =	stream.indirect.gather [hbm4b:s1+s25], $0x80, s3, s25, $0xb8;
	[tilespmem:$0x1C200] =	vst v63  }
0x3f: {  	s14 =	rddreg [dreg:$0x5]  }
0x40: {  	[tilespmem:s26], [sflag:$0x3] =	stream.linear.gather [hbm4b:s14+s3], $0x80, $0x38;
	[tilespmem:$0x1C200] =	vst v63  }
0x41: {  	_ =	swait.ge [sflag:s24], $0x80  }
0x42: {  	[sflag:s24] =	ssyncset.done $0x0  }
0x43: {  	s15 =	rddreg [dreg:$0x6];
	[sflag:s24] =	ssyncadd.s32 $0xFFFFFF80  }
0x44: {  	[tilespmem:s28], [sflag:$0x3] =	stream.linear.gather [hbm4b:s15+s3], $0x80, $0x38;
	[tilespmem:$0x1C200] =	vst v63  }
0x45: {  	_ =	swait.ge [sflag:s24], $0x80  }
0x46: {  	[sflag:s24] =	ssyncset.done $0x0  }
0x47: {  	[sflag:s24] =	ssyncadd.s32 $0xFFFFFF80  }
0x48: {  	[tilespmem:s29], [sflag:$0x2] =	stream.indirect.gather [hbm4b:s1+s25], $0x80, s26, s25, $0xb8;
	[tilespmem:$0x1C200] =	vst v63  }
0x49: {  	_ =	swait.ge [sflag:s30], $0x4000  }
0x4a: {  	[sflag:s30] =	ssyncset.done $0x0  }
0x4b: {  	[sflag:s30] =	ssyncadd.s32 $0xFFFFC000  }
0x4c: {  	[spmem:s2] =	stream.indirect.scatter.add.f32 [tilespmem:s23], [sflag:$0x3], $0x80, s25, s25, $0xb8;
	[tilespmem:$0x1C200] =	vst v63  }
0x4d: {  	_ =	swait.ge [sflag:s24], $0x4000  }
0x4e: {  	s16 =	sadd.s32 $0x0, s11;
	[sflag:s24] =	ssyncset.done $0x0  }
0x4f: {  	s5 =	sadd.s32 $0x20, s16;
	[sflag:s24] =	ssyncadd.s32 $0xFFFFC000  }
0x50: {  	[tilespmem:s3], [sflag:$0x3] =	stream.linear.gather [hbm4b:s5+s3], $0x80, $0x38;
	[tilespmem:$0x1C200] =	vst v63  }
0x51: {  	_ =	swait.ge [sflag:s24], $0x80  }
0x52: {  	s17 =	sadd.s32 $0x0, s12;
	[sflag:s24] =	ssyncset.done $0x0  }
0x53: {  	s13 =	sadd.s32 $0x20, s17;
	[sflag:s24] =	ssyncadd.s32 $0xFFFFFF80  }
0x54: {  	[tilespmem:s25], [sflag:$0x3] =	stream.linear.gather [hbm4b:s13+s3], $0x80, $0x38;
	[tilespmem:$0x1C200] =	vst v63  }
0x55: {  	_ =	swait.ge [sflag:s24], $0x80  }
0x56: {  	[sflag:s24] =	ssyncset.done $0x0  }
0x57: {  	[sflag:s24] =	ssyncadd.s32 $0xFFFFFF80  }
0x58: {  	[tilespmem:s23], [sflag:$0x1] =	stream.indirect.gather [hbm4b:s1+s25], $0x80, s3, s25, $0xb8;
	[tilespmem:$0x1C200] =	vst v63  }
0x59: {  	_ =	swait.ge [sflag:s31], $0x4000  }
0x5a: {  	[sflag:s31] =	ssyncset.done $0x0  }
0x5b: {  	[sflag:s31] =	ssyncadd.s32 $0xFFFFC000  }
0x5c: {  	[spmem:s2] =	stream.indirect.scatter.add.f32 [tilespmem:s29], [sflag:$0x3], $0x80, s28, s25, $0xb8;
	[tilespmem:$0x1C200] =	vst v63  }
0x5d: {  	_ =	swait.ge [sflag:s24], $0x4000  }
0x5e: {  	[sflag:s24] =	ssyncset.done $0x0  }
0x5f: {  	s4 =	sadd.s32 $0x30, s16;
	[sflag:s24] =	ssyncadd.s32 $0xFFFFC000  }
0x60: {  	[tilespmem:s26], [sflag:$0x3] =	stream.linear.gather [hbm4b:s4+s3], $0x80, $0x38;
	[tilespmem:$0x1C200] =	vst v63  }
0x61: {  	_ =	swait.ge [sflag:s24], $0x80  }
0x62: {  	p0 =	sne.s32 s22, $0x20;
	[sflag:s24] =	ssyncset.done $0x0  }
.Ltmp0:
0x63: {  	s18 =	sadd.s32 $0x30, s17;
	[sflag:s24] =	ssyncadd.s32 $0xFFFFFF80;
	(pc) =	sbr.rel @!p0 .LBB2_3-.Ltmp0, $4  }
0x64: {  	[tilespmem:s28], [sflag:$0x3] =	stream.linear.gather [hbm4b:s18+s3], $0x80, $0x38;
	[tilespmem:$0x1C200] =	vst v63  }
0x65: {  	_ =	swait.ge [sflag:s24], $0x80  }
0x66: {  	[sflag:s24] =	ssyncset.done $0x0  }
0x67: {  	s5 =	simm.s32 $0x1;
	s4 =	simm.s32 $0x20;
	[sflag:s24] =	ssyncadd.s32 $0xFFFFFF80  }
.LBB2_2:
0x68: {  	[tilespmem:s29], [sflag:$0x2] =	stream.indirect.gather [hbm4b:s1+s25], $0x80, s26, s25, $0xb8;
	[tilespmem:$0x1C200] =	vst v63  }
0x69: {  	s13 =	smov.u32 s4;
	s4 =	sadd.s32 $0x20, s4;
	_ =	swait.ge [sflag:s30], $0x4000  }
0x6a: {  	p0 =	sne.s32 s22, s4;
	[sflag:s30] =	ssyncset.done $0x0  }
0x6b: {  	[sflag:s30] =	ssyncadd.s32 $0xFFFFC000  }
0x6c: {  	[spmem:s2] =	stream.indirect.scatter.add.f32 [tilespmem:s23], [sflag:$0x3], $0x80, s25, s25, $0xb8;
	[tilespmem:$0x1C200] =	vst v63  }
0x6d: {  	_ =	swait.ge [sflag:s24], $0x4000  }
0x6e: {  	s14 =	sadd.s32 s13, s11;
	[sflag:s24] =	ssyncset.done $0x0  }
0x6f: {  	s15 =	sadd.s32 $0x20, s14;
	[sflag:s24] =	ssyncadd.s32 $0xFFFFC000  }
0x70: {  	[tilespmem:s3], [sflag:$0x3] =	stream.linear.gather [hbm4b:s15+s3], $0x80, $0x38;
	[tilespmem:$0x1C200] =	vst v63  }
0x71: {  	_ =	swait.ge [sflag:s24], $0x80  }
0x72: {  	s13 =	sadd.s32 s13, s12;
	[sflag:s24] =	ssyncset.done $0x0  }
0x73: {  	s15 =	sadd.s32 $0x20, s13;
	[sflag:s24] =	ssyncadd.s32 $0xFFFFFF80  }
0x74: {  	[tilespmem:s25], [sflag:$0x3] =	stream.linear.gather [hbm4b:s15+s3], $0x80, $0x38;
	[tilespmem:$0x1C200] =	vst v63  }
0x75: {  	_ =	swait.ge [sflag:s24], $0x80  }
0x76: {  	[sflag:s24] =	ssyncset.done $0x0  }
0x77: {  	[sflag:s24] =	ssyncadd.s32 $0xFFFFFF80  }
0x78: {  	[tilespmem:s23], [sflag:$0x1] =	stream.indirect.gather [hbm4b:s1+s25], $0x80, s3, s25, $0xb8;
	[tilespmem:$0x1C200] =	vst v63  }
0x79: {  	_ =	swait.ge [sflag:s31], $0x4000  }
0x7a: {  	[sflag:s31] =	ssyncset.done $0x0  }
0x7b: {  	[sflag:s31] =	ssyncadd.s32 $0xFFFFC000  }
0x7c: {  	[spmem:s2] =	stream.indirect.scatter.add.f32 [tilespmem:s29], [sflag:$0x3], $0x80, s28, s25, $0xb8;
	[tilespmem:$0x1C200] =	vst v63  }
0x7d: {  	_ =	swait.ge [sflag:s24], $0x4000  }
0x7e: {  	[sflag:s24] =	ssyncset.done $0x0  }
0x7f: {  	s14 =	sadd.s32 $0x30, s14;
	[sflag:s24] =	ssyncadd.s32 $0xFFFFC000  }
0x80: {  	[tilespmem:s26], [sflag:$0x3] =	stream.linear.gather [hbm4b:s14+s3], $0x80, $0x38;
	[tilespmem:$0x1C200] =	vst v63  }
0x81: {  	_ =	swait.ge [sflag:s24], $0x80  }
0x82: {  	[sflag:s24] =	ssyncset.done $0x0  }
.Ltmp1:
0x83: {  	s13 =	sadd.s32 $0x30, s13;
	[sflag:s24] =	ssyncadd.s32 $0xFFFFFF80;
	(pc) =	sbr.rel @p0 .LBB2_2-.Ltmp1, $4  }
0x84: {  	[tilespmem:s28], [sflag:$0x3] =	stream.linear.gather [hbm4b:s13+s3], $0x80, $0x38;
	[tilespmem:$0x1C200] =	vst v63  }
0x85: {  	_ =	swait.ge [sflag:s24], $0x80  }
0x86: {  	[sflag:s24] =	ssyncset.done $0x0  }
0x87: {  	s5 =	sadd.s32 $0x1, s5;
	[sflag:s24] =	ssyncadd.s32 $0xFFFFFF80  }
.LBB2_3:
0x88: {  	[tilespmem:s29], [sflag:$0x2] =	stream.indirect.gather [hbm4b:s1+s25], $0x80, s26, s25, $0xb8;
	[tilespmem:$0x1C200] =	vst v63  }
0x89: {  	_ =	swait.ge [sflag:s30], $0x4000  }
0x8a: {  	[sflag:s30] =	ssyncset.done $0x0  }
0x8b: {  	[sflag:s30] =	ssyncadd.s32 $0xFFFFC000  }
0x8c: {  	[spmem:s2] =	stream.indirect.scatter.add.f32 [tilespmem:s23], [sflag:$0x3], $0x80, s25, s25, $0xb8;
	[tilespmem:$0x1C200] =	vst v63  }
0x8d: {  	_ =	swait.ge [sflag:s24], $0x4000  }
0x8e: {  	s13 =	rddreg [dreg:$0x7]  }
0x8f: {  	p0 =	slt.u32 s5, s13  }
0x90: {  	[sflag:s24] =	ssyncset.done $0x0;
	s5 =	sadd.s32 @p0 s4, s11  }
0x91: {  	[sflag:s24] =	ssyncadd.s32 $0xFFFFC000;
	s14 =	simm.s32 @p0 $0x0;
	s13 =	sadd.s32 @p0 $0x20, s5  }
0x92: {  	[tilespmem:s14], [sflag:$0x3] =	stream.linear.gather @p0 [hbm4b:s13+s14], $0x80, $0x38;
	[tilespmem:$0x1C200] =	vst v63  }
0x93: {  	s13 =	simm.s32 @p0 $0x3  }
0x94: {  	_ =	swait.ge @p0 [sflag:s13], $0x80  }
0x95: {  	s4 =	sadd.s32 @p0 s4, s12;
	[sflag:s13] =	ssyncset.done @p0 $0x0  }
0x96: {  	s16 =	simm.s32 @p0 $0x80;
	s15 =	sadd.s32 @p0 $0x20, s4;
	[sflag:s13] =	ssyncadd.s32 @p0 $0xFFFFFF80  }
0x97: {  	[tilespmem:s16], [sflag:$0x3] =	stream.linear.gather @p0 [hbm4b:s15+s14], $0x80, $0x38;
	[tilespmem:$0x1C200] =	vst v63  }
0x98: {  	_ =	swait.ge @p0 [sflag:s13], $0x80  }
0x99: {  	[sflag:s13] =	ssyncset.done @p0 $0x0  }
0x9a: {  	s15 =	simm.s32 @p0 $0x200;
	[sflag:s13] =	ssyncadd.s32 @p0 $0xFFFFFF80  }
0x9b: {  	[tilespmem:s15], [sflag:$0x1] =	stream.indirect.gather @p0 [hbm4b:s1+s16], $0x80, s14, s16, $0xb8;
	[tilespmem:$0x1C200] =	vst v63  }
0x9c: {  	s15 =	simm.s32 @p0 $0x2  }
0x9d: {  	_ =	swait.ge @p0 [sflag:s15], $0x4000  }
0x9e: {  	[sflag:s15] =	ssyncset.done @p0 $0x0  }
0x9f: {  	s17 =	simm.s32 @p0 $0x4200;
	[sflag:s15] =	ssyncadd.s32 @p0 $0xFFFFC000;
	s15 =	simm.s32 @p0 $0x180  }
0xa0: {  	[spmem:s2] =	stream.indirect.scatter.add.f32 @p0 [tilespmem:s17], [sflag:$0x3], $0x80, s15, s16, $0xb8;
	[tilespmem:$0x1C200] =	vst v63  }
0xa1: {  	_ =	swait.ge @p0 [sflag:s13], $0x4000  }
0xa2: {  	[sflag:s13] =	ssyncset.done @p0 $0x0  }
0xa3: {  	s18 =	simm.s32 @p0 $0x100;
	s5 =	sadd.s32 @p0 $0x30, s5;
	[sflag:s13] =	ssyncadd.s32 @p0 $0xFFFFC000  }
0xa4: {  	[tilespmem:s18], [sflag:$0x3] =	stream.linear.gather @p0 [hbm4b:s5+s14], $0x80, $0x38;
	[tilespmem:$0x1C200] =	vst v63  }
0xa5: {  	_ =	swait.ge @p0 [sflag:s13], $0x80  }
0xa6: {  	[sflag:s13] =	ssyncset.done @p0 $0x0  }
0xa7: {  	s4 =	sadd.s32 @p0 $0x30, s4;
	[sflag:s13] =	ssyncadd.s32 @p0 $0xFFFFFF80  }
0xa8: {  	[tilespmem:s15], [sflag:$0x3] =	stream.linear.gather @p0 [hbm4b:s4+s14], $0x80, $0x38;
	[tilespmem:$0x1C200] =	vst v63  }
0xa9: {  	_ =	swait.ge @p0 [sflag:s13], $0x80  }
0xaa: {  	[sflag:s13] =	ssyncset.done @p0 $0x0  }
0xab: {  	s4 =	simm.s32 @!p0 $0x2;
	[sflag:s13] =	ssyncadd.s32 @p0 $0xFFFFFF80  }
0xac: {  	[tilespmem:s17], [sflag:$0x2] =	stream.indirect.gather @p0 [hbm4b:s1+s16], $0x80, s18, s16, $0xb8;
	[tilespmem:$0x1C200] =	vst v63  }
0xad: {  	_ =	swait.ge @!p0 [sflag:s4], $0x4000  }
0xae: {  	s5 =	simm.s32 @!p0 $0x180;
	[sflag:s4] =	ssyncset.done @!p0 $0x0  }
0xaf: {  	s13 =	simm.s32 @!p0 $0x4200;
	[sflag:s4] =	ssyncadd.s32 @!p0 $0xFFFFC000;
	s4 =	simm.s32 @!p0 $0x80  }
0xb0: {  	[spmem:s2] =	stream.indirect.scatter.add.f32 @!p0 [tilespmem:s13], [sflag:$0x3], $0x80, s5, s4, $0xb8;
	[tilespmem:$0x1C200] =	vst v63  }
0xb1: {  	s4 =	simm.s32 @!p0 $0x3  }
0xb2: {  	_ =	swait.ge @!p0 [sflag:s4], $0x4000  }
0xb3: {  	[sflag:s4] =	ssyncset.done @!p0 $0x0  }
0xb4: {  	[sflag:s4] =	ssyncadd.s32 @!p0 $0xFFFFC000  }
0xb5: {  	[bflag:$0x0] =	sbarrier.arrive $0xFFFF  }
0xb6: {  	[tilespmem:s23], [sflag:$0x3] =	stream.linear.gather [spmem:s6], $0x4000, $0x38;
	[tilespmem:$0x1C200] =	vst v63  }
0xb7: {  	_ =	swait.ge [sflag:s24], $0x4000  }
0xb8: {  	[sflag:s24] =	ssyncset.done $0x0  }
0xb9: {  	s16 =	rddreg [dreg:$0x8];
	[sflag:s24] =	ssyncadd.s32 $0xFFFFC000  }
0xba: {  	[hbm4b:s16+s3] =	stream.linear.scatter [tilespmem:s23], [sflag:$0x3], $0x4000, $0x38;
	[tilespmem:$0x1C200] =	vst v63  }
0xbb: {  	_ =	swait.ge [sflag:s24], $0x4000  }
0xbc: {  	[sflag:s24] =	ssyncset.done $0x0  }
0xbd: {  	[sflag:s24] =	ssyncadd.s32 $0xFFFFC000  }
0xbe: {  	[tilespmem:s23], [sflag:$0x3] =	stream.linear.gather [spmem:s7], $0x4000, $0x38;
	[tilespmem:$0x1C200] =	vst v63  }
0xbf: {  	_ =	swait.ge [sflag:s24], $0x4000  }
0xc0: {  	[sflag:s24] =	ssyncset.done $0x0  }
0xc1: {  	s17 =	rddreg [dreg:$0x9];
	[sflag:s24] =	ssyncadd.s32 $0xFFFFC000  }
0xc2: {  	[hbm4b:s17+s3] =	stream.linear.scatter [tilespmem:s23], [sflag:$0x3], $0x4000, $0x38;
	[tilespmem:$0x1C200] =	vst v63  }
0xc3: {  	_ =	swait.ge [sflag:s24], $0x4000  }
0xc4: {  	[sflag:s24] =	ssyncset.done $0x0  }
0xc5: {  	[sflag:s24] =	ssyncadd.s32 $0xFFFFC000  }
0xc6: {  	[tilespmem:s23], [sflag:$0x3] =	stream.linear.gather [spmem:s8], $0x4000, $0x38;
	[tilespmem:$0x1C200] =	vst v63  }
0xc7: {  	_ =	swait.ge [sflag:s24], $0x4000  }
0xc8: {  	[sflag:s24] =	ssyncset.done $0x0  }
0xc9: {  	s18 =	rddreg [dreg:$0xa];
	[sflag:s24] =	ssyncadd.s32 $0xFFFFC000  }
0xca: {  	[hbm4b:s18+s3] =	stream.linear.scatter [tilespmem:s23], [sflag:$0x3], $0x4000, $0x38;
	[tilespmem:$0x1C200] =	vst v63  }
0xcb: {  	_ =	swait.ge [sflag:s24], $0x4000  }
0xcc: {  	[sflag:s24] =	ssyncset.done $0x0  }
0xcd: {  	[sflag:s24] =	ssyncadd.s32 $0xFFFFC000  }
0xce: {  	[tilespmem:s23], [sflag:$0x3] =	stream.linear.gather [spmem:s9], $0x4000, $0x38;
	[tilespmem:$0x1C200] =	vst v63  }
0xcf: {  	_ =	swait.ge [sflag:s24], $0x4000  }
0xd0: {  	[sflag:s24] =	ssyncset.done $0x0  }
0xd1: {  	[sflag:s24] =	ssyncadd.s32 $0xFFFFC000  }
0xd2: {  	[hbm4b:s19+s3] =	stream.linear.scatter [tilespmem:s23], [sflag:$0x3], $0x4000, $0x38;
	[tilespmem:$0x1C200] =	vst v63  }
0xd3: {  	_ =	swait.ge [sflag:s24], $0x4000  }
0xd4: {  	[sflag:s24] =	ssyncset.done $0x0  }
0xd5: {  	[sflag:s24] =	ssyncadd.s32 $0xFFFFC000  }
0xd6: {  	[tilespmem:s23], [sflag:$0x3] =	stream.linear.gather [spmem:s10], $0x4000, $0x38;
	[tilespmem:$0x1C200] =	vst v63  }
0xd7: {  	s0 =	sadd.s32 $0x1, s0;
	_ =	swait.ge [sflag:s24], $0x4000  }
0xd8: {  	p0 =	sne.s32 s0, s21;
	[sflag:s24] =	ssyncset.done $0x0  }
.Ltmp2:
0xd9: {  	[sflag:s24] =	ssyncadd.s32 $0xFFFFC000;
	(pc) =	sbr.rel @p0 .LBB2_1-.Ltmp2, $4  }
0xda: {  	[hbm4b:s20+s3] =	stream.linear.scatter [tilespmem:s23], [sflag:$0x3], $0x4000, $0x38;
	[tilespmem:$0x1C200] =	vst v63  }
0xdb: {  	_ =	swait.ge [sflag:s24], $0x4000  }
0xdc: {  	[sflag:s24] =	ssyncset.done $0x0  }
0xdd: {  	[sflag:s24] =	ssyncadd.s32 $0xFFFFC000  }
0xde: {  	_ =	sfence.sel $0x180000  }
0xdf: {  	[bflag:$0x0] =	sbarrier.arrive $0xFFFF  }
0xe0: {  	_ =	strace $0x90000047  }
0xe1: {  	s0 =	stileid.u32;
	[bflag:$0x2] =	sbarrier.arrive $0xFFFF  }
0xe2: {  	p0 =	sne.s32 s0, $0x0;
	s0 =	rddreg [dreg:$0x3]  }
0xe3: {  	s0 =	sadd.s32 @!p0 $0x100000, s0  }
0xe4: {  	[sflag:s0] =	ssyncadd.tile.s32 @!p0 $0x1;
	_ =	shalt  }
.Lfunc_end2:
_tile_overlayer_lowered:
.L_overlay_start_2:
0xe5: {  	(tag) =	ssettag $0x2  }
0xe6: {  	s0 =	rddreg [dreg:$0x0];
	s2 =	stileid.u32  }
0xe7: {  	s1 =	rddreg [dreg:$0x1];
	p0 =	sne.s32 s2, $0x0  }
0xe8: {  	s3 =	rddreg [dreg:$0x2];
	[bflag:$0x3] =	sbarrier.arrive $0xFFFF;
	s2 =	simm.s32 @!p0 $0x1C03  }
0xe9: {  	[timem:s3], [sflag:s2] =	dma.local @!p0 [hbm:s0], s1  }
0xea: {  	s0 =	simm.s32 @!p0 $0x3  }
0xeb: {  	_ =	swait.ge @!p0 [sflag:s0], s1  }
0xec: {  	s1 =	ssub.s32 @!p0 $0x0, s1;
	[sflag:s0] =	ssyncset.done @!p0 $0x0  }
0xed: {  	[sflag:s0] =	ssyncadd.s32 @!p0 s1  }
0xee: {  	[bflag:$0x3] =	sbarrier.arrive $0xFFFF  }
0xef: {  	_ =	shalt  }

// kernel: kernel.13.cloned.1.call-start
scs
__scs_entry_jumppad:
0x0: {  	(pc) =	sbr.rel $0x88, $3  }
0x1: {  	(tag) =	ssettag $0x0;
	lr =	simm.s32 $0x1  }
0x2: {  	[smem:$0x3F99] =	sst lr;
	_ =	strace $0xD0000000  }
0x3: {  	_ = 	snop  }
0x4: {  	_ = 	snop  }
0x5: {  	_ = 	snop  }
0x6: {  	_ = 	snop  }
0x7: {  	_ = 	snop  }
__scs_overlays_trampoline_lowered:
0x8: {  	[smem:$0x3FA8] =	sst s0  }
0x9: {  	[smem:$0x3FA9] =	sst s1  }
0xa: {  	[smem:$0x3FAA] =	sst s2  }
0xb: {  	[smem:$0x3FAB] =	sst s3  }
0xc: {  	[smem:$0x3FAC] =	sst s4  }
0xd: {  	[smem:$0x3FAD] =	sst s5  }
0xe: {  	[smem:$0x3FAE] =	sst s6  }
0xf: {  	[smem:$0x3FAF] =	sst s7  }
0x10: {  	[smem:$0x3FB0] =	sst s8  }
0x11: {  	[smem:$0x3FB1] =	sst s9;
	s0 =	simm.s32 @!p0 $0x0  }
0x12: {  	s1 =	sld [smem:$0x3F97];
	s0 =	simm.s32 @p0 $0x1  }
0x13: {  	[smem:$0x3FB2] =	sst s0;
	s0 =	simm.s32 @!p1 $0x0  }
0x14: {  	s2 =	sld [smem:$0x3F96];
	s0 =	simm.s32 @p1 $0x1  }
0x15: {  	[smem:$0x3FB3] =	sst s0;
	s0 =	simm.s32 @!p2 $0x0  }
0x16: {  	s3 =	sld [smem:$0x3FDB];
	s0 =	simm.s32 @p2 $0x1  }
0x17: {  	s4 =	simm.s32 $0x1BF5;
	[smem:$0x3FB5] =	sst s0  }
0x18: {  	s0 =	sld [smem:$0x3F98];
	_ =	swait.ge [sflag:s4], $0x0  }
0x19: {  	s7 =	sld [smem:$0x3F99]  }
0x1a: {  	s8 =	sadd.s32 $0xFFFFE003, lr  }
0x1b: {  	s9 =	sadd.s32 $0xFFFFFEF7, lr;
	s5 =	simm.s32 $0xFFFFFFFF;
	p2 =	slt.u32 s8, $0xFFFFF086  }
0x1c: {  	p1 =	slt.u32 s9, $0xF7A;
	s5 =	simm.s32 @!p2 $0x0  }
0x1d: {  	s5 =	simm.s32 @p1 $0x1;
	p0 =	seq.s32 s7, s2  }
0x1e: {  	s7 =	smul.u32 @!p0 $0xF7A, s2;
	p2 =	seq.s32 @!p0 s5, $0x0  }
0x1f: {  	s9 =	smul.u32 $0xF7A, s1;
	s8 =	simm.s32 @!p0 $0x1BF5;
	p2 =	por !p2, p0  }
0x20: {  	[sflag:s8] =	ssyncset.s32 @!p0 $0xFFFFF086;
	s6 =	sadd.s32 @!p0 s3, s7;
	s7 =	simm.s32 @!p0 $0x108  }
0x21: {  	s3 =	sadd.s32 s3, s9;
	s6 =	sadd.s32 @!p0 $0x88, s6;
	s7 =	simm.s32 @p2 $0x1082  }
0x22: {  	[simem:s7], [sflag:s8] =	dma.local @!p0 [hbm:s6], $0xF7A  }
0x23: {  	s9 =	sor.u32 $0xD0000000, s2;
	s6 =	simm.s32 $0x108;
	_ =	swait.ge @!p0 [sflag:s8], $0x0  }
0x24: {  	s3 =	sadd.s32 $0x88, s3;
	s6 =	simm.s32 @!p1 $0x1082;
	[sflag:s4] =	ssyncset.s32 $0xFFFFF086  }
0x25: {  	[simem:s6], [sflag:s4] =	dma.local [hbm:s3], $0xF7A  }
0x26: {  	[smem:$0x3F99] =	sst s1;
	(tag) =	ssettag s2;
	_ =	strace s9  }
0x27: {  	s1 =	sld [smem:$0x3FA9]  }
0x28: {  	s2 =	sld [smem:$0x3FAA]  }
0x29: {  	s4 =	sld [smem:$0x3FAC]  }
0x2a: {  	p0 =	seq.s32 s5, $0x0;
	s5 =	sld [smem:$0x3FAD]  }
0x2b: {  	s6 =	sld [smem:$0x3FAE]  }
0x2c: {  	s7 =	sld [smem:$0x3FAF]  }
0x2d: {  	s3 =	simm.s32 $0x108;
	s8 =	sld [smem:$0x3FB0]  }
0x2e: {  	s3 =	simm.s32 @!p0 $0x1082;
	s9 =	sld [smem:$0x3FB1]  }
0x2f: {  	lr =	sadd.s32 s0, s3;
	s0 =	sld [smem:$0x3FA8]  }
0x30: {  	s3 =	sld [smem:$0x3FAB]  }
0x31: {  	[smem:$0x3FB4] =	sst s10  }
0x32: {  	s10 =	sld [smem:$0x3FB2];
	_ =	sdelay $0x3  }
0x33: {  	p0 =	seq.s32 s10, $0x1;
	s10 =	sld [smem:$0x3FB4];
	_ =	sdelay $0x3  }
0x34: {  	[smem:$0x3FB4] =	sst s10  }
0x35: {  	s10 =	sld [smem:$0x3FB3];
	_ =	sdelay $0x3  }
0x36: {  	p1 =	seq.s32 s10, $0x1;
	s10 =	sld [smem:$0x3FB4];
	_ =	sdelay $0x3  }
0x37: {  	[smem:$0x3FB4] =	sst s10  }
0x38: {  	s10 =	sld [smem:$0x3FB5]  }
0x39: {  	_ = 	snop;
	(pc) =	sbr.ind lr, $3  }
0x3a: {  	_ = 	snop  }
0x3b: {  	_ = 	snop  }
0x3c: {  	p2 =	seq.s32 s10, $0x1;
	s10 =	sld [smem:$0x3FB4]  }
0x3d: {  	_ =	shalt  }
0x3e: {  	_ =	shalt  }
0x3f: {  	_ =	shalt  }
0x40: {  	_ =	shalt  }
0x41: {  	_ =	shalt  }
0x42: {  	_ =	shalt  }
0x43: {  	_ =	shalt  }
0x44: {  	_ =	shalt  }
0x45: {  	_ =	shalt  }
0x46: {  	_ =	shalt  }
0x47: {  	_ =	shalt  }
0x48: {  	_ =	shalt  }
0x49: {  	_ =	shalt  }
0x4a: {  	_ =	shalt  }
0x4b: {  	_ =	shalt  }
0x4c: {  	_ =	shalt  }
0x4d: {  	_ =	shalt  }
0x4e: {  	_ =	shalt  }
0x4f: {  	_ =	shalt  }
0x50: {  	_ =	shalt  }
0x51: {  	_ =	shalt  }
0x52: {  	_ =	shalt  }
0x53: {  	_ =	shalt  }
0x54: {  	_ =	shalt  }
0x55: {  	_ =	shalt  }
0x56: {  	_ =	shalt  }
0x57: {  	_ =	shalt  }
0x58: {  	_ =	shalt  }
0x59: {  	_ =	shalt  }
0x5a: {  	_ =	shalt  }
0x5b: {  	_ =	shalt  }
0x5c: {  	_ =	shalt  }
0x5d: {  	_ =	shalt  }
0x5e: {  	_ =	shalt  }
0x5f: {  	_ =	shalt  }
0x60: {  	_ =	shalt  }
0x61: {  	_ =	shalt  }
0x62: {  	_ =	shalt  }
0x63: {  	_ =	shalt  }
0x64: {  	_ =	shalt  }
0x65: {  	_ =	shalt  }
0x66: {  	_ =	shalt  }
0x67: {  	_ =	shalt  }
0x68: {  	_ =	shalt  }
0x69: {  	_ =	shalt  }
0x6a: {  	_ =	shalt  }
0x6b: {  	_ =	shalt  }
0x6c: {  	_ =	shalt  }
0x6d: {  	_ =	shalt  }
0x6e: {  	_ =	shalt  }
0x6f: {  	_ =	shalt  }
0x70: {  	_ =	shalt  }
0x71: {  	_ =	shalt  }
0x72: {  	_ =	shalt  }
0x73: {  	_ =	shalt  }
0x74: {  	_ =	shalt  }
0x75: {  	_ =	shalt  }
0x76: {  	_ =	shalt  }
0x77: {  	_ =	shalt  }
0x78: {  	_ =	shalt  }
0x79: {  	_ =	shalt  }
0x7a: {  	_ =	shalt  }
0x7b: {  	_ =	shalt  }
0x7c: {  	_ =	shalt  }
0x7d: {  	_ =	shalt  }
0x7e: {  	_ =	shalt  }
0x7f: {  	_ =	shalt  }
0x80: {  	_ =	shalt  }
0x81: {  	_ =	shalt  }
0x82: {  	_ =	shalt  }
0x83: {  	_ =	shalt  }
0x84: {  	_ =	shalt  }
0x85: {  	_ =	shalt  }
0x86: {  	_ =	shalt  }
0x87: {  	_ =	shalt  }
.Lfunc_end0:
.L_simem_size_0:
called_computation.2_lowered:
.L_overlay_start_0:
0x88: {  	s2 =	sld [smem:$0x3FD9]  }
0x89: {  	s3 =	sld [smem:$0x3FFE];
	_ =	sdelay $0x1  }
0x8a: {  	s1 =	srdreg.scid  }
0x8b: {  	s0 =	sand.u32 $0x1, s1  }
0x8c: {  	s17 =	sshll.u32 s0, $0xA;
	s2 =	sadd.s32 s3, s2  }
0x8d: {  	s2 =	sadd.s32 s2, s17  }
0x8e: {  	[smem:$0x3FC0] =	sst s2  }
0x8f: {  	_ = 	snop  }
0x90: {  	s2 =	sld [smem:$0x3FD0];
	(tm) =	ssettm $0x1  }
0x91: {  	s18 =	sld [smem:$0x3FFB];
	_ =	sdelay $0x3  }
0x92: {  	_ =	strace s18  }
0x93: {  	s3 =	sld [smem:$0x3FFC];
	_ =	sdelay $0x3  }
0x94: {  	_ =	strace s3  }
0x95: {  	s3 =	sld [smem:$0x3FFD];
	_ =	sdelay $0x3  }
0x96: {  	_ =	strace s3  }
0x97: {  	_ =	strace $0x8FFFFFFF  }
0x98: {  	s19 =	sld [smem:$0x3FDB];
	_ =	sdelay $0x1  }
0x99: {  	s4 =	simm.s32 $_scs_section_size  }
0x9a: {  	s5 =	simm.s32 $_size__tile_overlayer_lowered;
	s6 =	simm.s32 $_tile_overlayer_lowered  }
0x9b: {  	s22 =	simm.s32 $0x1BFF;
	s21 =	sshll.u32 s6, $0x1;
	s3 =	sadd.s32 s4, s19  }
0x9c: {  	s7 =	simm.s32 $0x0;
	s20 =	sshll.u32 s5, $0x1;
	s5 =	sadd.s32 s21, s3  }
0x9d: {  	[timem:s7], [sflag:s22] =	dma.local [hbm:s5], s20  }
0x9e: {  	_ =	swait.ge [sflag:s22], s20  }
0x9f: {  	s4 =	ssub.s32 $0x0, s20;
	[sflag:s22] =	ssyncset.done $0x0  }
0xa0: {  	[sflag:s22] =	ssyncadd.s32 s4;
	_ =	sdelay $0x1  }
0xa1: {  	s23 =	simm.s32 $0x1B8B  }
0xa2: {  	_ =	swait.ge [sflag:s23], $0x1  }
0xa3: {  	[sflag:s23] =	ssyncset.done $0x0  }
0xa4: {  	s25 =	simm.s32 $0x1B8E;
	s24 =	sld [smem:$0x3FFE];
	[sflag:s23] =	ssyncadd.s32 $0xFFFFFFFF  }
0xa5: {  	s26 =	simm.s32 $execute0_lowered;
	[smem:$0x3FD2] =	sst s25  }
0xa6: {  	s5 =	sshll.u32 s26, $0x1;
	_ =	strace $0x8000004C;
	[dreg:$0x1] =	wrdreg $0xFFFFFFFF  }
0xa7: {  	s28 =	simm.s32 $_size_execute0_lowered;
	s3 =	sadd.s32 s3, s5;
	[dreg:$0x0] =	wrdreg $0x0  }
0xa8: {  	s5 =	sshll.u32 s28, $0x1;
	[dreg:$0x2] =	wrdreg s3  }
0xa9: {  	[dreg:$0x3] =	wrdreg s5  }
0xaa: {  	[dreg:$0x4] =	wrdreg $0xC0  }
0xab: {  	_ =	task [dreg:s7], $0x5FFFF  }
0xac: {  	[dreg:$0x1] =	wrdreg $0xFFFFFFFF  }
0xad: {  	[dreg:$0x0] =	wrdreg $0x60  }
0xae: {  	[dreg:$0x2] =	wrdreg s2  }
0xaf: {  	[dreg:$0x3] =	wrdreg s24  }
0xb0: {  	[dreg:$0x4] =	wrdreg $0x82000  }
0xb1: {  	[dreg:$0x5] =	wrdreg $0x9  }
0xb2: {  	_ =	task.clear_ibuf [dreg:s7], $0x6FFFF;
	_ =	strace $0x9000004C  }
0xb3: {  	s29 =	simm.s32 $0x9;
	_ =	strace $0x8000004E  }
0xb4: {  	_ =	swait.ge [sflag:s29], $0x1  }
0xb5: {  	[sflag:s29] =	ssyncadd.s32 $0xFFFFFFFF  }
0xb6: {  	_ =	strace $0x9000004E  }
0xb7: {  	_ =	sfence  }
0xb8: {  	s30 =	sld [smem:$0x0];
	_ =	sdelay $0x2  }
0xb9: {  	s31 =	sshll.u32 s1, $0xD;
	s1 =	sshrl.u32 s1, $0x2  }
0xba: {  	s3 =	sand.u32 $0x4000, s31;
	s1 =	sadd.s32 s1, s30  }
0xbb: {  	s0 =	sor.u32 s3, s0;
	s1 =	sshll.u32 s1, $0x11  }
0xbc: {  	s0 =	sor.u32 s1, s0  }
0xbd: {  	s0 =	sadd.s32 $0x8F2B, s0  }
0xbe: {  	[sflag:s0] =	ssyncadd.remote.s32 $0x1  }
0xbf: {  	_ =	sfence.sel $0xFFFF  }
0xc0: {  	[dreg:$0x0] =	wrdreg $0xFFFFFFFF;
	(pc) =	sbr.abs _section_cstart, $3  }
0xc1: {  	[dreg:$0x1] =	wrdreg $0xFFFFFFFF  }
0xc2: {  	_ =	task.clear_ibuf [dreg:s7], $0x2FFFF;
	_ =	strace $0x9FFFFFFF  }
0xc3: {  	(tm) =	ssettm $0x7FFFFFFF  }
tec
execute0_lowered:
.L_overlay_start_1:
0x0: {  	(tag) =	ssettag $0x1  }
0x1: {  	s1 =	rddreg [dreg:$0x0]  }
0x2: {  	s0 =	rddreg [dreg:$0x1]  }
0x3: {  	s2 =	rddreg [dreg:$0x2];
	s3 =	simm.s32 $0x0;
	s6 =	srdreg.scid  }
0x4: {  	s11 =	stileid.u32;
	s28 =	simm.s32 $0x180;
	s29 =	simm.s32 $0x4200  }
0x5: {  	s30 =	simm.s32 $0x1;
	s31 =	simm.s32 $0x2;
	[smem:$0x7FF] =	sst s3  }
0x6: {  	s4 =	sadd.s32 $0xC000, s0;
	s12 =	sand.u32 $0x1, s6;
	s6 =	smul.u32 $0x98, s11  }
0x7: {  	s5 =	sadd.s32 $0x2000, s0;
	s7 =	sadd.s32 $0x16000, s0;
	s8 =	smul.u32 $0x50000, s11  }
0x8: {  	s0 =	sadd.s32 $0x16800, s0;
	s10 =	sshll.u32 s11, $0x3;
	s15 =	smul.u32 $0x14000, s11  }
0x9: {  	_ =	strace $0x8000004D;
	[dreg:$0x4] =	wrdreg s7;
	s26 =	ssub.s32 $0x2, s12  }
0xa: {  	p0 =	seq.s32 s12, $0x0;
	s11 =	sor.u32 $0x980, s10;
	s20 =	smul.u32 $0x140000, s12  }
0xb: {  	s9 =	sshrl.u32 s26, $0x1;
	s11 =	smov.u32 @p0 s6;
	s13 =	sshrl.u32 s8, $0x2  }
0xc: {  	s16 =	sadd.s32 $0x4000, s15;
	s17 =	sadd.s32 $0x8000, s15;
	s18 =	sadd.s32 $0xC000, s15  }
0xd: {  	s19 =	sadd.s32 $0x10000, s15;
	s21 =	ssub.s32 s26, s9;
	s6 =	sadd.s32 s13, s2  }
0xe: {  	s7 =	sadd.s32 s16, s2;
	s8 =	sadd.s32 s17, s2;
	s9 =	sadd.s32 s18, s2  }
0xf: {  	s10 =	sadd.s32 s19, s2;
	s13 =	sshll.u32 s11, $0x4;
	s22 =	sadd.s32 s20, s16  }
0x10: {  	s17 =	sadd.s32 s20, s17;
	s24 =	sadd.s32 s20, s18;
	s11 =	sadd.s32 s4, s13  }
0x11: {  	s14 =	sor.u32 $0x10, s13;
	s12 =	sadd.s32 s5, s13;
	s16 =	sshrl.u32 s22, $0x3  }
0x12: {  	s23 =	sshrl.u32 s17, $0x3;
	s25 =	sshrl.u32 s24, $0x3;
	s21 =	smax.u32 s21, $0x1  }
0x13: {  	s24 =	simm.s32 $0x3;
	s4 =	sadd.s32 s4, s14;
	s5 =	sadd.s32 s5, s14  }
0x14: {  	s14 =	sadd.s32 s15, s20;
	s20 =	sadd.s32 s20, s19;
	s19 =	sadd.s32 s0, s25  }
0x15: {  	s25 =	simm.s32 $0x80;
	[dreg:$0x5] =	wrdreg s4;
	s4 =	simm.s32 $0x4C  }
0x16: {  	[dreg:$0x6] =	wrdreg s5;
	s5 =	sshrl.u32 s14, $0x3;
	s26 =	sshrl.u32 s20, $0x3  }
0x17: {  	s4 =	simm.s32 @!p0 $0x4;
	s5 =	sadd.s32 s0, s5;
	s20 =	sadd.s32 s0, s26  }
0x18: {  	s26 =	simm.s32 $0x100;
	s15 =	sadd.s32 $0xFFFFFFFF, s4;
	[dreg:$0x8] =	wrdreg s5  }
0x19: {  	s5 =	sadd.s32 s0, s16;
	s4 =	sshll.u32 s4, $0x5;
	[dreg:$0x7] =	wrdreg s15  }
0x1a: {  	[dreg:$0x9] =	wrdreg s5;
	s5 =	sadd.s32 s0, s23;
	s22 =	sadd.s32 $0xFFFFFFE0, s4  }
0x1b: {  	s23 =	simm.s32 $0x200;
	s0 =	simm.s32 $0x0;
	[dreg:$0xa] =	wrdreg s5  }
.LBB2_1:
0x1c: {  	s4 =	rddreg [dreg:$0x4]  }
0x1d: {  	[tilespmem:s23], [sflag:$0x3] =	stream.linear.gather [hbm4b:s4+s3], $0x4000, $0x38;
	[tilespmem:$0x1C200] =	vst v63  }
0x1e: {  	_ =	swait.ge [sflag:s24], $0x4000  }
0x1f: {  	[sflag:s24] =	ssyncset.done $0x0  }
0x20: {  	[sflag:s24] =	ssyncadd.s32 $0xFFFFC000  }
0x21: {  	[spmem:s6] =	stream.linear.scatter [tilespmem:s23], [sflag:$0x3], $0x4000, $0x38;
	[tilespmem:$0x1C200] =	vst v63  }
0x22: {  	_ =	swait.ge [sflag:s24], $0x4000  }
0x23: {  	[sflag:s24] =	ssyncset.done $0x0  }
0x24: {  	[sflag:s24] =	ssyncadd.s32 $0xFFFFC000  }
0x25: {  	[spmem:s7] =	stream.linear.scatter [tilespmem:s23], [sflag:$0x3], $0x4000, $0x38;
	[tilespmem:$0x1C200] =	vst v63  }
0x26: {  	_ =	swait.ge [sflag:s24], $0x4000  }
0x27: {  	[sflag:s24] =	ssyncset.done $0x0  }
0x28: {  	[sflag:s24] =	ssyncadd.s32 $0xFFFFC000  }
0x29: {  	[spmem:s8] =	stream.linear.scatter [tilespmem:s23], [sflag:$0x3], $0x4000, $0x38;
	[tilespmem:$0x1C200] =	vst v63  }
0x2a: {  	_ =	swait.ge [sflag:s24], $0x4000  }
0x2b: {  	[sflag:s24] =	ssyncset.done $0x0  }
0x2c: {  	[sflag:s24] =	ssyncadd.s32 $0xFFFFC000  }
0x2d: {  	[spmem:s9] =	stream.linear.scatter [tilespmem:s23], [sflag:$0x3], $0x4000, $0x38;
	[tilespmem:$0x1C200] =	vst v63  }
0x2e: {  	_ =	swait.ge [sflag:s24], $0x4000  }
0x2f: {  	[sflag:s24] =	ssyncset.done $0x0  }
0x30: {  	[sflag:s24] =	ssyncadd.s32 $0xFFFFC000  }
0x31: {  	[spmem:s10] =	stream.linear.scatter [tilespmem:s23], [sflag:$0x3], $0x4000, $0x38;
	[tilespmem:$0x1C200] =	vst v63  }
0x32: {  	_ =	swait.ge [sflag:s24], $0x4000  }
0x33: {  	[sflag:s24] =	ssyncset.done $0x0  }
0x34: {  	[sflag:s24] =	ssyncadd.s32 $0xFFFFC000  }
0x35: {  	[bflag:$0x0] =	sbarrier.arrive $0xFFFF  }
0x36: {  	[tilespmem:s3], [sflag:$0x3] =	stream.linear.gather [hbm4b:s11+s3], $0x80, $0x38;
	[tilespmem:$0x1C200] =	vst v63  }
0x37: {  	_ =	swait.ge [sflag:s24], $0x80  }
0x38: {  	[sflag:s24] =	ssyncset.done $0x0  }
0x39: {  	[sflag:s24] =	ssyncadd.s32 $0xFFFFFF80  }
0x3a: {  	[tilespmem:s25], [sflag:$0x3] =	stream.linear.gather [hbm4b:s12+s3], $0x80, $0x38;
	[tilespmem:$0x1C200] =	vst v63  }
0x3b: {  	_ =	swait.ge [sflag:s24], $0x80  }
0x3c: {  	[sflag:s24] =	ssyncset.done $0x0  }
0x3d: {  	[sflag:s24] =	ssyncadd.s32 $0xFFFFFF80  }
0x3e: {  	[tilespmem:s23], [sflag:$0x1] =	stream.indirect.gather [hbm4b:s1+s25], $0x80, s3, s25, $0xb8;
	[tilespmem:$0x1C200] =	vst v63  }
0x3f: {  	s14 =	rddreg [dreg:$0x5]  }
0x40: {  	[tilespmem:s26], [sflag:$0x3] =	stream.linear.gather [hbm4b:s14+s3], $0x80, $0x38;
	[tilespmem:$0x1C200] =	vst v63  }
0x41: {  	_ =	swait.ge [sflag:s24], $0x80  }
0x42: {  	[sflag:s24] =	ssyncset.done $0x0  }
0x43: {  	s15 =	rddreg [dreg:$0x6];
	[sflag:s24] =	ssyncadd.s32 $0xFFFFFF80  }
0x44: {  	[tilespmem:s28], [sflag:$0x3] =	stream.linear.gather [hbm4b:s15+s3], $0x80, $0x38;
	[tilespmem:$0x1C200] =	vst v63  }
0x45: {  	_ =	swait.ge [sflag:s24], $0x80  }
0x46: {  	[sflag:s24] =	ssyncset.done $0x0  }
0x47: {  	[sflag:s24] =	ssyncadd.s32 $0xFFFFFF80  }
0x48: {  	[tilespmem:s29], [sflag:$0x2] =	stream.indirect.gather [hbm4b:s1+s25], $0x80, s26, s25, $0xb8;
	[tilespmem:$0x1C200] =	vst v63  }
0x49: {  	_ =	swait.ge [sflag:s30], $0x4000  }
0x4a: {  	[sflag:s30] =	ssyncset.done $0x0  }
0x4b: {  	[sflag:s30] =	ssyncadd.s32 $0xFFFFC000  }
0x4c: {  	[spmem:s2] =	stream.indirect.scatter.add.f32 [tilespmem:s23], [sflag:$0x3], $0x80, s25, s25, $0xb8;
	[tilespmem:$0x1C200] =	vst v63  }
0x4d: {  	_ =	swait.ge [sflag:s24], $0x4000  }
0x4e: {  	s16 =	sadd.s32 $0x0, s11;
	[sflag:s24] =	ssyncset.done $0x0  }
0x4f: {  	s5 =	sadd.s32 $0x20, s16;
	[sflag:s24] =	ssyncadd.s32 $0xFFFFC000  }
0x50: {  	[tilespmem:s3], [sflag:$0x3] =	stream.linear.gather [hbm4b:s5+s3], $0x80, $0x38;
	[tilespmem:$0x1C200] =	vst v63  }
0x51: {  	_ =	swait.ge [sflag:s24], $0x80  }
0x52: {  	s17 =	sadd.s32 $0x0, s12;
	[sflag:s24] =	ssyncset.done $0x0  }
0x53: {  	s13 =	sadd.s32 $0x20, s17;
	[sflag:s24] =	ssyncadd.s32 $0xFFFFFF80  }
0x54: {  	[tilespmem:s25], [sflag:$0x3] =	stream.linear.gather [hbm4b:s13+s3], $0x80, $0x38;
	[tilespmem:$0x1C200] =	vst v63  }
0x55: {  	_ =	swait.ge [sflag:s24], $0x80  }
0x56: {  	[sflag:s24] =	ssyncset.done $0x0  }
0x57: {  	[sflag:s24] =	ssyncadd.s32 $0xFFFFFF80  }
0x58: {  	[tilespmem:s23], [sflag:$0x1] =	stream.indirect.gather [hbm4b:s1+s25], $0x80, s3, s25, $0xb8;
	[tilespmem:$0x1C200] =	vst v63  }
0x59: {  	_ =	swait.ge [sflag:s31], $0x4000  }
0x5a: {  	[sflag:s31] =	ssyncset.done $0x0  }
0x5b: {  	[sflag:s31] =	ssyncadd.s32 $0xFFFFC000  }
0x5c: {  	[spmem:s2] =	stream.indirect.scatter.add.f32 [tilespmem:s29], [sflag:$0x3], $0x80, s28, s25, $0xb8;
	[tilespmem:$0x1C200] =	vst v63  }
0x5d: {  	_ =	swait.ge [sflag:s24], $0x4000  }
0x5e: {  	[sflag:s24] =	ssyncset.done $0x0  }
0x5f: {  	s4 =	sadd.s32 $0x30, s16;
	[sflag:s24] =	ssyncadd.s32 $0xFFFFC000  }
0x60: {  	[tilespmem:s26], [sflag:$0x3] =	stream.linear.gather [hbm4b:s4+s3], $0x80, $0x38;
	[tilespmem:$0x1C200] =	vst v63  }
0x61: {  	_ =	swait.ge [sflag:s24], $0x80  }
0x62: {  	p0 =	sne.s32 s22, $0x20;
	[sflag:s24] =	ssyncset.done $0x0  }
.Ltmp0:
0x63: {  	s18 =	sadd.s32 $0x30, s17;
	[sflag:s24] =	ssyncadd.s32 $0xFFFFFF80;
	(pc) =	sbr.rel @!p0 .LBB2_3-.Ltmp0, $4  }
0x64: {  	[tilespmem:s28], [sflag:$0x3] =	stream.linear.gather [hbm4b:s18+s3], $0x80, $0x38;
	[tilespmem:$0x1C200] =	vst v63  }
0x65: {  	_ =	swait.ge [sflag:s24], $0x80  }
0x66: {  	[sflag:s24] =	ssyncset.done $0x0  }
0x67: {  	s5 =	simm.s32 $0x1;
	s4 =	simm.s32 $0x20;
	[sflag:s24] =	ssyncadd.s32 $0xFFFFFF80  }
.LBB2_2:
0x68: {  	[tilespmem:s29], [sflag:$0x2] =	stream.indirect.gather [hbm4b:s1+s25], $0x80, s26, s25, $0xb8;
	[tilespmem:$0x1C200] =	vst v63  }
0x69: {  	s13 =	smov.u32 s4;
	s4 =	sadd.s32 $0x20, s4;
	_ =	swait.ge [sflag:s30], $0x4000  }
0x6a: {  	p0 =	sne.s32 s22, s4;
	[sflag:s30] =	ssyncset.done $0x0  }
0x6b: {  	[sflag:s30] =	ssyncadd.s32 $0xFFFFC000  }
0x6c: {  	[spmem:s2] =	stream.indirect.scatter.add.f32 [tilespmem:s23], [sflag:$0x3], $0x80, s25, s25, $0xb8;
	[tilespmem:$0x1C200] =	vst v63  }
0x6d: {  	_ =	swait.ge [sflag:s24], $0x4000  }
0x6e: {  	s14 =	sadd.s32 s13, s11;
	[sflag:s24] =	ssyncset.done $0x0  }
0x6f: {  	s15 =	sadd.s32 $0x20, s14;
	[sflag:s24] =	ssyncadd.s32 $0xFFFFC000  }
0x70: {  	[tilespmem:s3], [sflag:$0x3] =	stream.linear.gather [hbm4b:s15+s3], $0x80, $0x38;
	[tilespmem:$0x1C200] =	vst v63  }
0x71: {  	_ =	swait.ge [sflag:s24], $0x80  }
0x72: {  	s13 =	sadd.s32 s13, s12;
	[sflag:s24] =	ssyncset.done $0x0  }
0x73: {  	s15 =	sadd.s32 $0x20, s13;
	[sflag:s24] =	ssyncadd.s32 $0xFFFFFF80  }
0x74: {  	[tilespmem:s25], [sflag:$0x3] =	stream.linear.gather [hbm4b:s15+s3], $0x80, $0x38;
	[tilespmem:$0x1C200] =	vst v63  }
0x75: {  	_ =	swait.ge [sflag:s24], $0x80  }
0x76: {  	[sflag:s24] =	ssyncset.done $0x0  }
0x77: {  	[sflag:s24] =	ssyncadd.s32 $0xFFFFFF80  }
0x78: {  	[tilespmem:s23], [sflag:$0x1] =	stream.indirect.gather [hbm4b:s1+s25], $0x80, s3, s25, $0xb8;
	[tilespmem:$0x1C200] =	vst v63  }
0x79: {  	_ =	swait.ge [sflag:s31], $0x4000  }
0x7a: {  	[sflag:s31] =	ssyncset.done $0x0  }
0x7b: {  	[sflag:s31] =	ssyncadd.s32 $0xFFFFC000  }
0x7c: {  	[spmem:s2] =	stream.indirect.scatter.add.f32 [tilespmem:s29], [sflag:$0x3], $0x80, s28, s25, $0xb8;
	[tilespmem:$0x1C200] =	vst v63  }
0x7d: {  	_ =	swait.ge [sflag:s24], $0x4000  }
0x7e: {  	[sflag:s24] =	ssyncset.done $0x0  }
0x7f: {  	s14 =	sadd.s32 $0x30, s14;
	[sflag:s24] =	ssyncadd.s32 $0xFFFFC000  }
0x80: {  	[tilespmem:s26], [sflag:$0x3] =	stream.linear.gather [hbm4b:s14+s3], $0x80, $0x38;
	[tilespmem:$0x1C200] =	vst v63  }
0x81: {  	_ =	swait.ge [sflag:s24], $0x80  }
0x82: {  	[sflag:s24] =	ssyncset.done $0x0  }
.Ltmp1:
0x83: {  	s13 =	sadd.s32 $0x30, s13;
	[sflag:s24] =	ssyncadd.s32 $0xFFFFFF80;
	(pc) =	sbr.rel @p0 .LBB2_2-.Ltmp1, $4  }
0x84: {  	[tilespmem:s28], [sflag:$0x3] =	stream.linear.gather [hbm4b:s13+s3], $0x80, $0x38;
	[tilespmem:$0x1C200] =	vst v63  }
0x85: {  	_ =	swait.ge [sflag:s24], $0x80  }
0x86: {  	[sflag:s24] =	ssyncset.done $0x0  }
0x87: {  	s5 =	sadd.s32 $0x1, s5;
	[sflag:s24] =	ssyncadd.s32 $0xFFFFFF80  }
.LBB2_3:
0x88: {  	[tilespmem:s29], [sflag:$0x2] =	stream.indirect.gather [hbm4b:s1+s25], $0x80, s26, s25, $0xb8;
	[tilespmem:$0x1C200] =	vst v63  }
0x89: {  	_ =	swait.ge [sflag:s30], $0x4000  }
0x8a: {  	[sflag:s30] =	ssyncset.done $0x0  }
0x8b: {  	[sflag:s30] =	ssyncadd.s32 $0xFFFFC000  }
0x8c: {  	[spmem:s2] =	stream.indirect.scatter.add.f32 [tilespmem:s23], [sflag:$0x3], $0x80, s25, s25, $0xb8;
	[tilespmem:$0x1C200] =	vst v63  }
0x8d: {  	_ =	swait.ge [sflag:s24], $0x4000  }
0x8e: {  	s13 =	rddreg [dreg:$0x7]  }
0x8f: {  	p0 =	slt.u32 s5, s13  }
0x90: {  	[sflag:s24] =	ssyncset.done $0x0;
	s5 =	sadd.s32 @p0 s4, s11  }
0x91: {  	[sflag:s24] =	ssyncadd.s32 $0xFFFFC000;
	s14 =	simm.s32 @p0 $0x0;
	s13 =	sadd.s32 @p0 $0x20, s5  }
0x92: {  	[tilespmem:s14], [sflag:$0x3] =	stream.linear.gather @p0 [hbm4b:s13+s14], $0x80, $0x38;
	[tilespmem:$0x1C200] =	vst v63  }
0x93: {  	s13 =	simm.s32 @p0 $0x3  }
0x94: {  	_ =	swait.ge @p0 [sflag:s13], $0x80  }
0x95: {  	s4 =	sadd.s32 @p0 s4, s12;
	[sflag:s13] =	ssyncset.done @p0 $0x0  }
0x96: {  	s16 =	simm.s32 @p0 $0x80;
	s15 =	sadd.s32 @p0 $0x20, s4;
	[sflag:s13] =	ssyncadd.s32 @p0 $0xFFFFFF80  }
0x97: {  	[tilespmem:s16], [sflag:$0x3] =	stream.linear.gather @p0 [hbm4b:s15+s14], $0x80, $0x38;
	[tilespmem:$0x1C200] =	vst v63  }
0x98: {  	_ =	swait.ge @p0 [sflag:s13], $0x80  }
0x99: {  	[sflag:s13] =	ssyncset.done @p0 $0x0  }
0x9a: {  	s15 =	simm.s32 @p0 $0x200;
	[sflag:s13] =	ssyncadd.s32 @p0 $0xFFFFFF80  }
0x9b: {  	[tilespmem:s15], [sflag:$0x1] =	stream.indirect.gather @p0 [hbm4b:s1+s16], $0x80, s14, s16, $0xb8;
	[tilespmem:$0x1C200] =	vst v63  }
0x9c: {  	s15 =	simm.s32 @p0 $0x2  }
0x9d: {  	_ =	swait.ge @p0 [sflag:s15], $0x4000  }
0x9e: {  	[sflag:s15] =	ssyncset.done @p0 $0x0  }
0x9f: {  	s17 =	simm.s32 @p0 $0x4200;
	[sflag:s15] =	ssyncadd.s32 @p0 $0xFFFFC000;
	s15 =	simm.s32 @p0 $0x180  }
0xa0: {  	[spmem:s2] =	stream.indirect.scatter.add.f32 @p0 [tilespmem:s17], [sflag:$0x3], $0x80, s15, s16, $0xb8;
	[tilespmem:$0x1C200] =	vst v63  }
0xa1: {  	_ =	swait.ge @p0 [sflag:s13], $0x4000  }
0xa2: {  	[sflag:s13] =	ssyncset.done @p0 $0x0  }
0xa3: {  	s18 =	simm.s32 @p0 $0x100;
	s5 =	sadd.s32 @p0 $0x30, s5;
	[sflag:s13] =	ssyncadd.s32 @p0 $0xFFFFC000  }
0xa4: {  	[tilespmem:s18], [sflag:$0x3] =	stream.linear.gather @p0 [hbm4b:s5+s14], $0x80, $0x38;
	[tilespmem:$0x1C200] =	vst v63  }
0xa5: {  	_ =	swait.ge @p0 [sflag:s13], $0x80  }
0xa6: {  	[sflag:s13] =	ssyncset.done @p0 $0x0  }
0xa7: {  	s4 =	sadd.s32 @p0 $0x30, s4;
	[sflag:s13] =	ssyncadd.s32 @p0 $0xFFFFFF80  }
0xa8: {  	[tilespmem:s15], [sflag:$0x3] =	stream.linear.gather @p0 [hbm4b:s4+s14], $0x80, $0x38;
	[tilespmem:$0x1C200] =	vst v63  }
0xa9: {  	_ =	swait.ge @p0 [sflag:s13], $0x80  }
0xaa: {  	[sflag:s13] =	ssyncset.done @p0 $0x0  }
0xab: {  	s4 =	simm.s32 @!p0 $0x2;
	[sflag:s13] =	ssyncadd.s32 @p0 $0xFFFFFF80  }
0xac: {  	[tilespmem:s17], [sflag:$0x2] =	stream.indirect.gather @p0 [hbm4b:s1+s16], $0x80, s18, s16, $0xb8;
	[tilespmem:$0x1C200] =	vst v63  }
0xad: {  	_ =	swait.ge @!p0 [sflag:s4], $0x4000  }
0xae: {  	s5 =	simm.s32 @!p0 $0x180;
	[sflag:s4] =	ssyncset.done @!p0 $0x0  }
0xaf: {  	s13 =	simm.s32 @!p0 $0x4200;
	[sflag:s4] =	ssyncadd.s32 @!p0 $0xFFFFC000;
	s4 =	simm.s32 @!p0 $0x80  }
0xb0: {  	[spmem:s2] =	stream.indirect.scatter.add.f32 @!p0 [tilespmem:s13], [sflag:$0x3], $0x80, s5, s4, $0xb8;
	[tilespmem:$0x1C200] =	vst v63  }
0xb1: {  	s4 =	simm.s32 @!p0 $0x3  }
0xb2: {  	_ =	swait.ge @!p0 [sflag:s4], $0x4000  }
0xb3: {  	[sflag:s4] =	ssyncset.done @!p0 $0x0  }
0xb4: {  	[sflag:s4] =	ssyncadd.s32 @!p0 $0xFFFFC000  }
0xb5: {  	[bflag:$0x0] =	sbarrier.arrive $0xFFFF  }
0xb6: {  	[tilespmem:s23], [sflag:$0x3] =	stream.linear.gather [spmem:s6], $0x4000, $0x38;
	[tilespmem:$0x1C200] =	vst v63  }
0xb7: {  	_ =	swait.ge [sflag:s24], $0x4000  }
0xb8: {  	[sflag:s24] =	ssyncset.done $0x0  }
0xb9: {  	s16 =	rddreg [dreg:$0x8];
	[sflag:s24] =	ssyncadd.s32 $0xFFFFC000  }
0xba: {  	[hbm4b:s16+s3] =	stream.linear.scatter [tilespmem:s23], [sflag:$0x3], $0x4000, $0x38;
	[tilespmem:$0x1C200] =	vst v63  }
0xbb: {  	_ =	swait.ge [sflag:s24], $0x4000  }
0xbc: {  	[sflag:s24] =	ssyncset.done $0x0  }
0xbd: {  	[sflag:s24] =	ssyncadd.s32 $0xFFFFC000  }
0xbe: {  	[tilespmem:s23], [sflag:$0x3] =	stream.linear.gather [spmem:s7], $0x4000, $0x38;
	[tilespmem:$0x1C200] =	vst v63  }
0xbf: {  	_ =	swait.ge [sflag:s24], $0x4000  }
0xc0: {  	[sflag:s24] =	ssyncset.done $0x0  }
0xc1: {  	s17 =	rddreg [dreg:$0x9];
	[sflag:s24] =	ssyncadd.s32 $0xFFFFC000  }
0xc2: {  	[hbm4b:s17+s3] =	stream.linear.scatter [tilespmem:s23], [sflag:$0x3], $0x4000, $0x38;
	[tilespmem:$0x1C200] =	vst v63  }
0xc3: {  	_ =	swait.ge [sflag:s24], $0x4000  }
0xc4: {  	[sflag:s24] =	ssyncset.done $0x0  }
0xc5: {  	[sflag:s24] =	ssyncadd.s32 $0xFFFFC000  }
0xc6: {  	[tilespmem:s23], [sflag:$0x3] =	stream.linear.gather [spmem:s8], $0x4000, $0x38;
	[tilespmem:$0x1C200] =	vst v63  }
0xc7: {  	_ =	swait.ge [sflag:s24], $0x4000  }
0xc8: {  	[sflag:s24] =	ssyncset.done $0x0  }
0xc9: {  	s18 =	rddreg [dreg:$0xa];
	[sflag:s24] =	ssyncadd.s32 $0xFFFFC000  }
0xca: {  	[hbm4b:s18+s3] =	stream.linear.scatter [tilespmem:s23], [sflag:$0x3], $0x4000, $0x38;
	[tilespmem:$0x1C200] =	vst v63  }
0xcb: {  	_ =	swait.ge [sflag:s24], $0x4000  }
0xcc: {  	[sflag:s24] =	ssyncset.done $0x0  }
0xcd: {  	[sflag:s24] =	ssyncadd.s32 $0xFFFFC000  }
0xce: {  	[tilespmem:s23], [sflag:$0x3] =	stream.linear.gather [spmem:s9], $0x4000, $0x38;
	[tilespmem:$0x1C200] =	vst v63  }
0xcf: {  	_ =	swait.ge [sflag:s24], $0x4000  }
0xd0: {  	[sflag:s24] =	ssyncset.done $0x0  }
0xd1: {  	[sflag:s24] =	ssyncadd.s32 $0xFFFFC000  }
0xd2: {  	[hbm4b:s19+s3] =	stream.linear.scatter [tilespmem:s23], [sflag:$0x3], $0x4000, $0x38;
	[tilespmem:$0x1C200] =	vst v63  }
0xd3: {  	_ =	swait.ge [sflag:s24], $0x4000  }
0xd4: {  	[sflag:s24] =	ssyncset.done $0x0  }
0xd5: {  	[sflag:s24] =	ssyncadd.s32 $0xFFFFC000  }
0xd6: {  	[tilespmem:s23], [sflag:$0x3] =	stream.linear.gather [spmem:s10], $0x4000, $0x38;
	[tilespmem:$0x1C200] =	vst v63  }
0xd7: {  	s0 =	sadd.s32 $0x1, s0;
	_ =	swait.ge [sflag:s24], $0x4000  }
0xd8: {  	p0 =	sne.s32 s0, s21;
	[sflag:s24] =	ssyncset.done $0x0  }
.Ltmp2:
0xd9: {  	[sflag:s24] =	ssyncadd.s32 $0xFFFFC000;
	(pc) =	sbr.rel @p0 .LBB2_1-.Ltmp2, $4  }
0xda: {  	[hbm4b:s20+s3] =	stream.linear.scatter [tilespmem:s23], [sflag:$0x3], $0x4000, $0x38;
	[tilespmem:$0x1C200] =	vst v63  }
0xdb: {  	_ =	swait.ge [sflag:s24], $0x4000  }
0xdc: {  	[sflag:s24] =	ssyncset.done $0x0  }
0xdd: {  	[sflag:s24] =	ssyncadd.s32 $0xFFFFC000  }
0xde: {  	_ =	sfence.sel $0x180000  }
0xdf: {  	[bflag:$0x0] =	sbarrier.arrive $0xFFFF  }
0xe0: {  	_ =	strace $0x9000004D  }
0xe1: {  	s0 =	stileid.u32;
	[bflag:$0x2] =	sbarrier.arrive $0xFFFF  }
0xe2: {  	p0 =	sne.s32 s0, $0x0;
	s0 =	rddreg [dreg:$0x3]  }
0xe3: {  	s0 =	sadd.s32 @!p0 $0x100000, s0  }
0xe4: {  	[sflag:s0] =	ssyncadd.tile.s32 @!p0 $0x1;
	_ =	shalt  }
.Lfunc_end2:
_tile_overlayer_lowered:
.L_overlay_start_2:
0xe5: {  	(tag) =	ssettag $0x2  }
0xe6: {  	s0 =	rddreg [dreg:$0x0];
	s2 =	stileid.u32  }
0xe7: {  	s1 =	rddreg [dreg:$0x1];
	p0 =	sne.s32 s2, $0x0  }
0xe8: {  	s3 =	rddreg [dreg:$0x2];
	[bflag:$0x3] =	sbarrier.arrive $0xFFFF;
	s2 =	simm.s32 @!p0 $0x1C03  }
0xe9: {  	[timem:s3], [sflag:s2] =	dma.local @!p0 [hbm:s0], s1  }
0xea: {  	s0 =	simm.s32 @!p0 $0x3  }
0xeb: {  	_ =	swait.ge @!p0 [sflag:s0], s1  }
0xec: {  	s1 =	ssub.s32 @!p0 $0x0, s1;
	[sflag:s0] =	ssyncset.done @!p0 $0x0  }
0xed: {  	[sflag:s0] =	ssyncadd.s32 @!p0 s1  }
0xee: {  	[bflag:$0x3] =	sbarrier.arrive $0xFFFF  }
0xef: {  	_ =	shalt  }

// kernel: kernel.7.cloned.1.call-start
scs
__scs_entry_jumppad:
0x0: {  	(pc) =	sbr.rel $0x88, $3  }
0x1: {  	(tag) =	ssettag $0x0;
	lr =	simm.s32 $0x1  }
0x2: {  	[smem:$0x3F99] =	sst lr;
	_ =	strace $0xD0000000  }
0x3: {  	_ = 	snop  }
0x4: {  	_ = 	snop  }
0x5: {  	_ = 	snop  }
0x6: {  	_ = 	snop  }
0x7: {  	_ = 	snop  }
__scs_overlays_trampoline_lowered:
0x8: {  	[smem:$0x3FA8] =	sst s0  }
0x9: {  	[smem:$0x3FA9] =	sst s1  }
0xa: {  	[smem:$0x3FAA] =	sst s2  }
0xb: {  	[smem:$0x3FAB] =	sst s3  }
0xc: {  	[smem:$0x3FAC] =	sst s4  }
0xd: {  	[smem:$0x3FAD] =	sst s5  }
0xe: {  	[smem:$0x3FAE] =	sst s6  }
0xf: {  	[smem:$0x3FAF] =	sst s7  }
0x10: {  	[smem:$0x3FB0] =	sst s8  }
0x11: {  	[smem:$0x3FB1] =	sst s9;
	s0 =	simm.s32 @!p0 $0x0  }
0x12: {  	s1 =	sld [smem:$0x3F97];
	s0 =	simm.s32 @p0 $0x1  }
0x13: {  	[smem:$0x3FB2] =	sst s0;
	s0 =	simm.s32 @!p1 $0x0  }
0x14: {  	s2 =	sld [smem:$0x3F96];
	s0 =	simm.s32 @p1 $0x1  }
0x15: {  	[smem:$0x3FB3] =	sst s0;
	s0 =	simm.s32 @!p2 $0x0  }
0x16: {  	s3 =	sld [smem:$0x3FDB];
	s0 =	simm.s32 @p2 $0x1  }
0x17: {  	s4 =	simm.s32 $0x1BF5;
	[smem:$0x3FB5] =	sst s0  }
0x18: {  	s0 =	sld [smem:$0x3F98];
	_ =	swait.ge [sflag:s4], $0x0  }
0x19: {  	s7 =	sld [smem:$0x3F99]  }
0x1a: {  	s8 =	sadd.s32 $0xFFFFE003, lr  }
0x1b: {  	s9 =	sadd.s32 $0xFFFFFEF7, lr;
	s5 =	simm.s32 $0xFFFFFFFF;
	p2 =	slt.u32 s8, $0xFFFFF086  }
0x1c: {  	p1 =	slt.u32 s9, $0xF7A;
	s5 =	simm.s32 @!p2 $0x0  }
0x1d: {  	s5 =	simm.s32 @p1 $0x1;
	p0 =	seq.s32 s7, s2  }
0x1e: {  	s7 =	smul.u32 @!p0 $0xF7A, s2;
	p2 =	seq.s32 @!p0 s5, $0x0  }
0x1f: {  	s9 =	smul.u32 $0xF7A, s1;
	s8 =	simm.s32 @!p0 $0x1BF5;
	p2 =	por !p2, p0  }
0x20: {  	[sflag:s8] =	ssyncset.s32 @!p0 $0xFFFFF086;
	s6 =	sadd.s32 @!p0 s3, s7;
	s7 =	simm.s32 @!p0 $0x108  }
0x21: {  	s3 =	sadd.s32 s3, s9;
	s6 =	sadd.s32 @!p0 $0x88, s6;
	s7 =	simm.s32 @p2 $0x1082  }
0x22: {  	[simem:s7], [sflag:s8] =	dma.local @!p0 [hbm:s6], $0xF7A  }
0x23: {  	s9 =	sor.u32 $0xD0000000, s2;
	s6 =	simm.s32 $0x108;
	_ =	swait.ge @!p0 [sflag:s8], $0x0  }
0x24: {  	s3 =	sadd.s32 $0x88, s3;
	s6 =	simm.s32 @!p1 $0x1082;
	[sflag:s4] =	ssyncset.s32 $0xFFFFF086  }
0x25: {  	[simem:s6], [sflag:s4] =	dma.local [hbm:s3], $0xF7A  }
0x26: {  	[smem:$0x3F99] =	sst s1;
	(tag) =	ssettag s2;
	_ =	strace s9  }
0x27: {  	s1 =	sld [smem:$0x3FA9]  }
0x28: {  	s2 =	sld [smem:$0x3FAA]  }
0x29: {  	s4 =	sld [smem:$0x3FAC]  }
0x2a: {  	p0 =	seq.s32 s5, $0x0;
	s5 =	sld [smem:$0x3FAD]  }
0x2b: {  	s6 =	sld [smem:$0x3FAE]  }
0x2c: {  	s7 =	sld [smem:$0x3FAF]  }
0x2d: {  	s3 =	simm.s32 $0x108;
	s8 =	sld [smem:$0x3FB0]  }
0x2e: {  	s3 =	simm.s32 @!p0 $0x1082;
	s9 =	sld [smem:$0x3FB1]  }
0x2f: {  	lr =	sadd.s32 s0, s3;
	s0 =	sld [smem:$0x3FA8]  }
0x30: {  	s3 =	sld [smem:$0x3FAB]  }
0x31: {  	[smem:$0x3FB4] =	sst s10  }
0x32: {  	s10 =	sld [smem:$0x3FB2];
	_ =	sdelay $0x3  }
0x33: {  	p0 =	seq.s32 s10, $0x1;
	s10 =	sld [smem:$0x3FB4];
	_ =	sdelay $0x3  }
0x34: {  	[smem:$0x3FB4] =	sst s10  }
0x35: {  	s10 =	sld [smem:$0x3FB3];
	_ =	sdelay $0x3  }
0x36: {  	p1 =	seq.s32 s10, $0x1;
	s10 =	sld [smem:$0x3FB4];
	_ =	sdelay $0x3  }
0x37: {  	[smem:$0x3FB4] =	sst s10  }
0x38: {  	s10 =	sld [smem:$0x3FB5]  }
0x39: {  	_ = 	snop;
	(pc) =	sbr.ind lr, $3  }
0x3a: {  	_ = 	snop  }
0x3b: {  	_ = 	snop  }
0x3c: {  	p2 =	seq.s32 s10, $0x1;
	s10 =	sld [smem:$0x3FB4]  }
0x3d: {  	_ =	shalt  }
0x3e: {  	_ =	shalt  }
0x3f: {  	_ =	shalt  }
0x40: {  	_ =	shalt  }
0x41: {  	_ =	shalt  }
0x42: {  	_ =	shalt  }
0x43: {  	_ =	shalt  }
0x44: {  	_ =	shalt  }
0x45: {  	_ =	shalt  }
0x46: {  	_ =	shalt  }
0x47: {  	_ =	shalt  }
0x48: {  	_ =	shalt  }
0x49: {  	_ =	shalt  }
0x4a: {  	_ =	shalt  }
0x4b: {  	_ =	shalt  }
0x4c: {  	_ =	shalt  }
0x4d: {  	_ =	shalt  }
0x4e: {  	_ =	shalt  }
0x4f: {  	_ =	shalt  }
0x50: {  	_ =	shalt  }
0x51: {  	_ =	shalt  }
0x52: {  	_ =	shalt  }
0x53: {  	_ =	shalt  }
0x54: {  	_ =	shalt  }
0x55: {  	_ =	shalt  }
0x56: {  	_ =	shalt  }
0x57: {  	_ =	shalt  }
0x58: {  	_ =	shalt  }
0x59: {  	_ =	shalt  }
0x5a: {  	_ =	shalt  }
0x5b: {  	_ =	shalt  }
0x5c: {  	_ =	shalt  }
0x5d: {  	_ =	shalt  }
0x5e: {  	_ =	shalt  }
0x5f: {  	_ =	shalt  }
0x60: {  	_ =	shalt  }
0x61: {  	_ =	shalt  }
0x62: {  	_ =	shalt  }
0x63: {  	_ =	shalt  }
0x64: {  	_ =	shalt  }
0x65: {  	_ =	shalt  }
0x66: {  	_ =	shalt  }
0x67: {  	_ =	shalt  }
0x68: {  	_ =	shalt  }
0x69: {  	_ =	shalt  }
0x6a: {  	_ =	shalt  }
0x6b: {  	_ =	shalt  }
0x6c: {  	_ =	shalt  }
0x6d: {  	_ =	shalt  }
0x6e: {  	_ =	shalt  }
0x6f: {  	_ =	shalt  }
0x70: {  	_ =	shalt  }
0x71: {  	_ =	shalt  }
0x72: {  	_ =	shalt  }
0x73: {  	_ =	shalt  }
0x74: {  	_ =	shalt  }
0x75: {  	_ =	shalt  }
0x76: {  	_ =	shalt  }
0x77: {  	_ =	shalt  }
0x78: {  	_ =	shalt  }
0x79: {  	_ =	shalt  }
0x7a: {  	_ =	shalt  }
0x7b: {  	_ =	shalt  }
0x7c: {  	_ =	shalt  }
0x7d: {  	_ =	shalt  }
0x7e: {  	_ =	shalt  }
0x7f: {  	_ =	shalt  }
0x80: {  	_ =	shalt  }
0x81: {  	_ =	shalt  }
0x82: {  	_ =	shalt  }
0x83: {  	_ =	shalt  }
0x84: {  	_ =	shalt  }
0x85: {  	_ =	shalt  }
0x86: {  	_ =	shalt  }
0x87: {  	_ =	shalt  }
.Lfunc_end0:
.L_simem_size_0:
called_computation_lowered:
.L_overlay_start_0:
0x88: {  	s2 =	sld [smem:$0x3FD9]  }
0x89: {  	s3 =	sld [smem:$0x3FFE];
	_ =	sdelay $0x1  }
0x8a: {  	s1 =	srdreg.scid  }
0x8b: {  	s0 =	sand.u32 $0x1, s1  }
0x8c: {  	s17 =	sshll.u32 s0, $0xA;
	s2 =	sadd.s32 s3, s2  }
0x8d: {  	s2 =	sadd.s32 s2, s17  }
0x8e: {  	[smem:$0x3FC0] =	sst s2  }
0x8f: {  	_ = 	snop  }
0x90: {  	s18 =	sld [smem:$0x3FD0];
	(tm) =	ssettm $0x1  }
0x91: {  	s19 =	sld [smem:$0x3FFB];
	_ =	sdelay $0x3  }
0x92: {  	_ =	strace s19  }
0x93: {  	s2 =	sld [smem:$0x3FFC];
	_ =	sdelay $0x3  }
0x94: {  	_ =	strace s2  }
0x95: {  	s2 =	sld [smem:$0x3FFD];
	_ =	sdelay $0x3  }
0x96: {  	_ =	strace s2  }
0x97: {  	_ =	strace $0x8FFFFFFF  }
0x98: {  	s20 =	sld [smem:$0x3FDB];
	_ =	sdelay $0x1  }
0x99: {  	s4 =	simm.s32 $_scs_section_size  }
0x9a: {  	s5 =	simm.s32 $_size__tile_overlayer_lowered;
	s6 =	simm.s32 $_tile_overlayer_lowered  }
0x9b: {  	s7 =	simm.s32 $0x1BFF;
	s21 =	sshll.u32 s6, $0x1;
	s4 =	sadd.s32 s4, s20  }
0x9c: {  	s22 =	simm.s32 $0x0;
	s5 =	sshll.u32 s5, $0x1;
	s6 =	sadd.s32 s21, s4  }
0x9d: {  	[timem:s22], [sflag:s7] =	dma.local [hbm:s6], s5  }
0x9e: {  	_ =	swait.ge [sflag:s7], s5  }
0x9f: {  	s5 =	ssub.s32 $0x0, s5;
	[sflag:s7] =	ssyncset.done $0x0  }
0xa0: {  	[sflag:s7] =	ssyncadd.s32 s5;
	_ =	sdelay $0x1  }
0xa1: {  	s23 =	simm.s32 $0x1B8B  }
0xa2: {  	_ =	swait.ge [sflag:s23], $0x1  }
0xa3: {  	[sflag:s23] =	ssyncset.done $0x0  }
0xa4: {  	[sflag:s23] =	ssyncadd.s32 $0xFFFFFFFF  }
0xa5: {  	s5 =	sld [smem:$0x0]  }
0xa6: {  	s6 =	sand.u32 $0xFFFFFFFE, s1  }
0xa7: {  	p0 =	sne.s32 s1, s6  }
0xa8: {  	s6 =	sshll.u32 @p0 s6, $0xE  }
0xa9: {  	s6 =	sadd.s32 @p0 $0x11B8D, s6;
	s7 =	sshll.u32 @p0 s5, $0x11  }
0xaa: {  	s6 =	sor.u32 @p0 s7, s6  }
0xab: {  	[sflag:s6] =	ssyncadd.remote.s32 @p0 $0x1;
	_ =	sdelay $0x1  }
0xac: {  	s6 =	simm.s32 @p0 $0x1B8D  }
0xad: {  	_ =	swait.eq @p0 [sflag:s6], $0x1  }
0xae: {  	[sflag:s6] =	ssyncadd.s32 @p0 $0xFFFFFFFF  }
0xaf: {  	s7 =	sshll.u32 @!p0 s1, $0xE  }
0xb0: {  	s7 =	sor.u32 @!p0 $0x4000, s7;
	s6 =	simm.s32 @!p0 $0x1B8D  }
0xb1: {  	s5 =	sshll.u32 @!p0 s5, $0x11;
	s7 =	sadd.s32 @!p0 $0x11B8D, s7;
	_ =	swait.eq @!p0 [sflag:s6], $0x1  }
0xb2: {  	s5 =	sor.u32 @!p0 s5, s7;
	[sflag:s6] =	ssyncadd.s32 @!p0 $0xFFFFFFFF  }
0xb3: {  	s25 =	simm.s32 $0x1B8E;
	s24 =	sld [smem:$0x3FFE];
	[sflag:s5] =	ssyncadd.remote.s32 @!p0 $0x1  }
0xb4: {  	s26 =	simm.s32 $execute0_lowered;
	[smem:$0x3FD2] =	sst s25  }
0xb5: {  	s6 =	sshll.u32 s26, $0x1;
	_ =	strace $0x80000049;
	[dreg:$0x1] =	wrdreg $0xFFFFFFFF  }
0xb6: {  	s28 =	simm.s32 $_size_execute0_lowered;
	s4 =	sadd.s32 s4, s6;
	[dreg:$0x0] =	wrdreg $0x0  }
0xb7: {  	s6 =	sshll.u32 s28, $0x1;
	[dreg:$0x2] =	wrdreg s4  }
0xb8: {  	[dreg:$0x3] =	wrdreg s6  }
0xb9: {  	[dreg:$0x4] =	wrdreg $0xC0  }
0xba: {  	_ =	task [dreg:s22], $0x5FFFF  }
0xbb: {  	[dreg:$0x1] =	wrdreg $0xFFFFFFFF  }
0xbc: {  	[dreg:$0x0] =	wrdreg $0x60  }
0xbd: {  	[dreg:$0x2] =	wrdreg s24  }
0xbe: {  	[dreg:$0x3] =	wrdreg s18  }
0xbf: {  	[dreg:$0x4] =	wrdreg $0x80800  }
0xc0: {  	[dreg:$0x5] =	wrdreg $0x9  }
0xc1: {  	_ =	task.clear_ibuf [dreg:s22], $0x6FFFF;
	_ =	strace $0x90000049  }
0xc2: {  	s29 =	simm.s32 $0x9;
	_ =	strace $0x8000004B  }
0xc3: {  	_ =	swait.ge [sflag:s29], $0x1  }
0xc4: {  	[sflag:s29] =	ssyncadd.s32 $0xFFFFFFFF  }
0xc5: {  	_ =	strace $0x9000004B  }
0xc6: {  	_ =	sfence  }
0xc7: {  	s30 =	sld [smem:$0x0];
	_ =	sdelay $0x2  }
0xc8: {  	s31 =	sshll.u32 s1, $0xD;
	s1 =	sshrl.u32 s1, $0x2  }
0xc9: {  	s4 =	sand.u32 $0x4000, s31;
	s1 =	sadd.s32 s1, s30  }
0xca: {  	s0 =	sor.u32 s4, s0;
	s1 =	sshll.u32 s1, $0x11  }
0xcb: {  	s0 =	sor.u32 s1, s0  }
0xcc: {  	s0 =	sadd.s32 $0x8F2B, s0  }
0xcd: {  	[sflag:s0] =	ssyncadd.remote.s32 $0x1  }
0xce: {  	_ =	sfence.sel $0xFFFF  }
0xcf: {  	[dreg:$0x0] =	wrdreg $0xFFFFFFFF;
	(pc) =	sbr.abs _section_cstart, $3  }
0xd0: {  	[dreg:$0x1] =	wrdreg $0xFFFFFFFF  }
0xd1: {  	_ =	task.clear_ibuf [dreg:s22], $0x2FFFF;
	_ =	strace $0x9FFFFFFF  }
0xd2: {  	(tm) =	ssettm $0x7FFFFFFF  }
0xd3: {  	_ =	shalt  }
tec
execute0_lowered:
.L_overlay_start_1:
0x0: {  	(tag) =	ssettag $0x1  }
0x1: {  	s6 =	rddreg [dreg:$0x0]  }
0x2: {  	s1 =	rddreg [dreg:$0x1]  }
0x3: {  	s2 =	rddreg [dreg:$0x2];
	s3 =	srdreg.scid  }
0x4: {  	s0 =	rddreg [dreg:$0x3];
	s8 =	sand.u32 $0x1, s3  }
0x5: {  	s3 =	stileid.u32;
	s5 =	smul.u32 $0x5000, s8  }
0x6: {  	s4 =	simm.s32 $0x0;
	s20 =	simm.s32 $0x4080;
	s7 =	smul.u32 $0x50000, s3  }
0x7: {  	s21 =	simm.s32 $0x0;
	[smem:$0x7FF] =	sst s4;
	s11 =	smul.u32 $0x14000, s3  }
0x8: {  	s15 =	sadd.s32 $0x66800, s6;
	s29 =	ssub.s32 $0x2, s8;
	s18 =	smul.u32 $0x140000, s8  }
0x9: {  	_ =	strace $0x8000004A;
	s30 =	smul.u32 $0x500, s3;
	s9 =	sshrl.u32 s29, $0x1  }
0xa: {  	s16 =	sadd.s32 s5, s6;
	s5 =	sadd.s32 $0x16000, s6;
	s7 =	sshrl.u32 s7, $0x2  }
0xb: {  	s12 =	sadd.s32 $0x4000, s11;
	s17 =	ssub.s32 s29, s9;
	s13 =	sadd.s32 $0x8000, s11  }
0xc: {  	s14 =	sadd.s32 $0xC000, s11;
	s19 =	sadd.s32 $0x10000, s11;
	s11 =	sadd.s32 s11, s18  }
0xd: {  	s6 =	sadd.s32 s7, s2;
	s7 =	sadd.s32 s12, s2;
	s8 =	sadd.s32 s13, s2  }
0xe: {  	s9 =	sadd.s32 s14, s2;
	s10 =	sadd.s32 s19, s2;
	s12 =	sadd.s32 s18, s12  }
0xf: {  	s11 =	sshrl.u32 s11, $0x3;
	s13 =	sadd.s32 s18, s13;
	s14 =	sadd.s32 s18, s14  }
0x10: {  	s18 =	sadd.s32 s18, s19;
	s31 =	sadd.s32 s30, s16;
	s16 =	smax.u32 s17, $0x1  }
0x11: {  	s19 =	simm.s32 $0x1;
	s12 =	sshrl.u32 s12, $0x3;
	s11 =	sadd.s32 s15, s11  }
0x12: {  	s13 =	sshrl.u32 s13, $0x3;
	s14 =	sshrl.u32 s14, $0x3;
	s18 =	sshrl.u32 s18, $0x3  }
0x13: {  	s17 =	sadd.s32 $0x2000, s31;
	s12 =	sadd.s32 s15, s12;
	s13 =	sadd.s32 s15, s13  }
0x14: {  	s14 =	sadd.s32 s15, s14;
	s15 =	sadd.s32 s15, s18;
	s18 =	simm.s32 $0x80  }
.LBB2_1:
0x15: {  	[tilespmem:s18], [sflag:$0x1] =	stream.linear.gather [hbm4b:s1+s4], $0x4000, $0x38;
	[tilespmem:$0x1C080] =	vst v63  }
0x16: {  	_ =	swait.ge [sflag:s19], $0x4000  }
0x17: {  	[sflag:s19] =	ssyncset.done $0x0  }
0x18: {  	[sflag:s19] =	ssyncadd.s32 $0xFFFFC000  }
0x19: {  	[tilespmem:s20], [sflag:$0x1] =	stream.linear.gather [hbm4b:s5+s4], $0x4000, $0x38;
	[tilespmem:$0x1C080] =	vst v63  }
0x1a: {  	_ =	swait.ge [sflag:s19], $0x4000  }
0x1b: {  	[sflag:s19] =	ssyncset.done $0x0  }
0x1c: {  	[sflag:s19] =	ssyncadd.s32 $0xFFFFC000  }
0x1d: {  	[spmem:s6] =	stream.linear.scatter [tilespmem:s20], [sflag:$0x1], $0x4000, $0x38;
	[tilespmem:$0x1C080] =	vst v63  }
0x1e: {  	_ =	swait.ge [sflag:s19], $0x4000  }
0x1f: {  	[sflag:s19] =	ssyncset.done $0x0  }
0x20: {  	[sflag:s19] =	ssyncadd.s32 $0xFFFFC000  }
0x21: {  	[spmem:s7] =	stream.linear.scatter [tilespmem:s20], [sflag:$0x1], $0x4000, $0x38;
	[tilespmem:$0x1C080] =	vst v63  }
0x22: {  	_ =	swait.ge [sflag:s19], $0x4000  }
0x23: {  	[sflag:s19] =	ssyncset.done $0x0  }
0x24: {  	[sflag:s19] =	ssyncadd.s32 $0xFFFFC000  }
0x25: {  	[spmem:s8] =	stream.linear.scatter [tilespmem:s20], [sflag:$0x1], $0x4000, $0x38;
	[tilespmem:$0x1C080] =	vst v63  }
0x26: {  	_ =	swait.ge [sflag:s19], $0x4000  }
0x27: {  	[sflag:s19] =	ssyncset.done $0x0  }
0x28: {  	[sflag:s19] =	ssyncadd.s32 $0xFFFFC000  }
0x29: {  	[spmem:s9] =	stream.linear.scatter [tilespmem:s20], [sflag:$0x1], $0x4000, $0x38;
	[tilespmem:$0x1C080] =	vst v63  }
0x2a: {  	_ =	swait.ge [sflag:s19], $0x4000  }
0x2b: {  	[sflag:s19] =	ssyncset.done $0x0  }
0x2c: {  	[sflag:s19] =	ssyncadd.s32 $0xFFFFC000  }
0x2d: {  	[spmem:s10] =	stream.linear.scatter [tilespmem:s20], [sflag:$0x1], $0x4000, $0x38;
	[tilespmem:$0x1C080] =	vst v63  }
0x2e: {  	_ =	swait.ge [sflag:s19], $0x4000  }
0x2f: {  	[sflag:s19] =	ssyncset.done $0x0  }
0x30: {  	[sflag:s19] =	ssyncadd.s32 $0xFFFFC000  }
0x31: {  	s22 =	sadd.s32 $0x0, s17;
	[bflag:$0x0] =	sbarrier.arrive $0xFFFF  }
0x32: {  	[tilespmem:s4], [sflag:$0x1] =	stream.linear.gather [hbm4b:s22+s4], $0x80, $0x38;
	[tilespmem:$0x1C080] =	vst v63  }
0x33: {  	_ =	swait.ge [sflag:s19], $0x80  }
0x34: {  	[sflag:s19] =	ssyncset.done $0x0  }
0x35: {  	[sflag:s19] =	ssyncadd.s32 $0xFFFFFF80  }
0x36: {  	[spmem:s2] =	stream.indirect.scatter.add.f32 [tilespmem:s18], [sflag:$0x1], $0x80, s4, s18, $0xb8;
	[tilespmem:$0x1C080] =	vst v63  }
0x37: {  	_ =	swait.ge [sflag:s19], $0x4000  }
0x38: {  	s23 =	simm.s32 $0x20;
	s22 =	simm.s32 $0x10;
	[sflag:s19] =	ssyncset.done $0x0  }
.LBB2_2:
0x39: {  	s24 =	sadd.s32 s22, s17  }
0x3a: {  	[sflag:s19] =	ssyncadd.s32 $0xFFFFC000;
	s22 =	smov.u32 s23;
	s25 =	sadd.s32 $0x10, s23  }
0x3b: {  	[tilespmem:s4], [sflag:$0x1] =	stream.linear.gather [hbm4b:s24+s4], $0x80, $0x38;
	[tilespmem:$0x1C080] =	vst v63  }
0x3c: {  	p0 =	sne.s32 s23, $0x4F0;
	_ =	swait.ge [sflag:s19], $0x80  }
.Ltmp0:
0x3d: {  	[sflag:s19] =	ssyncset.done $0x0;
	(pc) =	sbr.rel @p0 .LBB2_2-.Ltmp0, $4  }
0x3e: {  	[sflag:s19] =	ssyncadd.s32 $0xFFFFFF80  }
0x3f: {  	[spmem:s2] =	stream.indirect.scatter.add.f32 [tilespmem:s18], [sflag:$0x1], $0x80, s4, s18, $0xb8;
	[tilespmem:$0x1C080] =	vst v63  }
0x40: {  	_ =	swait.ge [sflag:s19], $0x4000  }
0x41: {  	s23 =	smov.u32 s25;
	[sflag:s19] =	ssyncset.done $0x0  }
0x42: {  	s22 =	sadd.s32 s22, s17;
	[sflag:s19] =	ssyncadd.s32 $0xFFFFC000  }
0x43: {  	[tilespmem:s4], [sflag:$0x1] =	stream.linear.gather [hbm4b:s22+s4], $0x80, $0x38;
	[tilespmem:$0x1C080] =	vst v63  }
0x44: {  	_ =	swait.ge [sflag:s19], $0x80  }
0x45: {  	[sflag:s19] =	ssyncset.done $0x0  }
0x46: {  	[sflag:s19] =	ssyncadd.s32 $0xFFFFFF80  }
0x47: {  	[spmem:s2] =	stream.indirect.scatter.add.f32 [tilespmem:s18], [sflag:$0x1], $0x80, s4, s18, $0xb8;
	[tilespmem:$0x1C080] =	vst v63  }
0x48: {  	_ =	swait.ge [sflag:s19], $0x4000  }
0x49: {  	[sflag:s19] =	ssyncset.done $0x0  }
0x4a: {  	[sflag:s19] =	ssyncadd.s32 $0xFFFFC000  }
0x4b: {  	[bflag:$0x0] =	sbarrier.arrive $0xFFFF  }
0x4c: {  	[tilespmem:s20], [sflag:$0x1] =	stream.linear.gather [spmem:s6], $0x4000, $0x38;
	[tilespmem:$0x1C080] =	vst v63  }
0x4d: {  	_ =	swait.ge [sflag:s19], $0x4000  }
0x4e: {  	[sflag:s19] =	ssyncset.done $0x0  }
0x4f: {  	[sflag:s19] =	ssyncadd.s32 $0xFFFFC000  }
0x50: {  	[hbm4b:s11+s4] =	stream.linear.scatter [tilespmem:s20], [sflag:$0x1], $0x4000, $0x38;
	[tilespmem:$0x1C080] =	vst v63  }
0x51: {  	_ =	swait.ge [sflag:s19], $0x4000  }
0x52: {  	[sflag:s19] =	ssyncset.done $0x0  }
0x53: {  	[sflag:s19] =	ssyncadd.s32 $0xFFFFC000  }
0x54: {  	[tilespmem:s20], [sflag:$0x1] =	stream.linear.gather [spmem:s7], $0x4000, $0x38;
	[tilespmem:$0x1C080] =	vst v63  }
0x55: {  	_ =	swait.ge [sflag:s19], $0x4000  }
0x56: {  	[sflag:s19] =	ssyncset.done $0x0  }
0x57: {  	[sflag:s19] =	ssyncadd.s32 $0xFFFFC000  }
0x58: {  	[hbm4b:s12+s4] =	stream.linear.scatter [tilespmem:s20], [sflag:$0x1], $0x4000, $0x38;
	[tilespmem:$0x1C080] =	vst v63  }
0x59: {  	_ =	swait.ge [sflag:s19], $0x4000  }
0x5a: {  	[sflag:s19] =	ssyncset.done $0x0  }
0x5b: {  	[sflag:s19] =	ssyncadd.s32 $0xFFFFC000  }
0x5c: {  	[tilespmem:s20], [sflag:$0x1] =	stream.linear.gather [spmem:s8], $0x4000, $0x38;
	[tilespmem:$0x1C080] =	vst v63  }
0x5d: {  	_ =	swait.ge [sflag:s19], $0x4000  }
0x5e: {  	[sflag:s19] =	ssyncset.done $0x0  }
0x5f: {  	[sflag:s19] =	ssyncadd.s32 $0xFFFFC000  }
0x60: {  	[hbm4b:s13+s4] =	stream.linear.scatter [tilespmem:s20], [sflag:$0x1], $0x4000, $0x38;
	[tilespmem:$0x1C080] =	vst v63  }
0x61: {  	_ =	swait.ge [sflag:s19], $0x4000  }
0x62: {  	[sflag:s19] =	ssyncset.done $0x0  }
0x63: {  	[sflag:s19] =	ssyncadd.s32 $0xFFFFC000  }
0x64: {  	[tilespmem:s20], [sflag:$0x1] =	stream.linear.gather [spmem:s9], $0x4000, $0x38;
	[tilespmem:$0x1C080] =	vst v63  }
0x65: {  	_ =	swait.ge [sflag:s19], $0x4000  }
0x66: {  	[sflag:s19] =	ssyncset.done $0x0  }
0x67: {  	[sflag:s19] =	ssyncadd.s32 $0xFFFFC000  }
0x68: {  	[hbm4b:s14+s4] =	stream.linear.scatter [tilespmem:s20], [sflag:$0x1], $0x4000, $0x38;
	[tilespmem:$0x1C080] =	vst v63  }
0x69: {  	_ =	swait.ge [sflag:s19], $0x4000  }
0x6a: {  	[sflag:s19] =	ssyncset.done $0x0  }
0x6b: {  	[sflag:s19] =	ssyncadd.s32 $0xFFFFC000  }
0x6c: {  	[tilespmem:s20], [sflag:$0x1] =	stream.linear.gather [spmem:s10], $0x4000, $0x38;
	[tilespmem:$0x1C080] =	vst v63  }
0x6d: {  	s21 =	sadd.s32 $0x1, s21;
	_ =	swait.ge [sflag:s19], $0x4000  }
0x6e: {  	p0 =	sne.s32 s21, s16;
	[sflag:s19] =	ssyncset.done $0x0  }
.Ltmp1:
0x6f: {  	[sflag:s19] =	ssyncadd.s32 $0xFFFFC000;
	(pc) =	sbr.rel @p0 .LBB2_1-.Ltmp1, $4  }
0x70: {  	[hbm4b:s15+s4] =	stream.linear.scatter [tilespmem:s20], [sflag:$0x1], $0x4000, $0x38;
	[tilespmem:$0x1C080] =	vst v63  }
0x71: {  	_ =	swait.ge [sflag:s19], $0x4000  }
0x72: {  	[sflag:s19] =	ssyncset.done $0x0  }
0x73: {  	[sflag:s19] =	ssyncadd.s32 $0xFFFFC000  }
0x74: {  	_ =	sfence.sel $0x180000  }
0x75: {  	[bflag:$0x0] =	sbarrier.arrive $0xFFFF  }
0x76: {  	p0 =	sne.s32 s3, $0x0;
	_ =	strace $0x9000004A  }
0x77: {  	s0 =	sadd.s32 @!p0 $0x100000, s0;
	[bflag:$0x2] =	sbarrier.arrive $0xFFFF  }
0x78: {  	[sflag:s0] =	ssyncadd.tile.s32 @!p0 $0x1;
	_ =	shalt  }
.Lfunc_end2:
_tile_overlayer_lowered:
.L_overlay_start_2:
0x79: {  	(tag) =	ssettag $0x2  }
0x7a: {  	s0 =	rddreg [dreg:$0x0];
	s2 =	stileid.u32  }
0x7b: {  	s1 =	rddreg [dreg:$0x1];
	p0 =	sne.s32 s2, $0x0  }
0x7c: {  	s3 =	rddreg [dreg:$0x2];
	[bflag:$0x3] =	sbarrier.arrive $0xFFFF;
	s2 =	simm.s32 @!p0 $0x1C01  }
0x7d: {  	[timem:s3], [sflag:s2] =	dma.local @!p0 [hbm:s0], s1  }
0x7e: {  	s0 =	simm.s32 @!p0 $0x1  }
0x7f: {  	_ =	swait.ge @!p0 [sflag:s0], s1  }
0x80: {  	s1 =	ssub.s32 @!p0 $0x0, s1;
	[sflag:s0] =	ssyncset.done @!p0 $0x0  }
0x81: {  	[sflag:s0] =	ssyncadd.s32 @!p0 s1  }
0x82: {  	[bflag:$0x3] =	sbarrier.arrive $0xFFFF  }
0x83: {  	_ =	shalt  }

</sc_bundles>
